<compile_context>
chip_gen: v7x
topology: tpu7x:2x2x1
jax: 0.10.2.dev20260603
libtpu: 0.0.44.dev20260713+nightly
codegen_flags: <defaults>
</compile_context>

<pallas_src>
import jax
import jax.numpy as jnp
from jax import lax
from jax.experimental import pallas as pl
from jax.experimental.pallas import tpu as pltpu
from jax.experimental.pallas import tpu_sc as plsc

NC, NS, L = 2, 16, 16
NUM_NODES = 10000
NUM_EDGES = 320000
D = 128
PAD_NODES = 10240
E_PER_TILE = NUM_EDGES // NS
C_PER_TILE = 320
CHUNK = 80
NCHUNK = C_PER_TILE // CHUNK
MAX_DEG = 511
B_PER_TILE = PAD_NODES // NS

_mesh = plsc.VectorSubcoreMesh(core_axis_name="c", subcore_axis_name="s")
_params = pltpu.CompilerParams(
    use_tc_tiling_on_sc=False,
    needs_layout_passes=False,
)


def _degree_body(src, dst, din, dout, edge_v, hist_v, part_v, hist_sh, sem):
    c = lax.axis_index("c")
    s = lax.axis_index("s")
    zero16 = jnp.zeros((L,), jnp.int32)
    ones = jnp.full((L,), 1, jnp.int32)

    def load_zero_hist(edge_ref):
        cp = pltpu.async_copy(
            edge_ref.at[pl.ds(s * E_PER_TILE, E_PER_TILE)], edge_v, sem)

        @plsc.parallel_loop(0, PAD_NODES // L, unroll=8)
        def _(i):
            hist_v[pl.ds(i * L, L)] = zero16

        cp.wait()

    @pl.when(c == 0)
    def _():
        load_zero_hist(dst)

    @pl.when(c == 1)
    def _():
        load_zero_hist(src)

    @plsc.parallel_loop(0, E_PER_TILE // L, unroll=4)
    def _(i):
        idx = edge_v[pl.ds(i * L, L)]
        plsc.addupdate_scatter(hist_v, [idx], ones)

    pltpu.sync_copy(hist_v, hist_sh.at[s])
    plsc.subcore_barrier()
    pltpu.sync_copy(hist_sh.at[:, pl.ds(s * B_PER_TILE, B_PER_TILE)], part_v)

    @plsc.parallel_loop(0, B_PER_TILE // L, unroll=2)
    def _(j):
        sl = pl.ds(j * L, L)
        acc = part_v[0, sl]
        for r in range(1, NS):
            acc = acc + part_v[r, sl]
        hist_v[sl] = acc

    @pl.when(c == 0)
    def _():
        pltpu.sync_copy(hist_v.at[pl.ds(0, B_PER_TILE)],
                        din.at[pl.ds(s * B_PER_TILE, B_PER_TILE)])

    @pl.when(c == 1)
    def _():
        pltpu.sync_copy(hist_v.at[pl.ds(0, B_PER_TILE)],
                        dout.at[pl.ds(s * B_PER_TILE, B_PER_TILE)])


_degree_call = pl.kernel(
    _degree_body,
    out_type=(
        jax.ShapeDtypeStruct((PAD_NODES,), jnp.int32),
        jax.ShapeDtypeStruct((PAD_NODES,), jnp.int32),
    ),
    mesh=_mesh,
    compiler_params=_params,
    scratch_types=[
        pltpu.VMEM((E_PER_TILE,), jnp.int32),
        pltpu.VMEM((PAD_NODES,), jnp.int32),
        pltpu.VMEM((NS, B_PER_TILE), jnp.int32),
        pltpu.VMEM_SHARED((NS, PAD_NODES), jnp.int32),
        pltpu.SemaphoreType.DMA,
    ],
)


def _encode_body(x, din, dout, z_in, z_out, out,
                 din_v, dout_v, x_v, zi_v, zo_v, semd, semg, semo):
    c = lax.axis_index("c")
    s = lax.axis_index("s")
    wid = s * NC + c
    base = jnp.minimum(wid * C_PER_TILE, NUM_NODES - C_PER_TILE)

    def deg_start(k):
        b = k & 1
        cb = base + k * CHUNK
        return (
            pltpu.async_copy(din.at[pl.ds(cb, CHUNK)], din_v.at[b], semd),
            pltpu.async_copy(dout.at[pl.ds(cb, CHUNK)], dout_v.at[b], semd),
            pltpu.async_copy(x.at[pl.ds(cb, CHUNK)], x_v.at[b], semd),
        )

    def gather_start(k, cps):
        b = k & 1
        for cp in cps:
            cp.wait()
        dib = din_v.at[b]
        dob = dout_v.at[b]
        for j in range(CHUNK // L):
            sl = pl.ds(j * L, L)
            dib[sl] = jnp.minimum(dib[sl], MAX_DEG)
            dob[sl] = jnp.minimum(dob[sl], MAX_DEG)
        return (
            pltpu.async_copy(z_in.at[dib], zi_v.at[b], semg),
            pltpu.async_copy(z_out.at[dob], zo_v.at[b], semg),
        )

    def add_store(k, cps):
        b = k & 1
        for cp in cps:
            cp.wait()
        zib = zi_v.at[b]
        zob = zo_v.at[b]
        xb = x_v.at[b]

        @plsc.parallel_loop(0, CHUNK * (D // L), unroll=4)
        def _(kk):
            r = kk >> 3
            cc = (kk & 7) * L
            v = zib[r, pl.ds(cc, L)] + zob[r, pl.ds(cc, L)]
            plsc.addupdate(xb.at[r, pl.ds(cc, L)], v)

        cb = base + k * CHUNK
        return pltpu.async_copy(xb, out.at[pl.ds(cb, CHUNK)], semo)

    d = {0: deg_start(0)}
    g = {0: gather_start(0, d[0])}
    d[1] = deg_start(1)
    o = {0: add_store(0, g[0])}
    g[1] = gather_start(1, d[1])
    o[0].wait()
    d[2] = deg_start(2)
    o[1] = add_store(1, g[1])
    g[2] = gather_start(2, d[2])
    o[1].wait()
    d[3] = deg_start(3)
    o[2] = add_store(2, g[2])
    g[3] = gather_start(3, d[3])
    o[3] = add_store(3, g[3])
    o[2].wait()
    o[3].wait()


_encode_call = pl.kernel(
    _encode_body,
    out_type=jax.ShapeDtypeStruct((NUM_NODES, D), jnp.float32),
    mesh=_mesh,
    compiler_params=_params,
    scratch_types=[
        pltpu.VMEM((2, CHUNK), jnp.int32),
        pltpu.VMEM((2, CHUNK), jnp.int32),
        pltpu.VMEM((2, CHUNK, D), jnp.float32),
        pltpu.VMEM((2, CHUNK, D), jnp.float32),
        pltpu.VMEM((2, CHUNK, D), jnp.float32),
        pltpu.SemaphoreType.DMA,
        pltpu.SemaphoreType.DMA,
        pltpu.SemaphoreType.DMA,
    ],
)


def kernel(x, edge_index, z_in, z_out):
    ei = edge_index.astype(jnp.int32)
    din, dout = _degree_call(ei[0], ei[1])
    return _encode_call(x, din, dout, z_in, z_out)

# --- scband reference (transcript-rebuilt; emitter-appended) ---
"""Pipeline reference for scband-centrality-encoding-13855564497050 (READ-ONLY COPY).

The authoritative reference and input builder live on the scoring server;
editing this copy changes nothing except your own understanding.
"""

import jax, jax.numpy as jnp
import numpy as np

MAX_IN_DEGREE = 512
MAX_OUT_DEGREE = 512
HIDDEN_NODE_DIM = 128
NUM_NODES = 10000
NUM_EDGES = 320000


def setup_inputs(seed: int = 0) -> dict:
    key = jax.random.key(seed)
    k1, k2, k3, k4 = jax.random.split(key, 4)
    x = jax.random.normal(k1, (NUM_NODES, HIDDEN_NODE_DIM), dtype=jnp.float32)
    edge_index = jax.random.randint(k2, (2, NUM_EDGES), 0, NUM_NODES, dtype=jnp.int64)
    z_in = jax.random.normal(k3, (MAX_IN_DEGREE, HIDDEN_NODE_DIM), dtype=jnp.float32)
    z_out = jax.random.normal(k4, (MAX_OUT_DEGREE, HIDDEN_NODE_DIM), dtype=jnp.float32)
    return {"x": x, "edge_index": edge_index, "z_in": z_in, "z_out": z_out}


def reference(x, edge_index, z_in, z_out):
    num_nodes = x.shape[0]
    # degree(index=edge_index[1], num_nodes): count occurrences of each node as dst
    in_degree = jnp.bincount(edge_index[1], length=num_nodes).astype(jnp.int64)
    out_degree = jnp.bincount(edge_index[0], length=num_nodes).astype(jnp.int64)
    # decrease_to_max_value: clamp to max_degree - 1
    in_degree = jnp.minimum(in_degree, z_in.shape[0] - 1)
    out_degree = jnp.minimum(out_degree, z_out.shape[0] - 1)
    # centrality encoding: gather from degree embedding tables and add to node features
    out = x + z_in[in_degree] + z_out[out_degree]
    return out

if __name__ == "__main__":
    import jax
    _d = setup_inputs()
    print(jax.jit(kernel)(*tuple(_d.values())))

</pallas_src>

<mosaic_0001>
#map = affine_map<(d0, d1) -> (0, 0)>
#map1 = affine_map<(d0, d1) -> (0)>
module attributes {stable_mosaic.version = 14 : i64} {
  func.func @_encode_body(%arg0: i32, %arg1: i32, %arg2: memref<10000x128xf32, #tpu.memory_space<hbm>>, %arg3: memref<10240xi32, #tpu.memory_space<hbm>>, %arg4: memref<10240xi32, #tpu.memory_space<hbm>>, %arg5: memref<512x128xf32, #tpu.memory_space<hbm>>, %arg6: memref<512x128xf32, #tpu.memory_space<hbm>>, %arg7: memref<10000x128xf32, #tpu.memory_space<hbm>>, %arg8: memref<2x80xi32, #tpu.memory_space<vmem>>, %arg9: memref<2x80xi32, #tpu.memory_space<vmem>>, %arg10: memref<2x80x128xf32, #tpu.memory_space<vmem>>, %arg11: memref<2x80x128xf32, #tpu.memory_space<vmem>>, %arg12: memref<2x80x128xf32, #tpu.memory_space<vmem>>, %arg13: memref<!tpu.dma_semaphore, #tpu.memory_space<semaphore_mem>>, %arg14: memref<!tpu.dma_semaphore, #tpu.memory_space<semaphore_mem>>, %arg15: memref<!tpu.dma_semaphore, #tpu.memory_space<semaphore_mem>>) attributes {dimension_semantics = [#tpu.dimension_semantics<core_parallel>, #tpu.dimension_semantics<subcore_parallel>], iteration_bounds = array<i64: 2, 16>, scalar_prefetch = 0 : i64, scratch_operands = 8 : i64, tpu.core_type = #tpu.core_type<sc_vector_subcore>, window_params = [{transform_indices = #map}, {transform_indices = #map1}, {transform_indices = #map1}, {transform_indices = #map}, {transform_indices = #map}, {transform_indices = #map}]} {
    %mul3A = arith.constant 2 : i32
    %mul3A_0 = arith.muli %arg1, %mul3A : i32
    %add3A = arith.addi %mul3A_0, %arg0 : i32
    %mul3A_1 = arith.constant 320 : i32
    %mul3A_2 = arith.muli %add3A, %mul3A_1 : i32
    %min3A = arith.constant 9680 : i32
    %min3A_3 = arith.minsi %mul3A_2, %min3A : i32
    %add3A_4 = arith.constant 0 : i32
    %add3A_5 = arith.addi %min3A_3, %add3A_4 : i32
    %dma_start3A = arith.constant 0 : i32
    %dma_start3A_6 = arith.constant 0 : i32
    %dma_start3A_7 = tpu.memref_slice %arg8[%dma_start3A, %dma_start3A_6] : memref<2x80xi32, #tpu.memory_space<vmem>> -> memref<1x80xi32, #tpu.memory_space<vmem>>
    %dma_start3A_8 = tpu.memref_squeeze %dma_start3A_7 : memref<1x80xi32, #tpu.memory_space<vmem>> -> memref<80xi32, #tpu.memory_space<vmem>>
    %dma_start3A_9 = tpu.memref_slice %arg3[%add3A_5] : memref<10240xi32, #tpu.memory_space<hbm>> -> memref<80xi32, #tpu.memory_space<hbm>>
    %dma_start3A_10 = arith.constant 0 : i32
    %dma_start3A_11 = tpu.memref_slice %arg8[%dma_start3A, %dma_start3A_10] : memref<2x80xi32, #tpu.memory_space<vmem>> -> memref<1x80xi32, #tpu.memory_space<vmem>>
    %dma_start3A_12 = tpu.memref_squeeze %dma_start3A_11 : memref<1x80xi32, #tpu.memory_space<vmem>> -> memref<80xi32, #tpu.memory_space<vmem>>
    %dma_start3A_13 = tpu.memref_slice %arg3[%add3A_5] : memref<10240xi32, #tpu.memory_space<hbm>> -> memref<80xi32, #tpu.memory_space<hbm>>
    tpu.enqueue_dma source(%dma_start3A_13 : memref<80xi32, #tpu.memory_space<hbm>>) target(%dma_start3A_12 : memref<80xi32, #tpu.memory_space<vmem>>) target_semaphore(%arg13 : memref<!tpu.dma_semaphore, #tpu.memory_space<semaphore_mem>>)
    %dma_start3A_14 = arith.constant 0 : i32
    %dma_start3A_15 = arith.constant 0 : i32
    %dma_start3A_16 = tpu.memref_slice %arg9[%dma_start3A_14, %dma_start3A_15] : memref<2x80xi32, #tpu.memory_space<vmem>> -> memref<1x80xi32, #tpu.memory_space<vmem>>
    %dma_start3A_17 = tpu.memref_squeeze %dma_start3A_16 : memref<1x80xi32, #tpu.memory_space<vmem>> -> memref<80xi32, #tpu.memory_space<vmem>>
    %dma_start3A_18 = tpu.memref_slice %arg4[%add3A_5] : memref<10240xi32, #tpu.memory_space<hbm>> -> memref<80xi32, #tpu.memory_space<hbm>>
    %dma_start3A_19 = arith.constant 0 : i32
    %dma_start3A_20 = tpu.memref_slice %arg9[%dma_start3A_14, %dma_start3A_19] : memref<2x80xi32, #tpu.memory_space<vmem>> -> memref<1x80xi32, #tpu.memory_space<vmem>>
    %dma_start3A_21 = tpu.memref_squeeze %dma_start3A_20 : memref<1x80xi32, #tpu.memory_space<vmem>> -> memref<80xi32, #tpu.memory_space<vmem>>
    %dma_start3A_22 = tpu.memref_slice %arg4[%add3A_5] : memref<10240xi32, #tpu.memory_space<hbm>> -> memref<80xi32, #tpu.memory_space<hbm>>
    tpu.enqueue_dma source(%dma_start3A_22 : memref<80xi32, #tpu.memory_space<hbm>>) target(%dma_start3A_21 : memref<80xi32, #tpu.memory_space<vmem>>) target_semaphore(%arg13 : memref<!tpu.dma_semaphore, #tpu.memory_space<semaphore_mem>>)
    %dma_start3A_23 = arith.constant 0 : i32
    %dma_start3A_24 = arith.constant 0 : i32
    %dma_start3A_25 = arith.constant 0 : i32
    %dma_start3A_26 = tpu.memref_slice %arg10[%dma_start3A_23, %dma_start3A_24, %dma_start3A_25] : memref<2x80x128xf32, #tpu.memory_space<vmem>> -> memref<1x80x128xf32, #tpu.memory_space<vmem>>
    %dma_start3A_27 = tpu.memref_squeeze %dma_start3A_26 : memref<1x80x128xf32, #tpu.memory_space<vmem>> -> memref<80x128xf32, #tpu.memory_space<vmem>>
    %dma_start3A_28 = arith.constant 0 : i32
    %dma_start3A_29 = tpu.memref_slice %arg2[%add3A_5, %dma_start3A_28] : memref<10000x128xf32, #tpu.memory_space<hbm>> -> memref<80x128xf32, #tpu.memory_space<hbm>>
    %dma_start3A_30 = arith.constant 0 : i32
    %dma_start3A_31 = arith.constant 0 : i32
    %dma_start3A_32 = tpu.memref_slice %arg10[%dma_start3A_23, %dma_start3A_30, %dma_start3A_31] : memref<2x80x128xf32, #tpu.memory_space<vmem>> -> memref<1x80x128xf32, #tpu.memory_space<vmem>>
    %dma_start3A_33 = tpu.memref_squeeze %dma_start3A_32 : memref<1x80x128xf32, #tpu.memory_space<vmem>> -> memref<80x128xf32, #tpu.memory_space<vmem>>
    %dma_start3A_34 = arith.constant 0 : i32
    %dma_start3A_35 = tpu.memref_slice %arg2[%add3A_5, %dma_start3A_34] : memref<10000x128xf32, #tpu.memory_space<hbm>> -> memref<80x128xf32, #tpu.memory_space<hbm>>
    tpu.enqueue_dma source(%dma_start3A_35 : memref<80x128xf32, #tpu.memory_space<hbm>>) target(%dma_start3A_33 : memref<80x128xf32, #tpu.memory_space<vmem>>) target_semaphore(%arg13 : memref<!tpu.dma_semaphore, #tpu.memory_space<semaphore_mem>>)
    %dma_wait3A = arith.constant 0 : i32
    %dma_wait3A_36 = arith.constant 0 : i32
    %dma_wait3A_37 = tpu.memref_slice %arg8[%dma_wait3A, %dma_wait3A_36] : memref<2x80xi32, #tpu.memory_space<vmem>> -> memref<1x80xi32, #tpu.memory_space<vmem>>
    %dma_wait3A_38 = tpu.memref_squeeze %dma_wait3A_37 : memref<1x80xi32, #tpu.memory_space<vmem>> -> memref<80xi32, #tpu.memory_space<vmem>>
    %dma_wait3A_39 = tpu.memref_slice %arg3[%add3A_5] : memref<10240xi32, #tpu.memory_space<hbm>> -> memref<80xi32, #tpu.memory_space<hbm>>
    %dma_wait3A_40 = arith.constant 0 : i32
    %dma_wait3A_41 = tpu.memref_slice %arg8[%dma_wait3A, %dma_wait3A_40] : memref<2x80xi32, #tpu.memory_space<vmem>> -> memref<1x80xi32, #tpu.memory_space<vmem>>
    %dma_wait3A_42 = tpu.memref_squeeze %dma_wait3A_41 : memref<1x80xi32, #tpu.memory_space<vmem>> -> memref<80xi32, #tpu.memory_space<vmem>>
    %dma_wait3A_43 = tpu.memref_slice %arg3[%add3A_5] : memref<10240xi32, #tpu.memory_space<hbm>> -> memref<80xi32, #tpu.memory_space<hbm>>
    tpu.wait_dma2 semaphore(%arg13 : memref<!tpu.dma_semaphore, #tpu.memory_space<semaphore_mem>>) src(%dma_wait3A_43 : memref<80xi32, #tpu.memory_space<hbm>>) dst(%dma_wait3A_42 : memref<80xi32, #tpu.memory_space<vmem>>)
    %dma_wait3A_44 = arith.constant 0 : i32
    %dma_wait3A_45 = arith.constant 0 : i32
    %dma_wait3A_46 = tpu.memref_slice %arg9[%dma_wait3A_44, %dma_wait3A_45] : memref<2x80xi32, #tpu.memory_space<vmem>> -> memref<1x80xi32, #tpu.memory_space<vmem>>
    %dma_wait3A_47 = tpu.memref_squeeze %dma_wait3A_46 : memref<1x80xi32, #tpu.memory_space<vmem>> -> memref<80xi32, #tpu.memory_space<vmem>>
    %dma_wait3A_48 = tpu.memref_slice %arg4[%add3A_5] : memref<10240xi32, #tpu.memory_space<hbm>> -> memref<80xi32, #tpu.memory_space<hbm>>
    %dma_wait3A_49 = arith.constant 0 : i32
    %dma_wait3A_50 = tpu.memref_slice %arg9[%dma_wait3A_44, %dma_wait3A_49] : memref<2x80xi32, #tpu.memory_space<vmem>> -> memref<1x80xi32, #tpu.memory_space<vmem>>
    %dma_wait3A_51 = tpu.memref_squeeze %dma_wait3A_50 : memref<1x80xi32, #tpu.memory_space<vmem>> -> memref<80xi32, #tpu.memory_space<vmem>>
    %dma_wait3A_52 = tpu.memref_slice %arg4[%add3A_5] : memref<10240xi32, #tpu.memory_space<hbm>> -> memref<80xi32, #tpu.memory_space<hbm>>
    tpu.wait_dma2 semaphore(%arg13 : memref<!tpu.dma_semaphore, #tpu.memory_space<semaphore_mem>>) src(%dma_wait3A_52 : memref<80xi32, #tpu.memory_space<hbm>>) dst(%dma_wait3A_51 : memref<80xi32, #tpu.memory_space<vmem>>)
    %dma_wait3A_53 = arith.constant 0 : i32
    %dma_wait3A_54 = arith.constant 0 : i32
    %dma_wait3A_55 = arith.constant 0 : i32
    %dma_wait3A_56 = tpu.memref_slice %arg10[%dma_wait3A_53, %dma_wait3A_54, %dma_wait3A_55] : memref<2x80x128xf32, #tpu.memory_space<vmem>> -> memref<1x80x128xf32, #tpu.memory_space<vmem>>
    %dma_wait3A_57 = tpu.memref_squeeze %dma_wait3A_56 : memref<1x80x128xf32, #tpu.memory_space<vmem>> -> memref<80x128xf32, #tpu.memory_space<vmem>>
    %dma_wait3A_58 = arith.constant 0 : i32
    %dma_wait3A_59 = tpu.memref_slice %arg2[%add3A_5, %dma_wait3A_58] : memref<10000x128xf32, #tpu.memory_space<hbm>> -> memref<80x128xf32, #tpu.memory_space<hbm>>
    %dma_wait3A_60 = arith.constant 0 : i32
    %dma_wait3A_61 = arith.constant 0 : i32
    %dma_wait3A_62 = tpu.memref_slice %arg10[%dma_wait3A_53, %dma_wait3A_60, %dma_wait3A_61] : memref<2x80x128xf32, #tpu.memory_space<vmem>> -> memref<1x80x128xf32, #tpu.memory_space<vmem>>
    %dma_wait3A_63 = tpu.memref_squeeze %dma_wait3A_62 : memref<1x80x128xf32, #tpu.memory_space<vmem>> -> memref<80x128xf32, #tpu.memory_space<vmem>>
    %dma_wait3A_64 = arith.constant 0 : i32
    %dma_wait3A_65 = tpu.memref_slice %arg2[%add3A_5, %dma_wait3A_64] : memref<10000x128xf32, #tpu.memory_space<hbm>> -> memref<80x128xf32, #tpu.memory_space<hbm>>
    tpu.wait_dma2 semaphore(%arg13 : memref<!tpu.dma_semaphore, #tpu.memory_space<semaphore_mem>>) src(%dma_wait3A_65 : memref<80x128xf32, #tpu.memory_space<hbm>>) dst(%dma_wait3A_63 : memref<80x128xf32, #tpu.memory_space<vmem>>)
    %get3A = arith.constant 0 : i32
    %get3A_66 = arith.constant 0 : i32
    %get3A_67 = tpu.memref_slice %arg8[%get3A, %get3A_66] : memref<2x80xi32, #tpu.memory_space<vmem>> -> memref<1x80xi32, #tpu.memory_space<vmem>>
    %get3A_68 = tpu.memref_squeeze %get3A_67 : memref<1x80xi32, #tpu.memory_space<vmem>> -> memref<80xi32, #tpu.memory_space<vmem>>
    %get3A_69 = arith.constant 0 : index
    %get3A_70 = tpu.vector_load %get3A_68[%get3A_69] {strides = array<i32>} : memref<80xi32, #tpu.memory_space<vmem>>, vector<16xi32>,
    %min3A_71 = arith.constant 511 : i32
    %min3A_72 = vector.broadcast %min3A_71 : i32 to vector<16xi32>
    %min3A_73 = arith.minsi %get3A_70, %min3A_72 : vector<16xi32>
    %swap3A = arith.constant 0 : i32
    %swap3A_74 = arith.constant 0 : i32
    %swap3A_75 = tpu.memref_slice %arg8[%swap3A, %swap3A_74] : memref<2x80xi32, #tpu.memory_space<vmem>> -> memref<1x80xi32, #tpu.memory_space<vmem>>
    %swap3A_76 = tpu.memref_squeeze %swap3A_75 : memref<1x80xi32, #tpu.memory_space<vmem>> -> memref<80xi32, #tpu.memory_space<vmem>>
    %swap3A_77 = arith.constant 0 : index
    %swap3A_78 = tpu.vector_load %swap3A_76[%swap3A_77] {strides = array<i32>} : memref<80xi32, #tpu.memory_space<vmem>>, vector<16xi32>,
    tpu.vector_store %swap3A_76[%swap3A_77], %min3A_73 {strides = array<i32>} : memref<80xi32, #tpu.memory_space<vmem>>, vector<16xi32>,
    %get3A_79 = arith.constant 0 : i32
    %get3A_80 = arith.constant 0 : i32
    %get3A_81 = tpu.memref_slice %arg9[%get3A_79, %get3A_80] : memref<2x80xi32, #tpu.memory_space<vmem>> -> memref<1x80xi32, #tpu.memory_space<vmem>>
    %get3A_82 = tpu.memref_squeeze %get3A_81 : memref<1x80xi32, #tpu.memory_space<vmem>> -> memref<80xi32, #tpu.memory_space<vmem>>
    %get3A_83 = arith.constant 0 : index
    %get3A_84 = tpu.vector_load %get3A_82[%get3A_83] {strides = array<i32>} : memref<80xi32, #tpu.memory_space<vmem>>, vector<16xi32>,
    %min3A_85 = arith.constant 511 : i32
    %min3A_86 = vector.broadcast %min3A_85 : i32 to vector<16xi32>
    %min3A_87 = arith.minsi %get3A_84, %min3A_86 : vector<16xi32>
    %swap3A_88 = arith.constant 0 : i32
    %swap3A_89 = arith.constant 0 : i32
    %swap3A_90 = tpu.memref_slice %arg9[%swap3A_88, %swap3A_89] : memref<2x80xi32, #tpu.memory_space<vmem>> -> memref<1x80xi32, #tpu.memory_space<vmem>>
    %swap3A_91 = tpu.memref_squeeze %swap3A_90 : memref<1x80xi32, #tpu.memory_space<vmem>> -> memref<80xi32, #tpu.memory_space<vmem>>
    %swap3A_92 = arith.constant 0 : index
    %swap3A_93 = tpu.vector_load %swap3A_91[%swap3A_92] {strides = array<i32>} : memref<80xi32, #tpu.memory_space<vmem>>, vector<16xi32>,
    tpu.vector_store %swap3A_91[%swap3A_92], %min3A_87 {strides = array<i32>} : memref<80xi32, #tpu.memory_space<vmem>>, vector<16xi32>,
    %get3A_94 = arith.constant 0 : i32
    %get3A_95 = arith.constant 0 : i32
    %get3A_96 = tpu.memref_slice %arg8[%get3A_94, %get3A_95] : memref<2x80xi32, #tpu.memory_space<vmem>> -> memref<1x80xi32, #tpu.memory_space<vmem>>
    %get3A_97 = tpu.memref_squeeze %get3A_96 : memref<1x80xi32, #tpu.memory_space<vmem>> -> memref<80xi32, #tpu.memory_space<vmem>>
    %get3A_98 = arith.constant 16 : index
    %get3A_99 = tpu.vector_load %get3A_97[%get3A_98] {strides = array<i32>} : memref<80xi32, #tpu.memory_space<vmem>>, vector<16xi32>,
    %min3A_100 = arith.constant 511 : i32
    %min3A_101 = vector.broadcast %min3A_100 : i32 to vector<16xi32>
    %min3A_102 = arith.minsi %get3A_99, %min3A_101 : vector<16xi32>
    %swap3A_103 = arith.constant 0 : i32
    %swap3A_104 = arith.constant 0 : i32
    %swap3A_105 = tpu.memref_slice %arg8[%swap3A_103, %swap3A_104] : memref<2x80xi32, #tpu.memory_space<vmem>> -> memref<1x80xi32, #tpu.memory_space<vmem>>
    %swap3A_106 = tpu.memref_squeeze %swap3A_105 : memref<1x80xi32, #tpu.memory_space<vmem>> -> memref<80xi32, #tpu.memory_space<vmem>>
    %swap3A_107 = arith.constant 16 : index
    %swap3A_108 = tpu.vector_load %swap3A_106[%swap3A_107] {strides = array<i32>} : memref<80xi32, #tpu.memory_space<vmem>>, vector<16xi32>,
    tpu.vector_store %swap3A_106[%swap3A_107], %min3A_102 {strides = array<i32>} : memref<80xi32, #tpu.memory_space<vmem>>, vector<16xi32>,
    %get3A_109 = arith.constant 0 : i32
    %get3A_110 = arith.constant 0 : i32
    %get3A_111 = tpu.memref_slice %arg9[%get3A_109, %get3A_110] : memref<2x80xi32, #tpu.memory_space<vmem>> -> memref<1x80xi32, #tpu.memory_space<vmem>>
    %get3A_112 = tpu.memref_squeeze %get3A_111 : memref<1x80xi32, #tpu.memory_space<vmem>> -> memref<80xi32, #tpu.memory_space<vmem>>
    %get3A_113 = arith.constant 16 : index
    %get3A_114 = tpu.vector_load %get3A_112[%get3A_113] {strides = array<i32>} : memref<80xi32, #tpu.memory_space<vmem>>, vector<16xi32>,
    %min3A_115 = arith.constant 511 : i32
    %min3A_116 = vector.broadcast %min3A_115 : i32 to vector<16xi32>
    %min3A_117 = arith.minsi %get3A_114, %min3A_116 : vector<16xi32>
    %swap3A_118 = arith.constant 0 : i32
    %swap3A_119 = arith.constant 0 : i32
    %swap3A_120 = tpu.memref_slice %arg9[%swap3A_118, %swap3A_119] : memref<2x80xi32, #tpu.memory_space<vmem>> -> memref<1x80xi32, #tpu.memory_space<vmem>>
    %swap3A_121 = tpu.memref_squeeze %swap3A_120 : memref<1x80xi32, #tpu.memory_space<vmem>> -> memref<80xi32, #tpu.memory_space<vmem>>
    %swap3A_122 = arith.constant 16 : index
    %swap3A_123 = tpu.vector_load %swap3A_121[%swap3A_122] {strides = array<i32>} : memref<80xi32, #tpu.memory_space<vmem>>, vector<16xi32>,
    tpu.vector_store %swap3A_121[%swap3A_122], %min3A_117 {strides = array<i32>} : memref<80xi32, #tpu.memory_space<vmem>>, vector<16xi32>,
    %get3A_124 = arith.constant 0 : i32
    %get3A_125 = arith.constant 0 : i32
    %get3A_126 = tpu.memref_slice %arg8[%get3A_124, %get3A_125] : memref<2x80xi32, #tpu.memory_space<vmem>> -> memref<1x80xi32, #tpu.memory_space<vmem>>
    %get3A_127 = tpu.memref_squeeze %get3A_126 : memref<1x80xi32, #tpu.memory_space<vmem>> -> memref<80xi32, #tpu.memory_space<vmem>>
    %get3A_128 = arith.constant 32 : index
    %get3A_129 = tpu.vector_load %get3A_127[%get3A_128] {strides = array<i32>} : memref<80xi32, #tpu.memory_space<vmem>>, vector<16xi32>,
    %min3A_130 = arith.constant 511 : i32
    %min3A_131 = vector.broadcast %min3A_130 : i32 to vector<16xi32>
    %min3A_132 = arith.minsi %get3A_129, %min3A_131 : vector<16xi32>
    %swap3A_133 = arith.constant 0 : i32
    %swap3A_134 = arith.constant 0 : i32
    %swap3A_135 = tpu.memref_slice %arg8[%swap3A_133, %swap3A_134] : memref<2x80xi32, #tpu.memory_space<vmem>> -> memref<1x80xi32, #tpu.memory_space<vmem>>
    %swap3A_136 = tpu.memref_squeeze %swap3A_135 : memref<1x80xi32, #tpu.memory_space<vmem>> -> memref<80xi32, #tpu.memory_space<vmem>>
    %swap3A_137 = arith.constant 32 : index
    %swap3A_138 = tpu.vector_load %swap3A_136[%swap3A_137] {strides = array<i32>} : memref<80xi32, #tpu.memory_space<vmem>>, vector<16xi32>,
    tpu.vector_store %swap3A_136[%swap3A_137], %min3A_132 {strides = array<i32>} : memref<80xi32, #tpu.memory_space<vmem>>, vector<16xi32>,
    %get3A_139 = arith.constant 0 : i32
    %get3A_140 = arith.constant 0 : i32
    %get3A_141 = tpu.memref_slice %arg9[%get3A_139, %get3A_140] : memref<2x80xi32, #tpu.memory_space<vmem>> -> memref<1x80xi32, #tpu.memory_space<vmem>>
    %get3A_142 = tpu.memref_squeeze %get3A_141 : memref<1x80xi32, #tpu.memory_space<vmem>> -> memref<80xi32, #tpu.memory_space<vmem>>
    %get3A_143 = arith.constant 32 : index
    %get3A_144 = tpu.vector_load %get3A_142[%get3A_143] {strides = array<i32>} : memref<80xi32, #tpu.memory_space<vmem>>, vector<16xi32>,
    %min3A_145 = arith.constant 511 : i32
    %min3A_146 = vector.broadcast %min3A_145 : i32 to vector<16xi32>
    %min3A_147 = arith.minsi %get3A_144, %min3A_146 : vector<16xi32>
    %swap3A_148 = arith.constant 0 : i32
    %swap3A_149 = arith.constant 0 : i32
    %swap3A_150 = tpu.memref_slice %arg9[%swap3A_148, %swap3A_149] : memref<2x80xi32, #tpu.memory_space<vmem>> -> memref<1x80xi32, #tpu.memory_space<vmem>>
    %swap3A_151 = tpu.memref_squeeze %swap3A_150 : memref<1x80xi32, #tpu.memory_space<vmem>> -> memref<80xi32, #tpu.memory_space<vmem>>
    %swap3A_152 = arith.constant 32 : index
    %swap3A_153 = tpu.vector_load %swap3A_151[%swap3A_152] {strides = array<i32>} : memref<80xi32, #tpu.memory_space<vmem>>, vector<16xi32>,
    tpu.vector_store %swap3A_151[%swap3A_152], %min3A_147 {strides = array<i32>} : memref<80xi32, #tpu.memory_space<vmem>>, vector<16xi32>,
    %get3A_154 = arith.constant 0 : i32
    %get3A_155 = arith.constant 0 : i32
    %get3A_156 = tpu.memref_slice %arg8[%get3A_154, %get3A_155] : memref<2x80xi32, #tpu.memory_space<vmem>> -> memref<1x80xi32, #tpu.memory_space<vmem>>
    %get3A_157 = tpu.memref_squeeze %get3A_156 : memref<1x80xi32, #tpu.memory_space<vmem>> -> memref<80xi32, #tpu.memory_space<vmem>>
    %get3A_158 = arith.constant 48 : index
    %get3A_159 = tpu.vector_load %get3A_157[%get3A_158] {strides = array<i32>} : memref<80xi32, #tpu.memory_space<vmem>>, vector<16xi32>,
    %min3A_160 = arith.constant 511 : i32
    %min3A_161 = vector.broadcast %min3A_160 : i32 to vector<16xi32>
    %min3A_162 = arith.minsi %get3A_159, %min3A_161 : vector<16xi32>
    %swap3A_163 = arith.constant 0 : i32
    %swap3A_164 = arith.constant 0 : i32
    %swap3A_165 = tpu.memref_slice %arg8[%swap3A_163, %swap3A_164] : memref<2x80xi32, #tpu.memory_space<vmem>> -> memref<1x80xi32, #tpu.memory_space<vmem>>
    %swap3A_166 = tpu.memref_squeeze %swap3A_165 : memref<1x80xi32, #tpu.memory_space<vmem>> -> memref<80xi32, #tpu.memory_space<vmem>>
    %swap3A_167 = arith.constant 48 : index
    %swap3A_168 = tpu.vector_load %swap3A_166[%swap3A_167] {strides = array<i32>} : memref<80xi32, #tpu.memory_space<vmem>>, vector<16xi32>,
    tpu.vector_store %swap3A_166[%swap3A_167], %min3A_162 {strides = array<i32>} : memref<80xi32, #tpu.memory_space<vmem>>, vector<16xi32>,
    %get3A_169 = arith.constant 0 : i32
    %get3A_170 = arith.constant 0 : i32
    %get3A_171 = tpu.memref_slice %arg9[%get3A_169, %get3A_170] : memref<2x80xi32, #tpu.memory_space<vmem>> -> memref<1x80xi32, #tpu.memory_space<vmem>>
    %get3A_172 = tpu.memref_squeeze %get3A_171 : memref<1x80xi32, #tpu.memory_space<vmem>> -> memref<80xi32, #tpu.memory_space<vmem>>
    %get3A_173 = arith.constant 48 : index
    %get3A_174 = tpu.vector_load %get3A_172[%get3A_173] {strides = array<i32>} : memref<80xi32, #tpu.memory_space<vmem>>, vector<16xi32>,
    %min3A_175 = arith.constant 511 : i32
    %min3A_176 = vector.broadcast %min3A_175 : i32 to vector<16xi32>
    %min3A_177 = arith.minsi %get3A_174, %min3A_176 : vector<16xi32>
    %swap3A_178 = arith.constant 0 : i32
    %swap3A_179 = arith.constant 0 : i32
    %swap3A_180 = tpu.memref_slice %arg9[%swap3A_178, %swap3A_179] : memref<2x80xi32, #tpu.memory_space<vmem>> -> memref<1x80xi32, #tpu.memory_space<vmem>>
    %swap3A_181 = tpu.memref_squeeze %swap3A_180 : memref<1x80xi32, #tpu.memory_space<vmem>> -> memref<80xi32, #tpu.memory_space<vmem>>
    %swap3A_182 = arith.constant 48 : index
    %swap3A_183 = tpu.vector_load %swap3A_181[%swap3A_182] {strides = array<i32>} : memref<80xi32, #tpu.memory_space<vmem>>, vector<16xi32>,
    tpu.vector_store %swap3A_181[%swap3A_182], %min3A_177 {strides = array<i32>} : memref<80xi32, #tpu.memory_space<vmem>>, vector<16xi32>,
    %get3A_184 = arith.constant 0 : i32
    %get3A_185 = arith.constant 0 : i32
    %get3A_186 = tpu.memref_slice %arg8[%get3A_184, %get3A_185] : memref<2x80xi32, #tpu.memory_space<vmem>> -> memref<1x80xi32, #tpu.memory_space<vmem>>
    %get3A_187 = tpu.memref_squeeze %get3A_186 : memref<1x80xi32, #tpu.memory_space<vmem>> -> memref<80xi32, #tpu.memory_space<vmem>>
    %get3A_188 = arith.constant 64 : index
    %get3A_189 = tpu.vector_load %get3A_187[%get3A_188] {strides = array<i32>} : memref<80xi32, #tpu.memory_space<vmem>>, vector<16xi32>,
    %min3A_190 = arith.constant 511 : i32
    %min3A_191 = vector.broadcast %min3A_190 : i32 to vector<16xi32>
    %min3A_192 = arith.minsi %get3A_189, %min3A_191 : vector<16xi32>
    %swap3A_193 = arith.constant 0 : i32
    %swap3A_194 = arith.constant 0 : i32
    %swap3A_195 = tpu.memref_slice %arg8[%swap3A_193, %swap3A_194] : memref<2x80xi32, #tpu.memory_space<vmem>> -> memref<1x80xi32, #tpu.memory_space<vmem>>
    %swap3A_196 = tpu.memref_squeeze %swap3A_195 : memref<1x80xi32, #tpu.memory_space<vmem>> -> memref<80xi32, #tpu.memory_space<vmem>>
    %swap3A_197 = arith.constant 64 : index
    %swap3A_198 = tpu.vector_load %swap3A_196[%swap3A_197] {strides = array<i32>} : memref<80xi32, #tpu.memory_space<vmem>>, vector<16xi32>,
    tpu.vector_store %swap3A_196[%swap3A_197], %min3A_192 {strides = array<i32>} : memref<80xi32, #tpu.memory_space<vmem>>, vector<16xi32>,
    %get3A_199 = arith.constant 0 : i32
    %get3A_200 = arith.constant 0 : i32
    %get3A_201 = tpu.memref_slice %arg9[%get3A_199, %get3A_200] : memref<2x80xi32, #tpu.memory_space<vmem>> -> memref<1x80xi32, #tpu.memory_space<vmem>>
    %get3A_202 = tpu.memref_squeeze %get3A_201 : memref<1x80xi32, #tpu.memory_space<vmem>> -> memref<80xi32, #tpu.memory_space<vmem>>
    %get3A_203 = arith.constant 64 : index
    %get3A_204 = tpu.vector_load %get3A_202[%get3A_203] {strides = array<i32>} : memref<80xi32, #tpu.memory_space<vmem>>, vector<16xi32>,
    %min3A_205 = arith.constant 511 : i32
    %min3A_206 = vector.broadcast %min3A_205 : i32 to vector<16xi32>
    %min3A_207 = arith.minsi %get3A_204, %min3A_206 : vector<16xi32>
    %swap3A_208 = arith.constant 0 : i32
    %swap3A_209 = arith.constant 0 : i32
    %swap3A_210 = tpu.memref_slice %arg9[%swap3A_208, %swap3A_209] : memref<2x80xi32, #tpu.memory_space<vmem>> -> memref<1x80xi32, #tpu.memory_space<vmem>>
    %swap3A_211 = tpu.memref_squeeze %swap3A_210 : memref<1x80xi32, #tpu.memory_space<vmem>> -> memref<80xi32, #tpu.memory_space<vmem>>
    %swap3A_212 = arith.constant 64 : index
    %swap3A_213 = tpu.vector_load %swap3A_211[%swap3A_212] {strides = array<i32>} : memref<80xi32, #tpu.memory_space<vmem>>, vector<16xi32>,
    tpu.vector_store %swap3A_211[%swap3A_212], %min3A_207 {strides = array<i32>} : memref<80xi32, #tpu.memory_space<vmem>>, vector<16xi32>,
    %dma_start3A_214 = arith.constant 0 : i32
    %dma_start3A_215 = arith.constant 0 : i32
    %dma_start3A_216 = arith.constant 0 : i32
    %dma_start3A_217 = arith.constant 0 : i32
    %dma_start3A_218 = tpu.memref_slice %arg11[%dma_start3A_215, %dma_start3A_216, %dma_start3A_217] : memref<2x80x128xf32, #tpu.memory_space<vmem>> -> memref<1x80x128xf32, #tpu.memory_space<vmem>>
    %dma_start3A_219 = tpu.memref_squeeze %dma_start3A_218 : memref<1x80x128xf32, #tpu.memory_space<vmem>> -> memref<80x128xf32, #tpu.memory_space<vmem>>
    %dma_start3A_220 = arith.constant 0 : i32
    %dma_start3A_221 = tpu.memref_slice %arg8[%dma_start3A_214, %dma_start3A_220] : memref<2x80xi32, #tpu.memory_space<vmem>> -> memref<1x80xi32, #tpu.memory_space<vmem>>
    %dma_start3A_222 = tpu.memref_squeeze %dma_start3A_221 : memref<1x80xi32, #tpu.memory_space<vmem>> -> memref<80xi32, #tpu.memory_space<vmem>>
    %dma_start3A_223 = arith.constant 0 : i32
    %dma_start3A_224 = arith.constant 0 : i32
    %dma_start3A_225 = tpu.memref_slice %arg5[%dma_start3A_223, %dma_start3A_224] : memref<512x128xf32, #tpu.memory_space<hbm>> -> memref<512x128xf32, #tpu.memory_space<hbm>>
    tpu.enqueue_indirect_dma source(%dma_start3A_225 : memref<512x128xf32, #tpu.memory_space<hbm>>) target(%dma_start3A_219 : memref<80x128xf32, #tpu.memory_space<vmem>>) offsets(%dma_start3A_222 : memref<80xi32, #tpu.memory_space<vmem>>) semaphore(%arg14 : memref<!tpu.dma_semaphore, #tpu.memory_space<semaphore_mem>>)
    %dma_start3A_226 = arith.constant 0 : i32
    %dma_start3A_227 = arith.constant 0 : i32
    %dma_start3A_228 = arith.constant 0 : i32
    %dma_start3A_229 = arith.constant 0 : i32
    %dma_start3A_230 = tpu.memref_slice %arg12[%dma_start3A_227, %dma_start3A_228, %dma_start3A_229] : memref<2x80x128xf32, #tpu.memory_space<vmem>> -> memref<1x80x128xf32, #tpu.memory_space<vmem>>
    %dma_start3A_231 = tpu.memref_squeeze %dma_start3A_230 : memref<1x80x128xf32, #tpu.memory_space<vmem>> -> memref<80x128xf32, #tpu.memory_space<vmem>>
    %dma_start3A_232 = arith.constant 0 : i32
    %dma_start3A_233 = tpu.memref_slice %arg9[%dma_start3A_226, %dma_start3A_232] : memref<2x80xi32, #tpu.memory_space<vmem>> -> memref<1x80xi32, #tpu.memory_space<vmem>>
    %dma_start3A_234 = tpu.memref_squeeze %dma_start3A_233 : memref<1x80xi32, #tpu.memory_space<vmem>> -> memref<80xi32, #tpu.memory_space<vmem>>
    %dma_start3A_235 = arith.constant 0 : i32
    %dma_start3A_236 = arith.constant 0 : i32
    %dma_start3A_237 = tpu.memref_slice %arg6[%dma_start3A_235, %dma_start3A_236] : memref<512x128xf32, #tpu.memory_space<hbm>> -> memref<512x128xf32, #tpu.memory_space<hbm>>
    tpu.enqueue_indirect_dma source(%dma_start3A_237 : memref<512x128xf32, #tpu.memory_space<hbm>>) target(%dma_start3A_231 : memref<80x128xf32, #tpu.memory_space<vmem>>) offsets(%dma_start3A_234 : memref<80xi32, #tpu.memory_space<vmem>>) semaphore(%arg14 : memref<!tpu.dma_semaphore, #tpu.memory_space<semaphore_mem>>)
    %add3A_238 = arith.constant 80 : i32
    %add3A_239 = arith.addi %min3A_3, %add3A_238 : i32
    %dma_start3A_240 = arith.constant 1 : i32
    %dma_start3A_241 = arith.constant 0 : i32
    %dma_start3A_242 = tpu.memref_slice %arg8[%dma_start3A_240, %dma_start3A_241] : memref<2x80xi32, #tpu.memory_space<vmem>> -> memref<1x80xi32, #tpu.memory_space<vmem>>
    %dma_start3A_243 = tpu.memref_squeeze %dma_start3A_242 : memref<1x80xi32, #tpu.memory_space<vmem>> -> memref<80xi32, #tpu.memory_space<vmem>>
    %dma_start3A_244 = tpu.memref_slice %arg3[%add3A_239] : memref<10240xi32, #tpu.memory_space<hbm>> -> memref<80xi32, #tpu.memory_space<hbm>>
    %dma_start3A_245 = arith.constant 0 : i32
    %dma_start3A_246 = tpu.memref_slice %arg8[%dma_start3A_240, %dma_start3A_245] : memref<2x80xi32, #tpu.memory_space<vmem>> -> memref<1x80xi32, #tpu.memory_space<vmem>>
    %dma_start3A_247 = tpu.memref_squeeze %dma_start3A_246 : memref<1x80xi32, #tpu.memory_space<vmem>> -> memref<80xi32, #tpu.memory_space<vmem>>
    %dma_start3A_248 = tpu.memref_slice %arg3[%add3A_239] : memref<10240xi32, #tpu.memory_space<hbm>> -> memref<80xi32, #tpu.memory_space<hbm>>
    tpu.enqueue_dma source(%dma_start3A_248 : memref<80xi32, #tpu.memory_space<hbm>>) target(%dma_start3A_247 : memref<80xi32, #tpu.memory_space<vmem>>) target_semaphore(%arg13 : memref<!tpu.dma_semaphore, #tpu.memory_space<semaphore_mem>>)
    %dma_start3A_249 = arith.constant 1 : i32
    %dma_start3A_250 = arith.constant 0 : i32
    %dma_start3A_251 = tpu.memref_slice %arg9[%dma_start3A_249, %dma_start3A_250] : memref<2x80xi32, #tpu.memory_space<vmem>> -> memref<1x80xi32, #tpu.memory_space<vmem>>
    %dma_start3A_252 = tpu.memref_squeeze %dma_start3A_251 : memref<1x80xi32, #tpu.memory_space<vmem>> -> memref<80xi32, #tpu.memory_space<vmem>>
    %dma_start3A_253 = tpu.memref_slice %arg4[%add3A_239] : memref<10240xi32, #tpu.memory_space<hbm>> -> memref<80xi32, #tpu.memory_space<hbm>>
    %dma_start3A_254 = arith.constant 0 : i32
    %dma_start3A_255 = tpu.memref_slice %arg9[%dma_start3A_249, %dma_start3A_254] : memref<2x80xi32, #tpu.memory_space<vmem>> -> memref<1x80xi32, #tpu.memory_space<vmem>>
    %dma_start3A_256 = tpu.memref_squeeze %dma_start3A_255 : memref<1x80xi32, #tpu.memory_space<vmem>> -> memref<80xi32, #tpu.memory_space<vmem>>
    %dma_start3A_257 = tpu.memref_slice %arg4[%add3A_239] : memref<10240xi32, #tpu.memory_space<hbm>> -> memref<80xi32, #tpu.memory_space<hbm>>
    tpu.enqueue_dma source(%dma_start3A_257 : memref<80xi32, #tpu.memory_space<hbm>>) target(%dma_start3A_256 : memref<80xi32, #tpu.memory_space<vmem>>) target_semaphore(%arg13 : memref<!tpu.dma_semaphore, #tpu.memory_space<semaphore_mem>>)
    %dma_start3A_258 = arith.constant 1 : i32
    %dma_start3A_259 = arith.constant 0 : i32
    %dma_start3A_260 = arith.constant 0 : i32
    %dma_start3A_261 = tpu.memref_slice %arg10[%dma_start3A_258, %dma_start3A_259, %dma_start3A_260] : memref<2x80x128xf32, #tpu.memory_space<vmem>> -> memref<1x80x128xf32, #tpu.memory_space<vmem>>
    %dma_start3A_262 = tpu.memref_squeeze %dma_start3A_261 : memref<1x80x128xf32, #tpu.memory_space<vmem>> -> memref<80x128xf32, #tpu.memory_space<vmem>>
    %dma_start3A_263 = arith.constant 0 : i32
    %dma_start3A_264 = tpu.memref_slice %arg2[%add3A_239, %dma_start3A_263] : memref<10000x128xf32, #tpu.memory_space<hbm>> -> memref<80x128xf32, #tpu.memory_space<hbm>>
    %dma_start3A_265 = arith.constant 0 : i32
    %dma_start3A_266 = arith.constant 0 : i32
    %dma_start3A_267 = tpu.memref_slice %arg10[%dma_start3A_258, %dma_start3A_265, %dma_start3A_266] : memref<2x80x128xf32, #tpu.memory_space<vmem>> -> memref<1x80x128xf32, #tpu.memory_space<vmem>>
    %dma_start3A_268 = tpu.memref_squeeze %dma_start3A_267 : memref<1x80x128xf32, #tpu.memory_space<vmem>> -> memref<80x128xf32, #tpu.memory_space<vmem>>
    %dma_start3A_269 = arith.constant 0 : i32
    %dma_start3A_270 = tpu.memref_slice %arg2[%add3A_239, %dma_start3A_269] : memref<10000x128xf32, #tpu.memory_space<hbm>> -> memref<80x128xf32, #tpu.memory_space<hbm>>
    tpu.enqueue_dma source(%dma_start3A_270 : memref<80x128xf32, #tpu.memory_space<hbm>>) target(%dma_start3A_268 : memref<80x128xf32, #tpu.memory_space<vmem>>) target_semaphore(%arg13 : memref<!tpu.dma_semaphore, #tpu.memory_space<semaphore_mem>>)
    %dma_wait3A_271 = arith.constant 0 : i32
    %dma_wait3A_272 = arith.constant 0 : i32
    %dma_wait3A_273 = arith.constant 0 : i32
    %dma_wait3A_274 = arith.constant 0 : i32
    %dma_wait3A_275 = tpu.memref_slice %arg11[%dma_wait3A_272, %dma_wait3A_273, %dma_wait3A_274] : memref<2x80x128xf32, #tpu.memory_space<vmem>> -> memref<1x80x128xf32, #tpu.memory_space<vmem>>
    %dma_wait3A_276 = tpu.memref_squeeze %dma_wait3A_275 : memref<1x80x128xf32, #tpu.memory_space<vmem>> -> memref<80x128xf32, #tpu.memory_space<vmem>>
    %dma_wait3A_277 = arith.constant 0 : i32
    %dma_wait3A_278 = tpu.memref_slice %arg8[%dma_wait3A_271, %dma_wait3A_277] : memref<2x80xi32, #tpu.memory_space<vmem>> -> memref<1x80xi32, #tpu.memory_space<vmem>>
    %dma_wait3A_279 = tpu.memref_squeeze %dma_wait3A_278 : memref<1x80xi32, #tpu.memory_space<vmem>> -> memref<80xi32, #tpu.memory_space<vmem>>
    %dma_wait3A_280 = arith.constant 0 : i32
    %dma_wait3A_281 = arith.constant 0 : i32
    %dma_wait3A_282 = tpu.memref_slice %arg5[%dma_wait3A_280, %dma_wait3A_281] : memref<512x128xf32, #tpu.memory_space<hbm>> -> memref<512x128xf32, #tpu.memory_space<hbm>>
    tpu.wait_indirect_dma semaphore(%arg14 : memref<!tpu.dma_semaphore, #tpu.memory_space<semaphore_mem>>) src(%dma_wait3A_282 : memref<512x128xf32, #tpu.memory_space<hbm>>) dst(%dma_wait3A_276 : memref<80x128xf32, #tpu.memory_space<vmem>>)
    %dma_wait3A_283 = arith.constant 0 : i32
    %dma_wait3A_284 = arith.constant 0 : i32
    %dma_wait3A_285 = arith.constant 0 : i32
    %dma_wait3A_286 = arith.constant 0 : i32
    %dma_wait3A_287 = tpu.memref_slice %arg12[%dma_wait3A_284, %dma_wait3A_285, %dma_wait3A_286] : memref<2x80x128xf32, #tpu.memory_space<vmem>> -> memref<1x80x128xf32, #tpu.memory_space<vmem>>
    %dma_wait3A_288 = tpu.memref_squeeze %dma_wait3A_287 : memref<1x80x128xf32, #tpu.memory_space<vmem>> -> memref<80x128xf32, #tpu.memory_space<vmem>>
    %dma_wait3A_289 = arith.constant 0 : i32
    %dma_wait3A_290 = tpu.memref_slice %arg9[%dma_wait3A_283, %dma_wait3A_289] : memref<2x80xi32, #tpu.memory_space<vmem>> -> memref<1x80xi32, #tpu.memory_space<vmem>>
    %dma_wait3A_291 = tpu.memref_squeeze %dma_wait3A_290 : memref<1x80xi32, #tpu.memory_space<vmem>> -> memref<80xi32, #tpu.memory_space<vmem>>
    %dma_wait3A_292 = arith.constant 0 : i32
    %dma_wait3A_293 = arith.constant 0 : i32
    %dma_wait3A_294 = tpu.memref_slice %arg6[%dma_wait3A_292, %dma_wait3A_293] : memref<512x128xf32, #tpu.memory_space<hbm>> -> memref<512x128xf32, #tpu.memory_space<hbm>>
    tpu.wait_indirect_dma semaphore(%arg14 : memref<!tpu.dma_semaphore, #tpu.memory_space<semaphore_mem>>) src(%dma_wait3A_294 : memref<512x128xf32, #tpu.memory_space<hbm>>) dst(%dma_wait3A_288 : memref<80x128xf32, #tpu.memory_space<vmem>>)
    %parallel_loop3A = arith.constant 0 : i32
    %parallel_loop3A_295 = arith.constant 640 : i32
    %parallel_loop3A_296 = arith.constant 1 : i32
    %parallel_loop3A_297 = arith.constant 0 : i32
    %parallel_loop3A_298 = arith.constant 0 : i32
    %parallel_loop3A_299 = arith.constant 0 : i32
    scf.for %parallel_loop3A_1183 = %parallel_loop3A to %parallel_loop3A_295 step %parallel_loop3A_296  : i32 {
      %parallel_loop3A_1184 = arith.constant 3 : i32
      %parallel_loop3A_1185 = arith.shrsi %parallel_loop3A_1183, %parallel_loop3A_1184 : i32
      %parallel_loop3A_1186 = arith.constant 7 : i32
      %parallel_loop3A_1187 = arith.andi %parallel_loop3A_1183, %parallel_loop3A_1186 : i32
      %parallel_loop3A_1188 = arith.constant 16 : i32
      %parallel_loop3A_1189 = arith.muli %parallel_loop3A_1187, %parallel_loop3A_1188 : i32
      %parallel_loop3A_1190 = arith.constant 0 : i32
      %parallel_loop3A_1191 = arith.constant 0 : i32
      %parallel_loop3A_1192 = tpu.memref_slice %arg11[%parallel_loop3A_297, %parallel_loop3A_1190, %parallel_loop3A_1191] : memref<2x80x128xf32, #tpu.memory_space<vmem>> -> memref<1x80x128xf32, #tpu.memory_space<vmem>>
      %parallel_loop3A_1193 = tpu.memref_squeeze %parallel_loop3A_1192 : memref<1x80x128xf32, #tpu.memory_space<vmem>> -> memref<80x128xf32, #tpu.memory_space<vmem>>
      %parallel_loop3A_1194 = arith.index_cast %parallel_loop3A_1185 : i32 to index
      %parallel_loop3A_1195 = arith.index_cast %parallel_loop3A_1189 : i32 to index
      %parallel_loop3A_1196 = tpu.vector_load %parallel_loop3A_1193[%parallel_loop3A_1194, %parallel_loop3A_1195] {strides = array<i32>} : memref<80x128xf32, #tpu.memory_space<vmem>>, vector<16xf32>,
      %parallel_loop3A_1197 = arith.constant 0 : i32
      %parallel_loop3A_1198 = arith.constant 0 : i32
      %parallel_loop3A_1199 = tpu.memref_slice %arg12[%parallel_loop3A_298, %parallel_loop3A_1197, %parallel_loop3A_1198] : memref<2x80x128xf32, #tpu.memory_space<vmem>> -> memref<1x80x128xf32, #tpu.memory_space<vmem>>
      %parallel_loop3A_1200 = tpu.memref_squeeze %parallel_loop3A_1199 : memref<1x80x128xf32, #tpu.memory_space<vmem>> -> memref<80x128xf32, #tpu.memory_space<vmem>>
      %parallel_loop3A_1201 = arith.index_cast %parallel_loop3A_1185 : i32 to index
      %parallel_loop3A_1202 = arith.index_cast %parallel_loop3A_1189 : i32 to index
      %parallel_loop3A_1203 = tpu.vector_load %parallel_loop3A_1200[%parallel_loop3A_1201, %parallel_loop3A_1202] {strides = array<i32>} : memref<80x128xf32, #tpu.memory_space<vmem>>, vector<16xf32>,
      %parallel_loop3A_1204 = arith.addf %parallel_loop3A_1196, %parallel_loop3A_1203 : vector<16xf32>
      %parallel_loop3A_1205 = arith.constant 0 : i32
      %parallel_loop3A_1206 = arith.constant 0 : i32
      %parallel_loop3A_1207 = tpu.memref_slice %arg10[%parallel_loop3A_299, %parallel_loop3A_1205, %parallel_loop3A_1206] : memref<2x80x128xf32, #tpu.memory_space<vmem>> -> memref<1x80x128xf32, #tpu.memory_space<vmem>>
      %parallel_loop3A_1208 = tpu.memref_squeeze %parallel_loop3A_1207 : memref<1x80x128xf32, #tpu.memory_space<vmem>> -> memref<80x128xf32, #tpu.memory_space<vmem>>
      %parallel_loop3A_1209 = arith.index_cast %parallel_loop3A_1185 : i32 to index
      %parallel_loop3A_1210 = arith.index_cast %parallel_loop3A_1189 : i32 to index
      %parallel_loop3A_1211 = tpu.vector_load %parallel_loop3A_1208[%parallel_loop3A_1209, %parallel_loop3A_1210] {strides = array<i32>} : memref<80x128xf32, #tpu.memory_space<vmem>>, vector<16xf32>,
      tpu.vector_store %parallel_loop3A_1208[%parallel_loop3A_1209, %parallel_loop3A_1210], %parallel_loop3A_1204 {add = true, strides = array<i32>} : memref<80x128xf32, #tpu.memory_space<vmem>>, vector<16xf32>,
    } {sc.loop_unroll_factor = 4 : i64, sc.parallel_access}
    %add3A_300 = arith.constant 0 : i32
    %add3A_301 = arith.addi %min3A_3, %add3A_300 : i32
    %dma_start3A_302 = arith.constant 0 : i32
    %dma_start3A_303 = arith.constant 0 : i32
    %dma_start3A_304 = arith.constant 0 : i32
    %dma_start3A_305 = tpu.memref_slice %arg10[%dma_start3A_302, %dma_start3A_303, %dma_start3A_304] : memref<2x80x128xf32, #tpu.memory_space<vmem>> -> memref<1x80x128xf32, #tpu.memory_space<vmem>>
    %dma_start3A_306 = tpu.memref_squeeze %dma_start3A_305 : memref<1x80x128xf32, #tpu.memory_space<vmem>> -> memref<80x128xf32, #tpu.memory_space<vmem>>
    %dma_start3A_307 = arith.constant 0 : i32
    %dma_start3A_308 = tpu.memref_slice %arg7[%add3A_301, %dma_start3A_307] : memref<10000x128xf32, #tpu.memory_space<hbm>> -> memref<80x128xf32, #tpu.memory_space<hbm>>
    %dma_start3A_309 = arith.constant 0 : i32
    %dma_start3A_310 = tpu.memref_slice %arg7[%add3A_301, %dma_start3A_309] : memref<10000x128xf32, #tpu.memory_space<hbm>> -> memref<80x128xf32, #tpu.memory_space<hbm>>
    %dma_start3A_311 = arith.constant 0 : i32
    %dma_start3A_312 = arith.constant 0 : i32
    %dma_start3A_313 = tpu.memref_slice %arg10[%dma_start3A_302, %dma_start3A_311, %dma_start3A_312] : memref<2x80x128xf32, #tpu.memory_space<vmem>> -> memref<1x80x128xf32, #tpu.memory_space<vmem>>
    %dma_start3A_314 = tpu.memref_squeeze %dma_start3A_313 : memref<1x80x128xf32, #tpu.memory_space<vmem>> -> memref<80x128xf32, #tpu.memory_space<vmem>>
    tpu.enqueue_dma source(%dma_start3A_314 : memref<80x128xf32, #tpu.memory_space<vmem>>) target(%dma_start3A_310 : memref<80x128xf32, #tpu.memory_space<hbm>>) target_semaphore(%arg15 : memref<!tpu.dma_semaphore, #tpu.memory_space<semaphore_mem>>)
    %dma_wait3A_315 = arith.constant 1 : i32
    %dma_wait3A_316 = arith.constant 0 : i32
    %dma_wait3A_317 = tpu.memref_slice %arg8[%dma_wait3A_315, %dma_wait3A_316] : memref<2x80xi32, #tpu.memory_space<vmem>> -> memref<1x80xi32, #tpu.memory_space<vmem>>
    %dma_wait3A_318 = tpu.memref_squeeze %dma_wait3A_317 : memref<1x80xi32, #tpu.memory_space<vmem>> -> memref<80xi32, #tpu.memory_space<vmem>>
    %dma_wait3A_319 = tpu.memref_slice %arg3[%add3A_239] : memref<10240xi32, #tpu.memory_space<hbm>> -> memref<80xi32, #tpu.memory_space<hbm>>
    %dma_wait3A_320 = arith.constant 0 : i32
    %dma_wait3A_321 = tpu.memref_slice %arg8[%dma_wait3A_315, %dma_wait3A_320] : memref<2x80xi32, #tpu.memory_space<vmem>> -> memref<1x80xi32, #tpu.memory_space<vmem>>
    %dma_wait3A_322 = tpu.memref_squeeze %dma_wait3A_321 : memref<1x80xi32, #tpu.memory_space<vmem>> -> memref<80xi32, #tpu.memory_space<vmem>>
    %dma_wait3A_323 = tpu.memref_slice %arg3[%add3A_239] : memref<10240xi32, #tpu.memory_space<hbm>> -> memref<80xi32, #tpu.memory_space<hbm>>
    tpu.wait_dma2 semaphore(%arg13 : memref<!tpu.dma_semaphore, #tpu.memory_space<semaphore_mem>>) src(%dma_wait3A_323 : memref<80xi32, #tpu.memory_space<hbm>>) dst(%dma_wait3A_322 : memref<80xi32, #tpu.memory_space<vmem>>)
    %dma_wait3A_324 = arith.constant 1 : i32
    %dma_wait3A_325 = arith.constant 0 : i32
    %dma_wait3A_326 = tpu.memref_slice %arg9[%dma_wait3A_324, %dma_wait3A_325] : memref<2x80xi32, #tpu.memory_space<vmem>> -> memref<1x80xi32, #tpu.memory_space<vmem>>
    %dma_wait3A_327 = tpu.memref_squeeze %dma_wait3A_326 : memref<1x80xi32, #tpu.memory_space<vmem>> -> memref<80xi32, #tpu.memory_space<vmem>>
    %dma_wait3A_328 = tpu.memref_slice %arg4[%add3A_239] : memref<10240xi32, #tpu.memory_space<hbm>> -> memref<80xi32, #tpu.memory_space<hbm>>
    %dma_wait3A_329 = arith.constant 0 : i32
    %dma_wait3A_330 = tpu.memref_slice %arg9[%dma_wait3A_324, %dma_wait3A_329] : memref<2x80xi32, #tpu.memory_space<vmem>> -> memref<1x80xi32, #tpu.memory_space<vmem>>
    %dma_wait3A_331 = tpu.memref_squeeze %dma_wait3A_330 : memref<1x80xi32, #tpu.memory_space<vmem>> -> memref<80xi32, #tpu.memory_space<vmem>>
    %dma_wait3A_332 = tpu.memref_slice %arg4[%add3A_239] : memref<10240xi32, #tpu.memory_space<hbm>> -> memref<80xi32, #tpu.memory_space<hbm>>
    tpu.wait_dma2 semaphore(%arg13 : memref<!tpu.dma_semaphore, #tpu.memory_space<semaphore_mem>>) src(%dma_wait3A_332 : memref<80xi32, #tpu.memory_space<hbm>>) dst(%dma_wait3A_331 : memref<80xi32, #tpu.memory_space<vmem>>)
    %dma_wait3A_333 = arith.constant 1 : i32
    %dma_wait3A_334 = arith.constant 0 : i32
    %dma_wait3A_335 = arith.constant 0 : i32
    %dma_wait3A_336 = tpu.memref_slice %arg10[%dma_wait3A_333, %dma_wait3A_334, %dma_wait3A_335] : memref<2x80x128xf32, #tpu.memory_space<vmem>> -> memref<1x80x128xf32, #tpu.memory_space<vmem>>
    %dma_wait3A_337 = tpu.memref_squeeze %dma_wait3A_336 : memref<1x80x128xf32, #tpu.memory_space<vmem>> -> memref<80x128xf32, #tpu.memory_space<vmem>>
    %dma_wait3A_338 = arith.constant 0 : i32
    %dma_wait3A_339 = tpu.memref_slice %arg2[%add3A_239, %dma_wait3A_338] : memref<10000x128xf32, #tpu.memory_space<hbm>> -> memref<80x128xf32, #tpu.memory_space<hbm>>
    %dma_wait3A_340 = arith.constant 0 : i32
    %dma_wait3A_341 = arith.constant 0 : i32
    %dma_wait3A_342 = tpu.memref_slice %arg10[%dma_wait3A_333, %dma_wait3A_340, %dma_wait3A_341] : memref<2x80x128xf32, #tpu.memory_space<vmem>> -> memref<1x80x128xf32, #tpu.memory_space<vmem>>
    %dma_wait3A_343 = tpu.memref_squeeze %dma_wait3A_342 : memref<1x80x128xf32, #tpu.memory_space<vmem>> -> memref<80x128xf32, #tpu.memory_space<vmem>>
    %dma_wait3A_344 = arith.constant 0 : i32
    %dma_wait3A_345 = tpu.memref_slice %arg2[%add3A_239, %dma_wait3A_344] : memref<10000x128xf32, #tpu.memory_space<hbm>> -> memref<80x128xf32, #tpu.memory_space<hbm>>
    tpu.wait_dma2 semaphore(%arg13 : memref<!tpu.dma_semaphore, #tpu.memory_space<semaphore_mem>>) src(%dma_wait3A_345 : memref<80x128xf32, #tpu.memory_space<hbm>>) dst(%dma_wait3A_343 : memref<80x128xf32, #tpu.memory_space<vmem>>)
    %get3A_346 = arith.constant 1 : i32
    %get3A_347 = arith.constant 0 : i32
    %get3A_348 = tpu.memref_slice %arg8[%get3A_346, %get3A_347] : memref<2x80xi32, #tpu.memory_space<vmem>> -> memref<1x80xi32, #tpu.memory_space<vmem>>
    %get3A_349 = tpu.memref_squeeze %get3A_348 : memref<1x80xi32, #tpu.memory_space<vmem>> -> memref<80xi32, #tpu.memory_space<vmem>>
    %get3A_350 = arith.constant 0 : index
    %get3A_351 = tpu.vector_load %get3A_349[%get3A_350] {strides = array<i32>} : memref<80xi32, #tpu.memory_space<vmem>>, vector<16xi32>,
    %min3A_352 = arith.constant 511 : i32
    %min3A_353 = vector.broadcast %min3A_352 : i32 to vector<16xi32>
    %min3A_354 = arith.minsi %get3A_351, %min3A_353 : vector<16xi32>
    %swap3A_355 = arith.constant 1 : i32
    %swap3A_356 = arith.constant 0 : i32
    %swap3A_357 = tpu.memref_slice %arg8[%swap3A_355, %swap3A_356] : memref<2x80xi32, #tpu.memory_space<vmem>> -> memref<1x80xi32, #tpu.memory_space<vmem>>
    %swap3A_358 = tpu.memref_squeeze %swap3A_357 : memref<1x80xi32, #tpu.memory_space<vmem>> -> memref<80xi32, #tpu.memory_space<vmem>>
    %swap3A_359 = arith.constant 0 : index
    %swap3A_360 = tpu.vector_load %swap3A_358[%swap3A_359] {strides = array<i32>} : memref<80xi32, #tpu.memory_space<vmem>>, vector<16xi32>,
    tpu.vector_store %swap3A_358[%swap3A_359], %min3A_354 {strides = array<i32>} : memref<80xi32, #tpu.memory_space<vmem>>, vector<16xi32>,
    %get3A_361 = arith.constant 1 : i32
    %get3A_362 = arith.constant 0 : i32
    %get3A_363 = tpu.memref_slice %arg9[%get3A_361, %get3A_362] : memref<2x80xi32, #tpu.memory_space<vmem>> -> memref<1x80xi32, #tpu.memory_space<vmem>>
    %get3A_364 = tpu.memref_squeeze %get3A_363 : memref<1x80xi32, #tpu.memory_space<vmem>> -> memref<80xi32, #tpu.memory_space<vmem>>
    %get3A_365 = arith.constant 0 : index
    %get3A_366 = tpu.vector_load %get3A_364[%get3A_365] {strides = array<i32>} : memref<80xi32, #tpu.memory_space<vmem>>, vector<16xi32>,
    %min3A_367 = arith.constant 511 : i32
    %min3A_368 = vector.broadcast %min3A_367 : i32 to vector<16xi32>
    %min3A_369 = arith.minsi %get3A_366, %min3A_368 : vector<16xi32>
    %swap3A_370 = arith.constant 1 : i32
    %swap3A_371 = arith.constant 0 : i32
    %swap3A_372 = tpu.memref_slice %arg9[%swap3A_370, %swap3A_371] : memref<2x80xi32, #tpu.memory_space<vmem>> -> memref<1x80xi32, #tpu.memory_space<vmem>>
    %swap3A_373 = tpu.memref_squeeze %swap3A_372 : memref<1x80xi32, #tpu.memory_space<vmem>> -> memref<80xi32, #tpu.memory_space<vmem>>
    %swap3A_374 = arith.constant 0 : index
    %swap3A_375 = tpu.vector_load %swap3A_373[%swap3A_374] {strides = array<i32>} : memref<80xi32, #tpu.memory_space<vmem>>, vector<16xi32>,
    tpu.vector_store %swap3A_373[%swap3A_374], %min3A_369 {strides = array<i32>} : memref<80xi32, #tpu.memory_space<vmem>>, vector<16xi32>,
    %get3A_376 = arith.constant 1 : i32
    %get3A_377 = arith.constant 0 : i32
    %get3A_378 = tpu.memref_slice %arg8[%get3A_376, %get3A_377] : memref<2x80xi32, #tpu.memory_space<vmem>> -> memref<1x80xi32, #tpu.memory_space<vmem>>
    %get3A_379 = tpu.memref_squeeze %get3A_378 : memref<1x80xi32, #tpu.memory_space<vmem>> -> memref<80xi32, #tpu.memory_space<vmem>>
    %get3A_380 = arith.constant 16 : index
    %get3A_381 = tpu.vector_load %get3A_379[%get3A_380] {strides = array<i32>} : memref<80xi32, #tpu.memory_space<vmem>>, vector<16xi32>,
    %min3A_382 = arith.constant 511 : i32
    %min3A_383 = vector.broadcast %min3A_382 : i32 to vector<16xi32>
    %min3A_384 = arith.minsi %get3A_381, %min3A_383 : vector<16xi32>
    %swap3A_385 = arith.constant 1 : i32
    %swap3A_386 = arith.constant 0 : i32
    %swap3A_387 = tpu.memref_slice %arg8[%swap3A_385, %swap3A_386] : memref<2x80xi32, #tpu.memory_space<vmem>> -> memref<1x80xi32, #tpu.memory_space<vmem>>
    %swap3A_388 = tpu.memref_squeeze %swap3A_387 : memref<1x80xi32, #tpu.memory_space<vmem>> -> memref<80xi32, #tpu.memory_space<vmem>>
    %swap3A_389 = arith.constant 16 : index
    %swap3A_390 = tpu.vector_load %swap3A_388[%swap3A_389] {strides = array<i32>} : memref<80xi32, #tpu.memory_space<vmem>>, vector<16xi32>,
    tpu.vector_store %swap3A_388[%swap3A_389], %min3A_384 {strides = array<i32>} : memref<80xi32, #tpu.memory_space<vmem>>, vector<16xi32>,
    %get3A_391 = arith.constant 1 : i32
    %get3A_392 = arith.constant 0 : i32
    %get3A_393 = tpu.memref_slice %arg9[%get3A_391, %get3A_392] : memref<2x80xi32, #tpu.memory_space<vmem>> -> memref<1x80xi32, #tpu.memory_space<vmem>>
    %get3A_394 = tpu.memref_squeeze %get3A_393 : memref<1x80xi32, #tpu.memory_space<vmem>> -> memref<80xi32, #tpu.memory_space<vmem>>
    %get3A_395 = arith.constant 16 : index
    %get3A_396 = tpu.vector_load %get3A_394[%get3A_395] {strides = array<i32>} : memref<80xi32, #tpu.memory_space<vmem>>, vector<16xi32>,
    %min3A_397 = arith.constant 511 : i32
    %min3A_398 = vector.broadcast %min3A_397 : i32 to vector<16xi32>
    %min3A_399 = arith.minsi %get3A_396, %min3A_398 : vector<16xi32>
    %swap3A_400 = arith.constant 1 : i32
    %swap3A_401 = arith.constant 0 : i32
    %swap3A_402 = tpu.memref_slice %arg9[%swap3A_400, %swap3A_401] : memref<2x80xi32, #tpu.memory_space<vmem>> -> memref<1x80xi32, #tpu.memory_space<vmem>>
    %swap3A_403 = tpu.memref_squeeze %swap3A_402 : memref<1x80xi32, #tpu.memory_space<vmem>> -> memref<80xi32, #tpu.memory_space<vmem>>
    %swap3A_404 = arith.constant 16 : index
    %swap3A_405 = tpu.vector_load %swap3A_403[%swap3A_404] {strides = array<i32>} : memref<80xi32, #tpu.memory_space<vmem>>, vector<16xi32>,
    tpu.vector_store %swap3A_403[%swap3A_404], %min3A_399 {strides = array<i32>} : memref<80xi32, #tpu.memory_space<vmem>>, vector<16xi32>,
    %get3A_406 = arith.constant 1 : i32
    %get3A_407 = arith.constant 0 : i32
    %get3A_408 = tpu.memref_slice %arg8[%get3A_406, %get3A_407] : memref<2x80xi32, #tpu.memory_space<vmem>> -> memref<1x80xi32, #tpu.memory_space<vmem>>
    %get3A_409 = tpu.memref_squeeze %get3A_408 : memref<1x80xi32, #tpu.memory_space<vmem>> -> memref<80xi32, #tpu.memory_space<vmem>>
    %get3A_410 = arith.constant 32 : index
    %get3A_411 = tpu.vector_load %get3A_409[%get3A_410] {strides = array<i32>} : memref<80xi32, #tpu.memory_space<vmem>>, vector<16xi32>,
    %min3A_412 = arith.constant 511 : i32
    %min3A_413 = vector.broadcast %min3A_412 : i32 to vector<16xi32>
    %min3A_414 = arith.minsi %get3A_411, %min3A_413 : vector<16xi32>
    %swap3A_415 = arith.constant 1 : i32
    %swap3A_416 = arith.constant 0 : i32
    %swap3A_417 = tpu.memref_slice %arg8[%swap3A_415, %swap3A_416] : memref<2x80xi32, #tpu.memory_space<vmem>> -> memref<1x80xi32, #tpu.memory_space<vmem>>
    %swap3A_418 = tpu.memref_squeeze %swap3A_417 : memref<1x80xi32, #tpu.memory_space<vmem>> -> memref<80xi32, #tpu.memory_space<vmem>>
    %swap3A_419 = arith.constant 32 : index
    %swap3A_420 = tpu.vector_load %swap3A_418[%swap3A_419] {strides = array<i32>} : memref<80xi32, #tpu.memory_space<vmem>>, vector<16xi32>,
    tpu.vector_store %swap3A_418[%swap3A_419], %min3A_414 {strides = array<i32>} : memref<80xi32, #tpu.memory_space<vmem>>, vector<16xi32>,
    %get3A_421 = arith.constant 1 : i32
    %get3A_422 = arith.constant 0 : i32
    %get3A_423 = tpu.memref_slice %arg9[%get3A_421, %get3A_422] : memref<2x80xi32, #tpu.memory_space<vmem>> -> memref<1x80xi32, #tpu.memory_space<vmem>>
    %get3A_424 = tpu.memref_squeeze %get3A_423 : memref<1x80xi32, #tpu.memory_space<vmem>> -> memref<80xi32, #tpu.memory_space<vmem>>
    %get3A_425 = arith.constant 32 : index
    %get3A_426 = tpu.vector_load %get3A_424[%get3A_425] {strides = array<i32>} : memref<80xi32, #tpu.memory_space<vmem>>, vector<16xi32>,
    %min3A_427 = arith.constant 511 : i32
    %min3A_428 = vector.broadcast %min3A_427 : i32 to vector<16xi32>
    %min3A_429 = arith.minsi %get3A_426, %min3A_428 : vector<16xi32>
    %swap3A_430 = arith.constant 1 : i32
    %swap3A_431 = arith.constant 0 : i32
    %swap3A_432 = tpu.memref_slice %arg9[%swap3A_430, %swap3A_431] : memref<2x80xi32, #tpu.memory_space<vmem>> -> memref<1x80xi32, #tpu.memory_space<vmem>>
    %swap3A_433 = tpu.memref_squeeze %swap3A_432 : memref<1x80xi32, #tpu.memory_space<vmem>> -> memref<80xi32, #tpu.memory_space<vmem>>
    %swap3A_434 = arith.constant 32 : index
    %swap3A_435 = tpu.vector_load %swap3A_433[%swap3A_434] {strides = array<i32>} : memref<80xi32, #tpu.memory_space<vmem>>, vector<16xi32>,
    tpu.vector_store %swap3A_433[%swap3A_434], %min3A_429 {strides = array<i32>} : memref<80xi32, #tpu.memory_space<vmem>>, vector<16xi32>,
    %get3A_436 = arith.constant 1 : i32
    %get3A_437 = arith.constant 0 : i32
    %get3A_438 = tpu.memref_slice %arg8[%get3A_436, %get3A_437] : memref<2x80xi32, #tpu.memory_space<vmem>> -> memref<1x80xi32, #tpu.memory_space<vmem>>
    %get3A_439 = tpu.memref_squeeze %get3A_438 : memref<1x80xi32, #tpu.memory_space<vmem>> -> memref<80xi32, #tpu.memory_space<vmem>>
    %get3A_440 = arith.constant 48 : index
    %get3A_441 = tpu.vector_load %get3A_439[%get3A_440] {strides = array<i32>} : memref<80xi32, #tpu.memory_space<vmem>>, vector<16xi32>,
    %min3A_442 = arith.constant 511 : i32
    %min3A_443 = vector.broadcast %min3A_442 : i32 to vector<16xi32>
    %min3A_444 = arith.minsi %get3A_441, %min3A_443 : vector<16xi32>
    %swap3A_445 = arith.constant 1 : i32
    %swap3A_446 = arith.constant 0 : i32
    %swap3A_447 = tpu.memref_slice %arg8[%swap3A_445, %swap3A_446] : memref<2x80xi32, #tpu.memory_space<vmem>> -> memref<1x80xi32, #tpu.memory_space<vmem>>
    %swap3A_448 = tpu.memref_squeeze %swap3A_447 : memref<1x80xi32, #tpu.memory_space<vmem>> -> memref<80xi32, #tpu.memory_space<vmem>>
    %swap3A_449 = arith.constant 48 : index
    %swap3A_450 = tpu.vector_load %swap3A_448[%swap3A_449] {strides = array<i32>} : memref<80xi32, #tpu.memory_space<vmem>>, vector<16xi32>,
    tpu.vector_store %swap3A_448[%swap3A_449], %min3A_444 {strides = array<i32>} : memref<80xi32, #tpu.memory_space<vmem>>, vector<16xi32>,
    %get3A_451 = arith.constant 1 : i32
    %get3A_452 = arith.constant 0 : i32
    %get3A_453 = tpu.memref_slice %arg9[%get3A_451, %get3A_452] : memref<2x80xi32, #tpu.memory_space<vmem>> -> memref<1x80xi32, #tpu.memory_space<vmem>>
    %get3A_454 = tpu.memref_squeeze %get3A_453 : memref<1x80xi32, #tpu.memory_space<vmem>> -> memref<80xi32, #tpu.memory_space<vmem>>
    %get3A_455 = arith.constant 48 : index
    %get3A_456 = tpu.vector_load %get3A_454[%get3A_455] {strides = array<i32>} : memref<80xi32, #tpu.memory_space<vmem>>, vector<16xi32>,
    %min3A_457 = arith.constant 511 : i32
    %min3A_458 = vector.broadcast %min3A_457 : i32 to vector<16xi32>
    %min3A_459 = arith.minsi %get3A_456, %min3A_458 : vector<16xi32>
    %swap3A_460 = arith.constant 1 : i32
    %swap3A_461 = arith.constant 0 : i32
    %swap3A_462 = tpu.memref_slice %arg9[%swap3A_460, %swap3A_461] : memref<2x80xi32, #tpu.memory_space<vmem>> -> memref<1x80xi32, #tpu.memory_space<vmem>>
    %swap3A_463 = tpu.memref_squeeze %swap3A_462 : memref<1x80xi32, #tpu.memory_space<vmem>> -> memref<80xi32, #tpu.memory_space<vmem>>
    %swap3A_464 = arith.constant 48 : index
    %swap3A_465 = tpu.vector_load %swap3A_463[%swap3A_464] {strides = array<i32>} : memref<80xi32, #tpu.memory_space<vmem>>, vector<16xi32>,
    tpu.vector_store %swap3A_463[%swap3A_464], %min3A_459 {strides = array<i32>} : memref<80xi32, #tpu.memory_space<vmem>>, vector<16xi32>,
    %get3A_466 = arith.constant 1 : i32
    %get3A_467 = arith.constant 0 : i32
    %get3A_468 = tpu.memref_slice %arg8[%get3A_466, %get3A_467] : memref<2x80xi32, #tpu.memory_space<vmem>> -> memref<1x80xi32, #tpu.memory_space<vmem>>
    %get3A_469 = tpu.memref_squeeze %get3A_468 : memref<1x80xi32, #tpu.memory_space<vmem>> -> memref<80xi32, #tpu.memory_space<vmem>>
    %get3A_470 = arith.constant 64 : index
    %get3A_471 = tpu.vector_load %get3A_469[%get3A_470] {strides = array<i32>} : memref<80xi32, #tpu.memory_space<vmem>>, vector<16xi32>,
    %min3A_472 = arith.constant 511 : i32
    %min3A_473 = vector.broadcast %min3A_472 : i32 to vector<16xi32>
    %min3A_474 = arith.minsi %get3A_471, %min3A_473 : vector<16xi32>
    %swap3A_475 = arith.constant 1 : i32
    %swap3A_476 = arith.constant 0 : i32
    %swap3A_477 = tpu.memref_slice %arg8[%swap3A_475, %swap3A_476] : memref<2x80xi32, #tpu.memory_space<vmem>> -> memref<1x80xi32, #tpu.memory_space<vmem>>
    %swap3A_478 = tpu.memref_squeeze %swap3A_477 : memref<1x80xi32, #tpu.memory_space<vmem>> -> memref<80xi32, #tpu.memory_space<vmem>>
    %swap3A_479 = arith.constant 64 : index
    %swap3A_480 = tpu.vector_load %swap3A_478[%swap3A_479] {strides = array<i32>} : memref<80xi32, #tpu.memory_space<vmem>>, vector<16xi32>,
    tpu.vector_store %swap3A_478[%swap3A_479], %min3A_474 {strides = array<i32>} : memref<80xi32, #tpu.memory_space<vmem>>, vector<16xi32>,
    %get3A_481 = arith.constant 1 : i32
    %get3A_482 = arith.constant 0 : i32
    %get3A_483 = tpu.memref_slice %arg9[%get3A_481, %get3A_482] : memref<2x80xi32, #tpu.memory_space<vmem>> -> memref<1x80xi32, #tpu.memory_space<vmem>>
    %get3A_484 = tpu.memref_squeeze %get3A_483 : memref<1x80xi32, #tpu.memory_space<vmem>> -> memref<80xi32, #tpu.memory_space<vmem>>
    %get3A_485 = arith.constant 64 : index
    %get3A_486 = tpu.vector_load %get3A_484[%get3A_485] {strides = array<i32>} : memref<80xi32, #tpu.memory_space<vmem>>, vector<16xi32>,
    %min3A_487 = arith.constant 511 : i32
    %min3A_488 = vector.broadcast %min3A_487 : i32 to vector<16xi32>
    %min3A_489 = arith.minsi %get3A_486, %min3A_488 : vector<16xi32>
    %swap3A_490 = arith.constant 1 : i32
    %swap3A_491 = arith.constant 0 : i32
    %swap3A_492 = tpu.memref_slice %arg9[%swap3A_490, %swap3A_491] : memref<2x80xi32, #tpu.memory_space<vmem>> -> memref<1x80xi32, #tpu.memory_space<vmem>>
    %swap3A_493 = tpu.memref_squeeze %swap3A_492 : memref<1x80xi32, #tpu.memory_space<vmem>> -> memref<80xi32, #tpu.memory_space<vmem>>
    %swap3A_494 = arith.constant 64 : index
    %swap3A_495 = tpu.vector_load %swap3A_493[%swap3A_494] {strides = array<i32>} : memref<80xi32, #tpu.memory_space<vmem>>, vector<16xi32>,
    tpu.vector_store %swap3A_493[%swap3A_494], %min3A_489 {strides = array<i32>} : memref<80xi32, #tpu.memory_space<vmem>>, vector<16xi32>,
    %dma_start3A_496 = arith.constant 1 : i32
    %dma_start3A_497 = arith.constant 1 : i32
    %dma_start3A_498 = arith.constant 0 : i32
    %dma_start3A_499 = arith.constant 0 : i32
    %dma_start3A_500 = tpu.memref_slice %arg11[%dma_start3A_497, %dma_start3A_498, %dma_start3A_499] : memref<2x80x128xf32, #tpu.memory_space<vmem>> -> memref<1x80x128xf32, #tpu.memory_space<vmem>>
    %dma_start3A_501 = tpu.memref_squeeze %dma_start3A_500 : memref<1x80x128xf32, #tpu.memory_space<vmem>> -> memref<80x128xf32, #tpu.memory_space<vmem>>
    %dma_start3A_502 = arith.constant 0 : i32
    %dma_start3A_503 = tpu.memref_slice %arg8[%dma_start3A_496, %dma_start3A_502] : memref<2x80xi32, #tpu.memory_space<vmem>> -> memref<1x80xi32, #tpu.memory_space<vmem>>
    %dma_start3A_504 = tpu.memref_squeeze %dma_start3A_503 : memref<1x80xi32, #tpu.memory_space<vmem>> -> memref<80xi32, #tpu.memory_space<vmem>>
    %dma_start3A_505 = arith.constant 0 : i32
    %dma_start3A_506 = arith.constant 0 : i32
    %dma_start3A_507 = tpu.memref_slice %arg5[%dma_start3A_505, %dma_start3A_506] : memref<512x128xf32, #tpu.memory_space<hbm>> -> memref<512x128xf32, #tpu.memory_space<hbm>>
    tpu.enqueue_indirect_dma source(%dma_start3A_507 : memref<512x128xf32, #tpu.memory_space<hbm>>) target(%dma_start3A_501 : memref<80x128xf32, #tpu.memory_space<vmem>>) offsets(%dma_start3A_504 : memref<80xi32, #tpu.memory_space<vmem>>) semaphore(%arg14 : memref<!tpu.dma_semaphore, #tpu.memory_space<semaphore_mem>>)
    %dma_start3A_508 = arith.constant 1 : i32
    %dma_start3A_509 = arith.constant 1 : i32
    %dma_start3A_510 = arith.constant 0 : i32
    %dma_start3A_511 = arith.constant 0 : i32
    %dma_start3A_512 = tpu.memref_slice %arg12[%dma_start3A_509, %dma_start3A_510, %dma_start3A_511] : memref<2x80x128xf32, #tpu.memory_space<vmem>> -> memref<1x80x128xf32, #tpu.memory_space<vmem>>
    %dma_start3A_513 = tpu.memref_squeeze %dma_start3A_512 : memref<1x80x128xf32, #tpu.memory_space<vmem>> -> memref<80x128xf32, #tpu.memory_space<vmem>>
    %dma_start3A_514 = arith.constant 0 : i32
    %dma_start3A_515 = tpu.memref_slice %arg9[%dma_start3A_508, %dma_start3A_514] : memref<2x80xi32, #tpu.memory_space<vmem>> -> memref<1x80xi32, #tpu.memory_space<vmem>>
    %dma_start3A_516 = tpu.memref_squeeze %dma_start3A_515 : memref<1x80xi32, #tpu.memory_space<vmem>> -> memref<80xi32, #tpu.memory_space<vmem>>
    %dma_start3A_517 = arith.constant 0 : i32
    %dma_start3A_518 = arith.constant 0 : i32
    %dma_start3A_519 = tpu.memref_slice %arg6[%dma_start3A_517, %dma_start3A_518] : memref<512x128xf32, #tpu.memory_space<hbm>> -> memref<512x128xf32, #tpu.memory_space<hbm>>
    tpu.enqueue_indirect_dma source(%dma_start3A_519 : memref<512x128xf32, #tpu.memory_space<hbm>>) target(%dma_start3A_513 : memref<80x128xf32, #tpu.memory_space<vmem>>) offsets(%dma_start3A_516 : memref<80xi32, #tpu.memory_space<vmem>>) semaphore(%arg14 : memref<!tpu.dma_semaphore, #tpu.memory_space<semaphore_mem>>)
    %dma_wait3A_520 = arith.constant 0 : i32
    %dma_wait3A_521 = arith.constant 0 : i32
    %dma_wait3A_522 = arith.constant 0 : i32
    %dma_wait3A_523 = tpu.memref_slice %arg10[%dma_wait3A_520, %dma_wait3A_521, %dma_wait3A_522] : memref<2x80x128xf32, #tpu.memory_space<vmem>> -> memref<1x80x128xf32, #tpu.memory_space<vmem>>
    %dma_wait3A_524 = tpu.memref_squeeze %dma_wait3A_523 : memref<1x80x128xf32, #tpu.memory_space<vmem>> -> memref<80x128xf32, #tpu.memory_space<vmem>>
    %dma_wait3A_525 = arith.constant 0 : i32
    %dma_wait3A_526 = tpu.memref_slice %arg7[%add3A_301, %dma_wait3A_525] : memref<10000x128xf32, #tpu.memory_space<hbm>> -> memref<80x128xf32, #tpu.memory_space<hbm>>
    %dma_wait3A_527 = arith.constant 0 : i32
    %dma_wait3A_528 = tpu.memref_slice %arg7[%add3A_301, %dma_wait3A_527] : memref<10000x128xf32, #tpu.memory_space<hbm>> -> memref<80x128xf32, #tpu.memory_space<hbm>>
    %dma_wait3A_529 = arith.constant 0 : i32
    %dma_wait3A_530 = arith.constant 0 : i32
    %dma_wait3A_531 = tpu.memref_slice %arg10[%dma_wait3A_520, %dma_wait3A_529, %dma_wait3A_530] : memref<2x80x128xf32, #tpu.memory_space<vmem>> -> memref<1x80x128xf32, #tpu.memory_space<vmem>>
    %dma_wait3A_532 = tpu.memref_squeeze %dma_wait3A_531 : memref<1x80x128xf32, #tpu.memory_space<vmem>> -> memref<80x128xf32, #tpu.memory_space<vmem>>
    tpu.wait_dma2 semaphore(%arg15 : memref<!tpu.dma_semaphore, #tpu.memory_space<semaphore_mem>>) src(%dma_wait3A_532 : memref<80x128xf32, #tpu.memory_space<vmem>>) dst(%dma_wait3A_528 : memref<80x128xf32, #tpu.memory_space<hbm>>)
    %add3A_533 = arith.constant 160 : i32
    %add3A_534 = arith.addi %min3A_3, %add3A_533 : i32
    %dma_start3A_535 = arith.constant 0 : i32
    %dma_start3A_536 = arith.constant 0 : i32
    %dma_start3A_537 = tpu.memref_slice %arg8[%dma_start3A_535, %dma_start3A_536] : memref<2x80xi32, #tpu.memory_space<vmem>> -> memref<1x80xi32, #tpu.memory_space<vmem>>
    %dma_start3A_538 = tpu.memref_squeeze %dma_start3A_537 : memref<1x80xi32, #tpu.memory_space<vmem>> -> memref<80xi32, #tpu.memory_space<vmem>>
    %dma_start3A_539 = tpu.memref_slice %arg3[%add3A_534] : memref<10240xi32, #tpu.memory_space<hbm>> -> memref<80xi32, #tpu.memory_space<hbm>>
    %dma_start3A_540 = arith.constant 0 : i32
    %dma_start3A_541 = tpu.memref_slice %arg8[%dma_start3A_535, %dma_start3A_540] : memref<2x80xi32, #tpu.memory_space<vmem>> -> memref<1x80xi32, #tpu.memory_space<vmem>>
    %dma_start3A_542 = tpu.memref_squeeze %dma_start3A_541 : memref<1x80xi32, #tpu.memory_space<vmem>> -> memref<80xi32, #tpu.memory_space<vmem>>
    %dma_start3A_543 = tpu.memref_slice %arg3[%add3A_534] : memref<10240xi32, #tpu.memory_space<hbm>> -> memref<80xi32, #tpu.memory_space<hbm>>
    tpu.enqueue_dma source(%dma_start3A_543 : memref<80xi32, #tpu.memory_space<hbm>>) target(%dma_start3A_542 : memref<80xi32, #tpu.memory_space<vmem>>) target_semaphore(%arg13 : memref<!tpu.dma_semaphore, #tpu.memory_space<semaphore_mem>>)
    %dma_start3A_544 = arith.constant 0 : i32
    %dma_start3A_545 = arith.constant 0 : i32
    %dma_start3A_546 = tpu.memref_slice %arg9[%dma_start3A_544, %dma_start3A_545] : memref<2x80xi32, #tpu.memory_space<vmem>> -> memref<1x80xi32, #tpu.memory_space<vmem>>
    %dma_start3A_547 = tpu.memref_squeeze %dma_start3A_546 : memref<1x80xi32, #tpu.memory_space<vmem>> -> memref<80xi32, #tpu.memory_space<vmem>>
    %dma_start3A_548 = tpu.memref_slice %arg4[%add3A_534] : memref<10240xi32, #tpu.memory_space<hbm>> -> memref<80xi32, #tpu.memory_space<hbm>>
    %dma_start3A_549 = arith.constant 0 : i32
    %dma_start3A_550 = tpu.memref_slice %arg9[%dma_start3A_544, %dma_start3A_549] : memref<2x80xi32, #tpu.memory_space<vmem>> -> memref<1x80xi32, #tpu.memory_space<vmem>>
    %dma_start3A_551 = tpu.memref_squeeze %dma_start3A_550 : memref<1x80xi32, #tpu.memory_space<vmem>> -> memref<80xi32, #tpu.memory_space<vmem>>
    %dma_start3A_552 = tpu.memref_slice %arg4[%add3A_534] : memref<10240xi32, #tpu.memory_space<hbm>> -> memref<80xi32, #tpu.memory_space<hbm>>
    tpu.enqueue_dma source(%dma_start3A_552 : memref<80xi32, #tpu.memory_space<hbm>>) target(%dma_start3A_551 : memref<80xi32, #tpu.memory_space<vmem>>) target_semaphore(%arg13 : memref<!tpu.dma_semaphore, #tpu.memory_space<semaphore_mem>>)
    %dma_start3A_553 = arith.constant 0 : i32
    %dma_start3A_554 = arith.constant 0 : i32
    %dma_start3A_555 = arith.constant 0 : i32
    %dma_start3A_556 = tpu.memref_slice %arg10[%dma_start3A_553, %dma_start3A_554, %dma_start3A_555] : memref<2x80x128xf32, #tpu.memory_space<vmem>> -> memref<1x80x128xf32, #tpu.memory_space<vmem>>
    %dma_start3A_557 = tpu.memref_squeeze %dma_start3A_556 : memref<1x80x128xf32, #tpu.memory_space<vmem>> -> memref<80x128xf32, #tpu.memory_space<vmem>>
    %dma_start3A_558 = arith.constant 0 : i32
    %dma_start3A_559 = tpu.memref_slice %arg2[%add3A_534, %dma_start3A_558] : memref<10000x128xf32, #tpu.memory_space<hbm>> -> memref<80x128xf32, #tpu.memory_space<hbm>>
    %dma_start3A_560 = arith.constant 0 : i32
    %dma_start3A_561 = arith.constant 0 : i32
    %dma_start3A_562 = tpu.memref_slice %arg10[%dma_start3A_553, %dma_start3A_560, %dma_start3A_561] : memref<2x80x128xf32, #tpu.memory_space<vmem>> -> memref<1x80x128xf32, #tpu.memory_space<vmem>>
    %dma_start3A_563 = tpu.memref_squeeze %dma_start3A_562 : memref<1x80x128xf32, #tpu.memory_space<vmem>> -> memref<80x128xf32, #tpu.memory_space<vmem>>
    %dma_start3A_564 = arith.constant 0 : i32
    %dma_start3A_565 = tpu.memref_slice %arg2[%add3A_534, %dma_start3A_564] : memref<10000x128xf32, #tpu.memory_space<hbm>> -> memref<80x128xf32, #tpu.memory_space<hbm>>
    tpu.enqueue_dma source(%dma_start3A_565 : memref<80x128xf32, #tpu.memory_space<hbm>>) target(%dma_start3A_563 : memref<80x128xf32, #tpu.memory_space<vmem>>) target_semaphore(%arg13 : memref<!tpu.dma_semaphore, #tpu.memory_space<semaphore_mem>>)
    %dma_wait3A_566 = arith.constant 1 : i32
    %dma_wait3A_567 = arith.constant 1 : i32
    %dma_wait3A_568 = arith.constant 0 : i32
    %dma_wait3A_569 = arith.constant 0 : i32
    %dma_wait3A_570 = tpu.memref_slice %arg11[%dma_wait3A_567, %dma_wait3A_568, %dma_wait3A_569] : memref<2x80x128xf32, #tpu.memory_space<vmem>> -> memref<1x80x128xf32, #tpu.memory_space<vmem>>
    %dma_wait3A_571 = tpu.memref_squeeze %dma_wait3A_570 : memref<1x80x128xf32, #tpu.memory_space<vmem>> -> memref<80x128xf32, #tpu.memory_space<vmem>>
    %dma_wait3A_572 = arith.constant 0 : i32
    %dma_wait3A_573 = tpu.memref_slice %arg8[%dma_wait3A_566, %dma_wait3A_572] : memref<2x80xi32, #tpu.memory_space<vmem>> -> memref<1x80xi32, #tpu.memory_space<vmem>>
    %dma_wait3A_574 = tpu.memref_squeeze %dma_wait3A_573 : memref<1x80xi32, #tpu.memory_space<vmem>> -> memref<80xi32, #tpu.memory_space<vmem>>
    %dma_wait3A_575 = arith.constant 0 : i32
    %dma_wait3A_576 = arith.constant 0 : i32
    %dma_wait3A_577 = tpu.memref_slice %arg5[%dma_wait3A_575, %dma_wait3A_576] : memref<512x128xf32, #tpu.memory_space<hbm>> -> memref<512x128xf32, #tpu.memory_space<hbm>>
    tpu.wait_indirect_dma semaphore(%arg14 : memref<!tpu.dma_semaphore, #tpu.memory_space<semaphore_mem>>) src(%dma_wait3A_577 : memref<512x128xf32, #tpu.memory_space<hbm>>) dst(%dma_wait3A_571 : memref<80x128xf32, #tpu.memory_space<vmem>>)
    %dma_wait3A_578 = arith.constant 1 : i32
    %dma_wait3A_579 = arith.constant 1 : i32
    %dma_wait3A_580 = arith.constant 0 : i32
    %dma_wait3A_581 = arith.constant 0 : i32
    %dma_wait3A_582 = tpu.memref_slice %arg12[%dma_wait3A_579, %dma_wait3A_580, %dma_wait3A_581] : memref<2x80x128xf32, #tpu.memory_space<vmem>> -> memref<1x80x128xf32, #tpu.memory_space<vmem>>
    %dma_wait3A_583 = tpu.memref_squeeze %dma_wait3A_582 : memref<1x80x128xf32, #tpu.memory_space<vmem>> -> memref<80x128xf32, #tpu.memory_space<vmem>>
    %dma_wait3A_584 = arith.constant 0 : i32
    %dma_wait3A_585 = tpu.memref_slice %arg9[%dma_wait3A_578, %dma_wait3A_584] : memref<2x80xi32, #tpu.memory_space<vmem>> -> memref<1x80xi32, #tpu.memory_space<vmem>>
    %dma_wait3A_586 = tpu.memref_squeeze %dma_wait3A_585 : memref<1x80xi32, #tpu.memory_space<vmem>> -> memref<80xi32, #tpu.memory_space<vmem>>
    %dma_wait3A_587 = arith.constant 0 : i32
    %dma_wait3A_588 = arith.constant 0 : i32
    %dma_wait3A_589 = tpu.memref_slice %arg6[%dma_wait3A_587, %dma_wait3A_588] : memref<512x128xf32, #tpu.memory_space<hbm>> -> memref<512x128xf32, #tpu.memory_space<hbm>>
    tpu.wait_indirect_dma semaphore(%arg14 : memref<!tpu.dma_semaphore, #tpu.memory_space<semaphore_mem>>) src(%dma_wait3A_589 : memref<512x128xf32, #tpu.memory_space<hbm>>) dst(%dma_wait3A_583 : memref<80x128xf32, #tpu.memory_space<vmem>>)
    %parallel_loop3A_590 = arith.constant 0 : i32
    %parallel_loop3A_591 = arith.constant 640 : i32
    %parallel_loop3A_592 = arith.constant 1 : i32
    %parallel_loop3A_593 = arith.constant 1 : i32
    %parallel_loop3A_594 = arith.constant 1 : i32
    %parallel_loop3A_595 = arith.constant 1 : i32
    scf.for %parallel_loop3A_1183 = %parallel_loop3A_590 to %parallel_loop3A_591 step %parallel_loop3A_592  : i32 {
      %parallel_loop3A_1184 = arith.constant 3 : i32
      %parallel_loop3A_1185 = arith.shrsi %parallel_loop3A_1183, %parallel_loop3A_1184 : i32
      %parallel_loop3A_1186 = arith.constant 7 : i32
      %parallel_loop3A_1187 = arith.andi %parallel_loop3A_1183, %parallel_loop3A_1186 : i32
      %parallel_loop3A_1188 = arith.constant 16 : i32
      %parallel_loop3A_1189 = arith.muli %parallel_loop3A_1187, %parallel_loop3A_1188 : i32
      %parallel_loop3A_1190 = arith.constant 0 : i32
      %parallel_loop3A_1191 = arith.constant 0 : i32
      %parallel_loop3A_1192 = tpu.memref_slice %arg11[%parallel_loop3A_593, %parallel_loop3A_1190, %parallel_loop3A_1191] : memref<2x80x128xf32, #tpu.memory_space<vmem>> -> memref<1x80x128xf32, #tpu.memory_space<vmem>>
      %parallel_loop3A_1193 = tpu.memref_squeeze %parallel_loop3A_1192 : memref<1x80x128xf32, #tpu.memory_space<vmem>> -> memref<80x128xf32, #tpu.memory_space<vmem>>
      %parallel_loop3A_1194 = arith.index_cast %parallel_loop3A_1185 : i32 to index
      %parallel_loop3A_1195 = arith.index_cast %parallel_loop3A_1189 : i32 to index
      %parallel_loop3A_1196 = tpu.vector_load %parallel_loop3A_1193[%parallel_loop3A_1194, %parallel_loop3A_1195] {strides = array<i32>} : memref<80x128xf32, #tpu.memory_space<vmem>>, vector<16xf32>,
      %parallel_loop3A_1197 = arith.constant 0 : i32
      %parallel_loop3A_1198 = arith.constant 0 : i32
      %parallel_loop3A_1199 = tpu.memref_slice %arg12[%parallel_loop3A_594, %parallel_loop3A_1197, %parallel_loop3A_1198] : memref<2x80x128xf32, #tpu.memory_space<vmem>> -> memref<1x80x128xf32, #tpu.memory_space<vmem>>
      %parallel_loop3A_1200 = tpu.memref_squeeze %parallel_loop3A_1199 : memref<1x80x128xf32, #tpu.memory_space<vmem>> -> memref<80x128xf32, #tpu.memory_space<vmem>>
      %parallel_loop3A_1201 = arith.index_cast %parallel_loop3A_1185 : i32 to index
      %parallel_loop3A_1202 = arith.index_cast %parallel_loop3A_1189 : i32 to index
      %parallel_loop3A_1203 = tpu.vector_load %parallel_loop3A_1200[%parallel_loop3A_1201, %parallel_loop3A_1202] {strides = array<i32>} : memref<80x128xf32, #tpu.memory_space<vmem>>, vector<16xf32>,
      %parallel_loop3A_1204 = arith.addf %parallel_loop3A_1196, %parallel_loop3A_1203 : vector<16xf32>
      %parallel_loop3A_1205 = arith.constant 0 : i32
      %parallel_loop3A_1206 = arith.constant 0 : i32
      %parallel_loop3A_1207 = tpu.memref_slice %arg10[%parallel_loop3A_595, %parallel_loop3A_1205, %parallel_loop3A_1206] : memref<2x80x128xf32, #tpu.memory_space<vmem>> -> memref<1x80x128xf32, #tpu.memory_space<vmem>>
      %parallel_loop3A_1208 = tpu.memref_squeeze %parallel_loop3A_1207 : memref<1x80x128xf32, #tpu.memory_space<vmem>> -> memref<80x128xf32, #tpu.memory_space<vmem>>
      %parallel_loop3A_1209 = arith.index_cast %parallel_loop3A_1185 : i32 to index
      %parallel_loop3A_1210 = arith.index_cast %parallel_loop3A_1189 : i32 to index
      %parallel_loop3A_1211 = tpu.vector_load %parallel_loop3A_1208[%parallel_loop3A_1209, %parallel_loop3A_1210] {strides = array<i32>} : memref<80x128xf32, #tpu.memory_space<vmem>>, vector<16xf32>,
      tpu.vector_store %parallel_loop3A_1208[%parallel_loop3A_1209, %parallel_loop3A_1210], %parallel_loop3A_1204 {add = true, strides = array<i32>} : memref<80x128xf32, #tpu.memory_space<vmem>>, vector<16xf32>,
    } {sc.loop_unroll_factor = 4 : i64, sc.parallel_access}
    %add3A_596 = arith.constant 80 : i32
    %add3A_597 = arith.addi %min3A_3, %add3A_596 : i32
    %dma_start3A_598 = arith.constant 1 : i32
    %dma_start3A_599 = arith.constant 0 : i32
    %dma_start3A_600 = arith.constant 0 : i32
    %dma_start3A_601 = tpu.memref_slice %arg10[%dma_start3A_598, %dma_start3A_599, %dma_start3A_600] : memref<2x80x128xf32, #tpu.memory_space<vmem>> -> memref<1x80x128xf32, #tpu.memory_space<vmem>>
    %dma_start3A_602 = tpu.memref_squeeze %dma_start3A_601 : memref<1x80x128xf32, #tpu.memory_space<vmem>> -> memref<80x128xf32, #tpu.memory_space<vmem>>
    %dma_start3A_603 = arith.constant 0 : i32
    %dma_start3A_604 = tpu.memref_slice %arg7[%add3A_597, %dma_start3A_603] : memref<10000x128xf32, #tpu.memory_space<hbm>> -> memref<80x128xf32, #tpu.memory_space<hbm>>
    %dma_start3A_605 = arith.constant 0 : i32
    %dma_start3A_606 = tpu.memref_slice %arg7[%add3A_597, %dma_start3A_605] : memref<10000x128xf32, #tpu.memory_space<hbm>> -> memref<80x128xf32, #tpu.memory_space<hbm>>
    %dma_start3A_607 = arith.constant 0 : i32
    %dma_start3A_608 = arith.constant 0 : i32
    %dma_start3A_609 = tpu.memref_slice %arg10[%dma_start3A_598, %dma_start3A_607, %dma_start3A_608] : memref<2x80x128xf32, #tpu.memory_space<vmem>> -> memref<1x80x128xf32, #tpu.memory_space<vmem>>
    %dma_start3A_610 = tpu.memref_squeeze %dma_start3A_609 : memref<1x80x128xf32, #tpu.memory_space<vmem>> -> memref<80x128xf32, #tpu.memory_space<vmem>>
    tpu.enqueue_dma source(%dma_start3A_610 : memref<80x128xf32, #tpu.memory_space<vmem>>) target(%dma_start3A_606 : memref<80x128xf32, #tpu.memory_space<hbm>>) target_semaphore(%arg15 : memref<!tpu.dma_semaphore, #tpu.memory_space<semaphore_mem>>)
    %dma_wait3A_611 = arith.constant 0 : i32
    %dma_wait3A_612 = arith.constant 0 : i32
    %dma_wait3A_613 = tpu.memref_slice %arg8[%dma_wait3A_611, %dma_wait3A_612] : memref<2x80xi32, #tpu.memory_space<vmem>> -> memref<1x80xi32, #tpu.memory_space<vmem>>
    %dma_wait3A_614 = tpu.memref_squeeze %dma_wait3A_613 : memref<1x80xi32, #tpu.memory_space<vmem>> -> memref<80xi32, #tpu.memory_space<vmem>>
    %dma_wait3A_615 = tpu.memref_slice %arg3[%add3A_534] : memref<10240xi32, #tpu.memory_space<hbm>> -> memref<80xi32, #tpu.memory_space<hbm>>
    %dma_wait3A_616 = arith.constant 0 : i32
    %dma_wait3A_617 = tpu.memref_slice %arg8[%dma_wait3A_611, %dma_wait3A_616] : memref<2x80xi32, #tpu.memory_space<vmem>> -> memref<1x80xi32, #tpu.memory_space<vmem>>
    %dma_wait3A_618 = tpu.memref_squeeze %dma_wait3A_617 : memref<1x80xi32, #tpu.memory_space<vmem>> -> memref<80xi32, #tpu.memory_space<vmem>>
    %dma_wait3A_619 = tpu.memref_slice %arg3[%add3A_534] : memref<10240xi32, #tpu.memory_space<hbm>> -> memref<80xi32, #tpu.memory_space<hbm>>
    tpu.wait_dma2 semaphore(%arg13 : memref<!tpu.dma_semaphore, #tpu.memory_space<semaphore_mem>>) src(%dma_wait3A_619 : memref<80xi32, #tpu.memory_space<hbm>>) dst(%dma_wait3A_618 : memref<80xi32, #tpu.memory_space<vmem>>)
    %dma_wait3A_620 = arith.constant 0 : i32
    %dma_wait3A_621 = arith.constant 0 : i32
    %dma_wait3A_622 = tpu.memref_slice %arg9[%dma_wait3A_620, %dma_wait3A_621] : memref<2x80xi32, #tpu.memory_space<vmem>> -> memref<1x80xi32, #tpu.memory_space<vmem>>
    %dma_wait3A_623 = tpu.memref_squeeze %dma_wait3A_622 : memref<1x80xi32, #tpu.memory_space<vmem>> -> memref<80xi32, #tpu.memory_space<vmem>>
    %dma_wait3A_624 = tpu.memref_slice %arg4[%add3A_534] : memref<10240xi32, #tpu.memory_space<hbm>> -> memref<80xi32, #tpu.memory_space<hbm>>
    %dma_wait3A_625 = arith.constant 0 : i32
    %dma_wait3A_626 = tpu.memref_slice %arg9[%dma_wait3A_620, %dma_wait3A_625] : memref<2x80xi32, #tpu.memory_space<vmem>> -> memref<1x80xi32, #tpu.memory_space<vmem>>
    %dma_wait3A_627 = tpu.memref_squeeze %dma_wait3A_626 : memref<1x80xi32, #tpu.memory_space<vmem>> -> memref<80xi32, #tpu.memory_space<vmem>>
    %dma_wait3A_628 = tpu.memref_slice %arg4[%add3A_534] : memref<10240xi32, #tpu.memory_space<hbm>> -> memref<80xi32, #tpu.memory_space<hbm>>
    tpu.wait_dma2 semaphore(%arg13 : memref<!tpu.dma_semaphore, #tpu.memory_space<semaphore_mem>>) src(%dma_wait3A_628 : memref<80xi32, #tpu.memory_space<hbm>>) dst(%dma_wait3A_627 : memref<80xi32, #tpu.memory_space<vmem>>)
    %dma_wait3A_629 = arith.constant 0 : i32
    %dma_wait3A_630 = arith.constant 0 : i32
    %dma_wait3A_631 = arith.constant 0 : i32
    %dma_wait3A_632 = tpu.memref_slice %arg10[%dma_wait3A_629, %dma_wait3A_630, %dma_wait3A_631] : memref<2x80x128xf32, #tpu.memory_space<vmem>> -> memref<1x80x128xf32, #tpu.memory_space<vmem>>
    %dma_wait3A_633 = tpu.memref_squeeze %dma_wait3A_632 : memref<1x80x128xf32, #tpu.memory_space<vmem>> -> memref<80x128xf32, #tpu.memory_space<vmem>>
    %dma_wait3A_634 = arith.constant 0 : i32
    %dma_wait3A_635 = tpu.memref_slice %arg2[%add3A_534, %dma_wait3A_634] : memref<10000x128xf32, #tpu.memory_space<hbm>> -> memref<80x128xf32, #tpu.memory_space<hbm>>
    %dma_wait3A_636 = arith.constant 0 : i32
    %dma_wait3A_637 = arith.constant 0 : i32
    %dma_wait3A_638 = tpu.memref_slice %arg10[%dma_wait3A_629, %dma_wait3A_636, %dma_wait3A_637] : memref<2x80x128xf32, #tpu.memory_space<vmem>> -> memref<1x80x128xf32, #tpu.memory_space<vmem>>
    %dma_wait3A_639 = tpu.memref_squeeze %dma_wait3A_638 : memref<1x80x128xf32, #tpu.memory_space<vmem>> -> memref<80x128xf32, #tpu.memory_space<vmem>>
    %dma_wait3A_640 = arith.constant 0 : i32
    %dma_wait3A_641 = tpu.memref_slice %arg2[%add3A_534, %dma_wait3A_640] : memref<10000x128xf32, #tpu.memory_space<hbm>> -> memref<80x128xf32, #tpu.memory_space<hbm>>
    tpu.wait_dma2 semaphore(%arg13 : memref<!tpu.dma_semaphore, #tpu.memory_space<semaphore_mem>>) src(%dma_wait3A_641 : memref<80x128xf32, #tpu.memory_space<hbm>>) dst(%dma_wait3A_639 : memref<80x128xf32, #tpu.memory_space<vmem>>)
    %get3A_642 = arith.constant 0 : i32
    %get3A_643 = arith.constant 0 : i32
    %get3A_644 = tpu.memref_slice %arg8[%get3A_642, %get3A_643] : memref<2x80xi32, #tpu.memory_space<vmem>> -> memref<1x80xi32, #tpu.memory_space<vmem>>
    %get3A_645 = tpu.memref_squeeze %get3A_644 : memref<1x80xi32, #tpu.memory_space<vmem>> -> memref<80xi32, #tpu.memory_space<vmem>>
    %get3A_646 = arith.constant 0 : index
    %get3A_647 = tpu.vector_load %get3A_645[%get3A_646] {strides = array<i32>} : memref<80xi32, #tpu.memory_space<vmem>>, vector<16xi32>,
    %min3A_648 = arith.constant 511 : i32
    %min3A_649 = vector.broadcast %min3A_648 : i32 to vector<16xi32>
    %min3A_650 = arith.minsi %get3A_647, %min3A_649 : vector<16xi32>
    %swap3A_651 = arith.constant 0 : i32
    %swap3A_652 = arith.constant 0 : i32
    %swap3A_653 = tpu.memref_slice %arg8[%swap3A_651, %swap3A_652] : memref<2x80xi32, #tpu.memory_space<vmem>> -> memref<1x80xi32, #tpu.memory_space<vmem>>
    %swap3A_654 = tpu.memref_squeeze %swap3A_653 : memref<1x80xi32, #tpu.memory_space<vmem>> -> memref<80xi32, #tpu.memory_space<vmem>>
    %swap3A_655 = arith.constant 0 : index
    %swap3A_656 = tpu.vector_load %swap3A_654[%swap3A_655] {strides = array<i32>} : memref<80xi32, #tpu.memory_space<vmem>>, vector<16xi32>,
    tpu.vector_store %swap3A_654[%swap3A_655], %min3A_650 {strides = array<i32>} : memref<80xi32, #tpu.memory_space<vmem>>, vector<16xi32>,
    %get3A_657 = arith.constant 0 : i32
    %get3A_658 = arith.constant 0 : i32
    %get3A_659 = tpu.memref_slice %arg9[%get3A_657, %get3A_658] : memref<2x80xi32, #tpu.memory_space<vmem>> -> memref<1x80xi32, #tpu.memory_space<vmem>>
    %get3A_660 = tpu.memref_squeeze %get3A_659 : memref<1x80xi32, #tpu.memory_space<vmem>> -> memref<80xi32, #tpu.memory_space<vmem>>
    %get3A_661 = arith.constant 0 : index
    %get3A_662 = tpu.vector_load %get3A_660[%get3A_661] {strides = array<i32>} : memref<80xi32, #tpu.memory_space<vmem>>, vector<16xi32>,
    %min3A_663 = arith.constant 511 : i32
    %min3A_664 = vector.broadcast %min3A_663 : i32 to vector<16xi32>
    %min3A_665 = arith.minsi %get3A_662, %min3A_664 : vector<16xi32>
    %swap3A_666 = arith.constant 0 : i32
    %swap3A_667 = arith.constant 0 : i32
    %swap3A_668 = tpu.memref_slice %arg9[%swap3A_666, %swap3A_667] : memref<2x80xi32, #tpu.memory_space<vmem>> -> memref<1x80xi32, #tpu.memory_space<vmem>>
    %swap3A_669 = tpu.memref_squeeze %swap3A_668 : memref<1x80xi32, #tpu.memory_space<vmem>> -> memref<80xi32, #tpu.memory_space<vmem>>
    %swap3A_670 = arith.constant 0 : index
    %swap3A_671 = tpu.vector_load %swap3A_669[%swap3A_670] {strides = array<i32>} : memref<80xi32, #tpu.memory_space<vmem>>, vector<16xi32>,
    tpu.vector_store %swap3A_669[%swap3A_670], %min3A_665 {strides = array<i32>} : memref<80xi32, #tpu.memory_space<vmem>>, vector<16xi32>,
    %get3A_672 = arith.constant 0 : i32
    %get3A_673 = arith.constant 0 : i32
    %get3A_674 = tpu.memref_slice %arg8[%get3A_672, %get3A_673] : memref<2x80xi32, #tpu.memory_space<vmem>> -> memref<1x80xi32, #tpu.memory_space<vmem>>
    %get3A_675 = tpu.memref_squeeze %get3A_674 : memref<1x80xi32, #tpu.memory_space<vmem>> -> memref<80xi32, #tpu.memory_space<vmem>>
    %get3A_676 = arith.constant 16 : index
    %get3A_677 = tpu.vector_load %get3A_675[%get3A_676] {strides = array<i32>} : memref<80xi32, #tpu.memory_space<vmem>>, vector<16xi32>,
    %min3A_678 = arith.constant 511 : i32
    %min3A_679 = vector.broadcast %min3A_678 : i32 to vector<16xi32>
    %min3A_680 = arith.minsi %get3A_677, %min3A_679 : vector<16xi32>
    %swap3A_681 = arith.constant 0 : i32
    %swap3A_682 = arith.constant 0 : i32
    %swap3A_683 = tpu.memref_slice %arg8[%swap3A_681, %swap3A_682] : memref<2x80xi32, #tpu.memory_space<vmem>> -> memref<1x80xi32, #tpu.memory_space<vmem>>
    %swap3A_684 = tpu.memref_squeeze %swap3A_683 : memref<1x80xi32, #tpu.memory_space<vmem>> -> memref<80xi32, #tpu.memory_space<vmem>>
    %swap3A_685 = arith.constant 16 : index
    %swap3A_686 = tpu.vector_load %swap3A_684[%swap3A_685] {strides = array<i32>} : memref<80xi32, #tpu.memory_space<vmem>>, vector<16xi32>,
    tpu.vector_store %swap3A_684[%swap3A_685], %min3A_680 {strides = array<i32>} : memref<80xi32, #tpu.memory_space<vmem>>, vector<16xi32>,
    %get3A_687 = arith.constant 0 : i32
    %get3A_688 = arith.constant 0 : i32
    %get3A_689 = tpu.memref_slice %arg9[%get3A_687, %get3A_688] : memref<2x80xi32, #tpu.memory_space<vmem>> -> memref<1x80xi32, #tpu.memory_space<vmem>>
    %get3A_690 = tpu.memref_squeeze %get3A_689 : memref<1x80xi32, #tpu.memory_space<vmem>> -> memref<80xi32, #tpu.memory_space<vmem>>
    %get3A_691 = arith.constant 16 : index
    %get3A_692 = tpu.vector_load %get3A_690[%get3A_691] {strides = array<i32>} : memref<80xi32, #tpu.memory_space<vmem>>, vector<16xi32>,
    %min3A_693 = arith.constant 511 : i32
    %min3A_694 = vector.broadcast %min3A_693 : i32 to vector<16xi32>
    %min3A_695 = arith.minsi %get3A_692, %min3A_694 : vector<16xi32>
    %swap3A_696 = arith.constant 0 : i32
    %swap3A_697 = arith.constant 0 : i32
    %swap3A_698 = tpu.memref_slice %arg9[%swap3A_696, %swap3A_697] : memref<2x80xi32, #tpu.memory_space<vmem>> -> memref<1x80xi32, #tpu.memory_space<vmem>>
    %swap3A_699 = tpu.memref_squeeze %swap3A_698 : memref<1x80xi32, #tpu.memory_space<vmem>> -> memref<80xi32, #tpu.memory_space<vmem>>
    %swap3A_700 = arith.constant 16 : index
    %swap3A_701 = tpu.vector_load %swap3A_699[%swap3A_700] {strides = array<i32>} : memref<80xi32, #tpu.memory_space<vmem>>, vector<16xi32>,
    tpu.vector_store %swap3A_699[%swap3A_700], %min3A_695 {strides = array<i32>} : memref<80xi32, #tpu.memory_space<vmem>>, vector<16xi32>,
    %get3A_702 = arith.constant 0 : i32
    %get3A_703 = arith.constant 0 : i32
    %get3A_704 = tpu.memref_slice %arg8[%get3A_702, %get3A_703] : memref<2x80xi32, #tpu.memory_space<vmem>> -> memref<1x80xi32, #tpu.memory_space<vmem>>
    %get3A_705 = tpu.memref_squeeze %get3A_704 : memref<1x80xi32, #tpu.memory_space<vmem>> -> memref<80xi32, #tpu.memory_space<vmem>>
    %get3A_706 = arith.constant 32 : index
    %get3A_707 = tpu.vector_load %get3A_705[%get3A_706] {strides = array<i32>} : memref<80xi32, #tpu.memory_space<vmem>>, vector<16xi32>,
    %min3A_708 = arith.constant 511 : i32
    %min3A_709 = vector.broadcast %min3A_708 : i32 to vector<16xi32>
    %min3A_710 = arith.minsi %get3A_707, %min3A_709 : vector<16xi32>
    %swap3A_711 = arith.constant 0 : i32
    %swap3A_712 = arith.constant 0 : i32
    %swap3A_713 = tpu.memref_slice %arg8[%swap3A_711, %swap3A_712] : memref<2x80xi32, #tpu.memory_space<vmem>> -> memref<1x80xi32, #tpu.memory_space<vmem>>
    %swap3A_714 = tpu.memref_squeeze %swap3A_713 : memref<1x80xi32, #tpu.memory_space<vmem>> -> memref<80xi32, #tpu.memory_space<vmem>>
    %swap3A_715 = arith.constant 32 : index
    %swap3A_716 = tpu.vector_load %swap3A_714[%swap3A_715] {strides = array<i32>} : memref<80xi32, #tpu.memory_space<vmem>>, vector<16xi32>,
    tpu.vector_store %swap3A_714[%swap3A_715], %min3A_710 {strides = array<i32>} : memref<80xi32, #tpu.memory_space<vmem>>, vector<16xi32>,
    %get3A_717 = arith.constant 0 : i32
    %get3A_718 = arith.constant 0 : i32
    %get3A_719 = tpu.memref_slice %arg9[%get3A_717, %get3A_718] : memref<2x80xi32, #tpu.memory_space<vmem>> -> memref<1x80xi32, #tpu.memory_space<vmem>>
    %get3A_720 = tpu.memref_squeeze %get3A_719 : memref<1x80xi32, #tpu.memory_space<vmem>> -> memref<80xi32, #tpu.memory_space<vmem>>
    %get3A_721 = arith.constant 32 : index
    %get3A_722 = tpu.vector_load %get3A_720[%get3A_721] {strides = array<i32>} : memref<80xi32, #tpu.memory_space<vmem>>, vector<16xi32>,
    %min3A_723 = arith.constant 511 : i32
    %min3A_724 = vector.broadcast %min3A_723 : i32 to vector<16xi32>
    %min3A_725 = arith.minsi %get3A_722, %min3A_724 : vector<16xi32>
    %swap3A_726 = arith.constant 0 : i32
    %swap3A_727 = arith.constant 0 : i32
    %swap3A_728 = tpu.memref_slice %arg9[%swap3A_726, %swap3A_727] : memref<2x80xi32, #tpu.memory_space<vmem>> -> memref<1x80xi32, #tpu.memory_space<vmem>>
    %swap3A_729 = tpu.memref_squeeze %swap3A_728 : memref<1x80xi32, #tpu.memory_space<vmem>> -> memref<80xi32, #tpu.memory_space<vmem>>
    %swap3A_730 = arith.constant 32 : index
    %swap3A_731 = tpu.vector_load %swap3A_729[%swap3A_730] {strides = array<i32>} : memref<80xi32, #tpu.memory_space<vmem>>, vector<16xi32>,
    tpu.vector_store %swap3A_729[%swap3A_730], %min3A_725 {strides = array<i32>} : memref<80xi32, #tpu.memory_space<vmem>>, vector<16xi32>,
    %get3A_732 = arith.constant 0 : i32
    %get3A_733 = arith.constant 0 : i32
    %get3A_734 = tpu.memref_slice %arg8[%get3A_732, %get3A_733] : memref<2x80xi32, #tpu.memory_space<vmem>> -> memref<1x80xi32, #tpu.memory_space<vmem>>
    %get3A_735 = tpu.memref_squeeze %get3A_734 : memref<1x80xi32, #tpu.memory_space<vmem>> -> memref<80xi32, #tpu.memory_space<vmem>>
    %get3A_736 = arith.constant 48 : index
    %get3A_737 = tpu.vector_load %get3A_735[%get3A_736] {strides = array<i32>} : memref<80xi32, #tpu.memory_space<vmem>>, vector<16xi32>,
    %min3A_738 = arith.constant 511 : i32
    %min3A_739 = vector.broadcast %min3A_738 : i32 to vector<16xi32>
    %min3A_740 = arith.minsi %get3A_737, %min3A_739 : vector<16xi32>
    %swap3A_741 = arith.constant 0 : i32
    %swap3A_742 = arith.constant 0 : i32
    %swap3A_743 = tpu.memref_slice %arg8[%swap3A_741, %swap3A_742] : memref<2x80xi32, #tpu.memory_space<vmem>> -> memref<1x80xi32, #tpu.memory_space<vmem>>
    %swap3A_744 = tpu.memref_squeeze %swap3A_743 : memref<1x80xi32, #tpu.memory_space<vmem>> -> memref<80xi32, #tpu.memory_space<vmem>>
    %swap3A_745 = arith.constant 48 : index
    %swap3A_746 = tpu.vector_load %swap3A_744[%swap3A_745] {strides = array<i32>} : memref<80xi32, #tpu.memory_space<vmem>>, vector<16xi32>,
    tpu.vector_store %swap3A_744[%swap3A_745], %min3A_740 {strides = array<i32>} : memref<80xi32, #tpu.memory_space<vmem>>, vector<16xi32>,
    %get3A_747 = arith.constant 0 : i32
    %get3A_748 = arith.constant 0 : i32
    %get3A_749 = tpu.memref_slice %arg9[%get3A_747, %get3A_748] : memref<2x80xi32, #tpu.memory_space<vmem>> -> memref<1x80xi32, #tpu.memory_space<vmem>>
    %get3A_750 = tpu.memref_squeeze %get3A_749 : memref<1x80xi32, #tpu.memory_space<vmem>> -> memref<80xi32, #tpu.memory_space<vmem>>
    %get3A_751 = arith.constant 48 : index
    %get3A_752 = tpu.vector_load %get3A_750[%get3A_751] {strides = array<i32>} : memref<80xi32, #tpu.memory_space<vmem>>, vector<16xi32>,
    %min3A_753 = arith.constant 511 : i32
    %min3A_754 = vector.broadcast %min3A_753 : i32 to vector<16xi32>
    %min3A_755 = arith.minsi %get3A_752, %min3A_754 : vector<16xi32>
    %swap3A_756 = arith.constant 0 : i32
    %swap3A_757 = arith.constant 0 : i32
    %swap3A_758 = tpu.memref_slice %arg9[%swap3A_756, %swap3A_757] : memref<2x80xi32, #tpu.memory_space<vmem>> -> memref<1x80xi32, #tpu.memory_space<vmem>>
    %swap3A_759 = tpu.memref_squeeze %swap3A_758 : memref<1x80xi32, #tpu.memory_space<vmem>> -> memref<80xi32, #tpu.memory_space<vmem>>
    %swap3A_760 = arith.constant 48 : index
    %swap3A_761 = tpu.vector_load %swap3A_759[%swap3A_760] {strides = array<i32>} : memref<80xi32, #tpu.memory_space<vmem>>, vector<16xi32>,
    tpu.vector_store %swap3A_759[%swap3A_760], %min3A_755 {strides = array<i32>} : memref<80xi32, #tpu.memory_space<vmem>>, vector<16xi32>,
    %get3A_762 = arith.constant 0 : i32
    %get3A_763 = arith.constant 0 : i32
    %get3A_764 = tpu.memref_slice %arg8[%get3A_762, %get3A_763] : memref<2x80xi32, #tpu.memory_space<vmem>> -> memref<1x80xi32, #tpu.memory_space<vmem>>
    %get3A_765 = tpu.memref_squeeze %get3A_764 : memref<1x80xi32, #tpu.memory_space<vmem>> -> memref<80xi32, #tpu.memory_space<vmem>>
    %get3A_766 = arith.constant 64 : index
    %get3A_767 = tpu.vector_load %get3A_765[%get3A_766] {strides = array<i32>} : memref<80xi32, #tpu.memory_space<vmem>>, vector<16xi32>,
    %min3A_768 = arith.constant 511 : i32
    %min3A_769 = vector.broadcast %min3A_768 : i32 to vector<16xi32>
    %min3A_770 = arith.minsi %get3A_767, %min3A_769 : vector<16xi32>
    %swap3A_771 = arith.constant 0 : i32
    %swap3A_772 = arith.constant 0 : i32
    %swap3A_773 = tpu.memref_slice %arg8[%swap3A_771, %swap3A_772] : memref<2x80xi32, #tpu.memory_space<vmem>> -> memref<1x80xi32, #tpu.memory_space<vmem>>
    %swap3A_774 = tpu.memref_squeeze %swap3A_773 : memref<1x80xi32, #tpu.memory_space<vmem>> -> memref<80xi32, #tpu.memory_space<vmem>>
    %swap3A_775 = arith.constant 64 : index
    %swap3A_776 = tpu.vector_load %swap3A_774[%swap3A_775] {strides = array<i32>} : memref<80xi32, #tpu.memory_space<vmem>>, vector<16xi32>,
    tpu.vector_store %swap3A_774[%swap3A_775], %min3A_770 {strides = array<i32>} : memref<80xi32, #tpu.memory_space<vmem>>, vector<16xi32>,
    %get3A_777 = arith.constant 0 : i32
    %get3A_778 = arith.constant 0 : i32
    %get3A_779 = tpu.memref_slice %arg9[%get3A_777, %get3A_778] : memref<2x80xi32, #tpu.memory_space<vmem>> -> memref<1x80xi32, #tpu.memory_space<vmem>>
    %get3A_780 = tpu.memref_squeeze %get3A_779 : memref<1x80xi32, #tpu.memory_space<vmem>> -> memref<80xi32, #tpu.memory_space<vmem>>
    %get3A_781 = arith.constant 64 : index
    %get3A_782 = tpu.vector_load %get3A_780[%get3A_781] {strides = array<i32>} : memref<80xi32, #tpu.memory_space<vmem>>, vector<16xi32>,
    %min3A_783 = arith.constant 511 : i32
    %min3A_784 = vector.broadcast %min3A_783 : i32 to vector<16xi32>
    %min3A_785 = arith.minsi %get3A_782, %min3A_784 : vector<16xi32>
    %swap3A_786 = arith.constant 0 : i32
    %swap3A_787 = arith.constant 0 : i32
    %swap3A_788 = tpu.memref_slice %arg9[%swap3A_786, %swap3A_787] : memref<2x80xi32, #tpu.memory_space<vmem>> -> memref<1x80xi32, #tpu.memory_space<vmem>>
    %swap3A_789 = tpu.memref_squeeze %swap3A_788 : memref<1x80xi32, #tpu.memory_space<vmem>> -> memref<80xi32, #tpu.memory_space<vmem>>
    %swap3A_790 = arith.constant 64 : index
    %swap3A_791 = tpu.vector_load %swap3A_789[%swap3A_790] {strides = array<i32>} : memref<80xi32, #tpu.memory_space<vmem>>, vector<16xi32>,
    tpu.vector_store %swap3A_789[%swap3A_790], %min3A_785 {strides = array<i32>} : memref<80xi32, #tpu.memory_space<vmem>>, vector<16xi32>,
    %dma_start3A_792 = arith.constant 0 : i32
    %dma_start3A_793 = arith.constant 0 : i32
    %dma_start3A_794 = arith.constant 0 : i32
    %dma_start3A_795 = arith.constant 0 : i32
    %dma_start3A_796 = tpu.memref_slice %arg11[%dma_start3A_793, %dma_start3A_794, %dma_start3A_795] : memref<2x80x128xf32, #tpu.memory_space<vmem>> -> memref<1x80x128xf32, #tpu.memory_space<vmem>>
    %dma_start3A_797 = tpu.memref_squeeze %dma_start3A_796 : memref<1x80x128xf32, #tpu.memory_space<vmem>> -> memref<80x128xf32, #tpu.memory_space<vmem>>
    %dma_start3A_798 = arith.constant 0 : i32
    %dma_start3A_799 = tpu.memref_slice %arg8[%dma_start3A_792, %dma_start3A_798] : memref<2x80xi32, #tpu.memory_space<vmem>> -> memref<1x80xi32, #tpu.memory_space<vmem>>
    %dma_start3A_800 = tpu.memref_squeeze %dma_start3A_799 : memref<1x80xi32, #tpu.memory_space<vmem>> -> memref<80xi32, #tpu.memory_space<vmem>>
    %dma_start3A_801 = arith.constant 0 : i32
    %dma_start3A_802 = arith.constant 0 : i32
    %dma_start3A_803 = tpu.memref_slice %arg5[%dma_start3A_801, %dma_start3A_802] : memref<512x128xf32, #tpu.memory_space<hbm>> -> memref<512x128xf32, #tpu.memory_space<hbm>>
    tpu.enqueue_indirect_dma source(%dma_start3A_803 : memref<512x128xf32, #tpu.memory_space<hbm>>) target(%dma_start3A_797 : memref<80x128xf32, #tpu.memory_space<vmem>>) offsets(%dma_start3A_800 : memref<80xi32, #tpu.memory_space<vmem>>) semaphore(%arg14 : memref<!tpu.dma_semaphore, #tpu.memory_space<semaphore_mem>>)
    %dma_start3A_804 = arith.constant 0 : i32
    %dma_start3A_805 = arith.constant 0 : i32
    %dma_start3A_806 = arith.constant 0 : i32
    %dma_start3A_807 = arith.constant 0 : i32
    %dma_start3A_808 = tpu.memref_slice %arg12[%dma_start3A_805, %dma_start3A_806, %dma_start3A_807] : memref<2x80x128xf32, #tpu.memory_space<vmem>> -> memref<1x80x128xf32, #tpu.memory_space<vmem>>
    %dma_start3A_809 = tpu.memref_squeeze %dma_start3A_808 : memref<1x80x128xf32, #tpu.memory_space<vmem>> -> memref<80x128xf32, #tpu.memory_space<vmem>>
    %dma_start3A_810 = arith.constant 0 : i32
    %dma_start3A_811 = tpu.memref_slice %arg9[%dma_start3A_804, %dma_start3A_810] : memref<2x80xi32, #tpu.memory_space<vmem>> -> memref<1x80xi32, #tpu.memory_space<vmem>>
    %dma_start3A_812 = tpu.memref_squeeze %dma_start3A_811 : memref<1x80xi32, #tpu.memory_space<vmem>> -> memref<80xi32, #tpu.memory_space<vmem>>
    %dma_start3A_813 = arith.constant 0 : i32
    %dma_start3A_814 = arith.constant 0 : i32
    %dma_start3A_815 = tpu.memref_slice %arg6[%dma_start3A_813, %dma_start3A_814] : memref<512x128xf32, #tpu.memory_space<hbm>> -> memref<512x128xf32, #tpu.memory_space<hbm>>
    tpu.enqueue_indirect_dma source(%dma_start3A_815 : memref<512x128xf32, #tpu.memory_space<hbm>>) target(%dma_start3A_809 : memref<80x128xf32, #tpu.memory_space<vmem>>) offsets(%dma_start3A_812 : memref<80xi32, #tpu.memory_space<vmem>>) semaphore(%arg14 : memref<!tpu.dma_semaphore, #tpu.memory_space<semaphore_mem>>)
    %dma_wait3A_816 = arith.constant 1 : i32
    %dma_wait3A_817 = arith.constant 0 : i32
    %dma_wait3A_818 = arith.constant 0 : i32
    %dma_wait3A_819 = tpu.memref_slice %arg10[%dma_wait3A_816, %dma_wait3A_817, %dma_wait3A_818] : memref<2x80x128xf32, #tpu.memory_space<vmem>> -> memref<1x80x128xf32, #tpu.memory_space<vmem>>
    %dma_wait3A_820 = tpu.memref_squeeze %dma_wait3A_819 : memref<1x80x128xf32, #tpu.memory_space<vmem>> -> memref<80x128xf32, #tpu.memory_space<vmem>>
    %dma_wait3A_821 = arith.constant 0 : i32
    %dma_wait3A_822 = tpu.memref_slice %arg7[%add3A_597, %dma_wait3A_821] : memref<10000x128xf32, #tpu.memory_space<hbm>> -> memref<80x128xf32, #tpu.memory_space<hbm>>
    %dma_wait3A_823 = arith.constant 0 : i32
    %dma_wait3A_824 = tpu.memref_slice %arg7[%add3A_597, %dma_wait3A_823] : memref<10000x128xf32, #tpu.memory_space<hbm>> -> memref<80x128xf32, #tpu.memory_space<hbm>>
    %dma_wait3A_825 = arith.constant 0 : i32
    %dma_wait3A_826 = arith.constant 0 : i32
    %dma_wait3A_827 = tpu.memref_slice %arg10[%dma_wait3A_816, %dma_wait3A_825, %dma_wait3A_826] : memref<2x80x128xf32, #tpu.memory_space<vmem>> -> memref<1x80x128xf32, #tpu.memory_space<vmem>>
    %dma_wait3A_828 = tpu.memref_squeeze %dma_wait3A_827 : memref<1x80x128xf32, #tpu.memory_space<vmem>> -> memref<80x128xf32, #tpu.memory_space<vmem>>
    tpu.wait_dma2 semaphore(%arg15 : memref<!tpu.dma_semaphore, #tpu.memory_space<semaphore_mem>>) src(%dma_wait3A_828 : memref<80x128xf32, #tpu.memory_space<vmem>>) dst(%dma_wait3A_824 : memref<80x128xf32, #tpu.memory_space<hbm>>)
    %add3A_829 = arith.constant 240 : i32
    %add3A_830 = arith.addi %min3A_3, %add3A_829 : i32
    %dma_start3A_831 = arith.constant 1 : i32
    %dma_start3A_832 = arith.constant 0 : i32
    %dma_start3A_833 = tpu.memref_slice %arg8[%dma_start3A_831, %dma_start3A_832] : memref<2x80xi32, #tpu.memory_space<vmem>> -> memref<1x80xi32, #tpu.memory_space<vmem>>
    %dma_start3A_834 = tpu.memref_squeeze %dma_start3A_833 : memref<1x80xi32, #tpu.memory_space<vmem>> -> memref<80xi32, #tpu.memory_space<vmem>>
    %dma_start3A_835 = tpu.memref_slice %arg3[%add3A_830] : memref<10240xi32, #tpu.memory_space<hbm>> -> memref<80xi32, #tpu.memory_space<hbm>>
    %dma_start3A_836 = arith.constant 0 : i32
    %dma_start3A_837 = tpu.memref_slice %arg8[%dma_start3A_831, %dma_start3A_836] : memref<2x80xi32, #tpu.memory_space<vmem>> -> memref<1x80xi32, #tpu.memory_space<vmem>>
    %dma_start3A_838 = tpu.memref_squeeze %dma_start3A_837 : memref<1x80xi32, #tpu.memory_space<vmem>> -> memref<80xi32, #tpu.memory_space<vmem>>
    %dma_start3A_839 = tpu.memref_slice %arg3[%add3A_830] : memref<10240xi32, #tpu.memory_space<hbm>> -> memref<80xi32, #tpu.memory_space<hbm>>
    tpu.enqueue_dma source(%dma_start3A_839 : memref<80xi32, #tpu.memory_space<hbm>>) target(%dma_start3A_838 : memref<80xi32, #tpu.memory_space<vmem>>) target_semaphore(%arg13 : memref<!tpu.dma_semaphore, #tpu.memory_space<semaphore_mem>>)
    %dma_start3A_840 = arith.constant 1 : i32
    %dma_start3A_841 = arith.constant 0 : i32
    %dma_start3A_842 = tpu.memref_slice %arg9[%dma_start3A_840, %dma_start3A_841] : memref<2x80xi32, #tpu.memory_space<vmem>> -> memref<1x80xi32, #tpu.memory_space<vmem>>
    %dma_start3A_843 = tpu.memref_squeeze %dma_start3A_842 : memref<1x80xi32, #tpu.memory_space<vmem>> -> memref<80xi32, #tpu.memory_space<vmem>>
    %dma_start3A_844 = tpu.memref_slice %arg4[%add3A_830] : memref<10240xi32, #tpu.memory_space<hbm>> -> memref<80xi32, #tpu.memory_space<hbm>>
    %dma_start3A_845 = arith.constant 0 : i32
    %dma_start3A_846 = tpu.memref_slice %arg9[%dma_start3A_840, %dma_start3A_845] : memref<2x80xi32, #tpu.memory_space<vmem>> -> memref<1x80xi32, #tpu.memory_space<vmem>>
    %dma_start3A_847 = tpu.memref_squeeze %dma_start3A_846 : memref<1x80xi32, #tpu.memory_space<vmem>> -> memref<80xi32, #tpu.memory_space<vmem>>
    %dma_start3A_848 = tpu.memref_slice %arg4[%add3A_830] : memref<10240xi32, #tpu.memory_space<hbm>> -> memref<80xi32, #tpu.memory_space<hbm>>
    tpu.enqueue_dma source(%dma_start3A_848 : memref<80xi32, #tpu.memory_space<hbm>>) target(%dma_start3A_847 : memref<80xi32, #tpu.memory_space<vmem>>) target_semaphore(%arg13 : memref<!tpu.dma_semaphore, #tpu.memory_space<semaphore_mem>>)
    %dma_start3A_849 = arith.constant 1 : i32
    %dma_start3A_850 = arith.constant 0 : i32
    %dma_start3A_851 = arith.constant 0 : i32
    %dma_start3A_852 = tpu.memref_slice %arg10[%dma_start3A_849, %dma_start3A_850, %dma_start3A_851] : memref<2x80x128xf32, #tpu.memory_space<vmem>> -> memref<1x80x128xf32, #tpu.memory_space<vmem>>
    %dma_start3A_853 = tpu.memref_squeeze %dma_start3A_852 : memref<1x80x128xf32, #tpu.memory_space<vmem>> -> memref<80x128xf32, #tpu.memory_space<vmem>>
    %dma_start3A_854 = arith.constant 0 : i32
    %dma_start3A_855 = tpu.memref_slice %arg2[%add3A_830, %dma_start3A_854] : memref<10000x128xf32, #tpu.memory_space<hbm>> -> memref<80x128xf32, #tpu.memory_space<hbm>>
    %dma_start3A_856 = arith.constant 0 : i32
    %dma_start3A_857 = arith.constant 0 : i32
    %dma_start3A_858 = tpu.memref_slice %arg10[%dma_start3A_849, %dma_start3A_856, %dma_start3A_857] : memref<2x80x128xf32, #tpu.memory_space<vmem>> -> memref<1x80x128xf32, #tpu.memory_space<vmem>>
    %dma_start3A_859 = tpu.memref_squeeze %dma_start3A_858 : memref<1x80x128xf32, #tpu.memory_space<vmem>> -> memref<80x128xf32, #tpu.memory_space<vmem>>
    %dma_start3A_860 = arith.constant 0 : i32
    %dma_start3A_861 = tpu.memref_slice %arg2[%add3A_830, %dma_start3A_860] : memref<10000x128xf32, #tpu.memory_space<hbm>> -> memref<80x128xf32, #tpu.memory_space<hbm>>
    tpu.enqueue_dma source(%dma_start3A_861 : memref<80x128xf32, #tpu.memory_space<hbm>>) target(%dma_start3A_859 : memref<80x128xf32, #tpu.memory_space<vmem>>) target_semaphore(%arg13 : memref<!tpu.dma_semaphore, #tpu.memory_space<semaphore_mem>>)
    %dma_wait3A_862 = arith.constant 0 : i32
    %dma_wait3A_863 = arith.constant 0 : i32
    %dma_wait3A_864 = arith.constant 0 : i32
    %dma_wait3A_865 = arith.constant 0 : i32
    %dma_wait3A_866 = tpu.memref_slice %arg11[%dma_wait3A_863, %dma_wait3A_864, %dma_wait3A_865] : memref<2x80x128xf32, #tpu.memory_space<vmem>> -> memref<1x80x128xf32, #tpu.memory_space<vmem>>
    %dma_wait3A_867 = tpu.memref_squeeze %dma_wait3A_866 : memref<1x80x128xf32, #tpu.memory_space<vmem>> -> memref<80x128xf32, #tpu.memory_space<vmem>>
    %dma_wait3A_868 = arith.constant 0 : i32
    %dma_wait3A_869 = tpu.memref_slice %arg8[%dma_wait3A_862, %dma_wait3A_868] : memref<2x80xi32, #tpu.memory_space<vmem>> -> memref<1x80xi32, #tpu.memory_space<vmem>>
    %dma_wait3A_870 = tpu.memref_squeeze %dma_wait3A_869 : memref<1x80xi32, #tpu.memory_space<vmem>> -> memref<80xi32, #tpu.memory_space<vmem>>
    %dma_wait3A_871 = arith.constant 0 : i32
    %dma_wait3A_872 = arith.constant 0 : i32
    %dma_wait3A_873 = tpu.memref_slice %arg5[%dma_wait3A_871, %dma_wait3A_872] : memref<512x128xf32, #tpu.memory_space<hbm>> -> memref<512x128xf32, #tpu.memory_space<hbm>>
    tpu.wait_indirect_dma semaphore(%arg14 : memref<!tpu.dma_semaphore, #tpu.memory_space<semaphore_mem>>) src(%dma_wait3A_873 : memref<512x128xf32, #tpu.memory_space<hbm>>) dst(%dma_wait3A_867 : memref<80x128xf32, #tpu.memory_space<vmem>>)
    %dma_wait3A_874 = arith.constant 0 : i32
    %dma_wait3A_875 = arith.constant 0 : i32
    %dma_wait3A_876 = arith.constant 0 : i32
    %dma_wait3A_877 = arith.constant 0 : i32
    %dma_wait3A_878 = tpu.memref_slice %arg12[%dma_wait3A_875, %dma_wait3A_876, %dma_wait3A_877] : memref<2x80x128xf32, #tpu.memory_space<vmem>> -> memref<1x80x128xf32, #tpu.memory_space<vmem>>
    %dma_wait3A_879 = tpu.memref_squeeze %dma_wait3A_878 : memref<1x80x128xf32, #tpu.memory_space<vmem>> -> memref<80x128xf32, #tpu.memory_space<vmem>>
    %dma_wait3A_880 = arith.constant 0 : i32
    %dma_wait3A_881 = tpu.memref_slice %arg9[%dma_wait3A_874, %dma_wait3A_880] : memref<2x80xi32, #tpu.memory_space<vmem>> -> memref<1x80xi32, #tpu.memory_space<vmem>>
    %dma_wait3A_882 = tpu.memref_squeeze %dma_wait3A_881 : memref<1x80xi32, #tpu.memory_space<vmem>> -> memref<80xi32, #tpu.memory_space<vmem>>
    %dma_wait3A_883 = arith.constant 0 : i32
    %dma_wait3A_884 = arith.constant 0 : i32
    %dma_wait3A_885 = tpu.memref_slice %arg6[%dma_wait3A_883, %dma_wait3A_884] : memref<512x128xf32, #tpu.memory_space<hbm>> -> memref<512x128xf32, #tpu.memory_space<hbm>>
    tpu.wait_indirect_dma semaphore(%arg14 : memref<!tpu.dma_semaphore, #tpu.memory_space<semaphore_mem>>) src(%dma_wait3A_885 : memref<512x128xf32, #tpu.memory_space<hbm>>) dst(%dma_wait3A_879 : memref<80x128xf32, #tpu.memory_space<vmem>>)
    %parallel_loop3A_886 = arith.constant 0 : i32
    %parallel_loop3A_887 = arith.constant 640 : i32
    %parallel_loop3A_888 = arith.constant 1 : i32
    %parallel_loop3A_889 = arith.constant 0 : i32
    %parallel_loop3A_890 = arith.constant 0 : i32
    %parallel_loop3A_891 = arith.constant 0 : i32
    scf.for %parallel_loop3A_1183 = %parallel_loop3A_886 to %parallel_loop3A_887 step %parallel_loop3A_888  : i32 {
      %parallel_loop3A_1184 = arith.constant 3 : i32
      %parallel_loop3A_1185 = arith.shrsi %parallel_loop3A_1183, %parallel_loop3A_1184 : i32
      %parallel_loop3A_1186 = arith.constant 7 : i32
      %parallel_loop3A_1187 = arith.andi %parallel_loop3A_1183, %parallel_loop3A_1186 : i32
      %parallel_loop3A_1188 = arith.constant 16 : i32
      %parallel_loop3A_1189 = arith.muli %parallel_loop3A_1187, %parallel_loop3A_1188 : i32
      %parallel_loop3A_1190 = arith.constant 0 : i32
      %parallel_loop3A_1191 = arith.constant 0 : i32
      %parallel_loop3A_1192 = tpu.memref_slice %arg11[%parallel_loop3A_889, %parallel_loop3A_1190, %parallel_loop3A_1191] : memref<2x80x128xf32, #tpu.memory_space<vmem>> -> memref<1x80x128xf32, #tpu.memory_space<vmem>>
      %parallel_loop3A_1193 = tpu.memref_squeeze %parallel_loop3A_1192 : memref<1x80x128xf32, #tpu.memory_space<vmem>> -> memref<80x128xf32, #tpu.memory_space<vmem>>
      %parallel_loop3A_1194 = arith.index_cast %parallel_loop3A_1185 : i32 to index
      %parallel_loop3A_1195 = arith.index_cast %parallel_loop3A_1189 : i32 to index
      %parallel_loop3A_1196 = tpu.vector_load %parallel_loop3A_1193[%parallel_loop3A_1194, %parallel_loop3A_1195] {strides = array<i32>} : memref<80x128xf32, #tpu.memory_space<vmem>>, vector<16xf32>,
      %parallel_loop3A_1197 = arith.constant 0 : i32
      %parallel_loop3A_1198 = arith.constant 0 : i32
      %parallel_loop3A_1199 = tpu.memref_slice %arg12[%parallel_loop3A_890, %parallel_loop3A_1197, %parallel_loop3A_1198] : memref<2x80x128xf32, #tpu.memory_space<vmem>> -> memref<1x80x128xf32, #tpu.memory_space<vmem>>
      %parallel_loop3A_1200 = tpu.memref_squeeze %parallel_loop3A_1199 : memref<1x80x128xf32, #tpu.memory_space<vmem>> -> memref<80x128xf32, #tpu.memory_space<vmem>>
      %parallel_loop3A_1201 = arith.index_cast %parallel_loop3A_1185 : i32 to index
      %parallel_loop3A_1202 = arith.index_cast %parallel_loop3A_1189 : i32 to index
      %parallel_loop3A_1203 = tpu.vector_load %parallel_loop3A_1200[%parallel_loop3A_1201, %parallel_loop3A_1202] {strides = array<i32>} : memref<80x128xf32, #tpu.memory_space<vmem>>, vector<16xf32>,
      %parallel_loop3A_1204 = arith.addf %parallel_loop3A_1196, %parallel_loop3A_1203 : vector<16xf32>
      %parallel_loop3A_1205 = arith.constant 0 : i32
      %parallel_loop3A_1206 = arith.constant 0 : i32
      %parallel_loop3A_1207 = tpu.memref_slice %arg10[%parallel_loop3A_891, %parallel_loop3A_1205, %parallel_loop3A_1206] : memref<2x80x128xf32, #tpu.memory_space<vmem>> -> memref<1x80x128xf32, #tpu.memory_space<vmem>>
      %parallel_loop3A_1208 = tpu.memref_squeeze %parallel_loop3A_1207 : memref<1x80x128xf32, #tpu.memory_space<vmem>> -> memref<80x128xf32, #tpu.memory_space<vmem>>
      %parallel_loop3A_1209 = arith.index_cast %parallel_loop3A_1185 : i32 to index
      %parallel_loop3A_1210 = arith.index_cast %parallel_loop3A_1189 : i32 to index
      %parallel_loop3A_1211 = tpu.vector_load %parallel_loop3A_1208[%parallel_loop3A_1209, %parallel_loop3A_1210] {strides = array<i32>} : memref<80x128xf32, #tpu.memory_space<vmem>>, vector<16xf32>,
      tpu.vector_store %parallel_loop3A_1208[%parallel_loop3A_1209, %parallel_loop3A_1210], %parallel_loop3A_1204 {add = true, strides = array<i32>} : memref<80x128xf32, #tpu.memory_space<vmem>>, vector<16xf32>,
    } {sc.loop_unroll_factor = 4 : i64, sc.parallel_access}
    %add3A_892 = arith.constant 160 : i32
    %add3A_893 = arith.addi %min3A_3, %add3A_892 : i32
    %dma_start3A_894 = arith.constant 0 : i32
    %dma_start3A_895 = arith.constant 0 : i32
    %dma_start3A_896 = arith.constant 0 : i32
    %dma_start3A_897 = tpu.memref_slice %arg10[%dma_start3A_894, %dma_start3A_895, %dma_start3A_896] : memref<2x80x128xf32, #tpu.memory_space<vmem>> -> memref<1x80x128xf32, #tpu.memory_space<vmem>>
    %dma_start3A_898 = tpu.memref_squeeze %dma_start3A_897 : memref<1x80x128xf32, #tpu.memory_space<vmem>> -> memref<80x128xf32, #tpu.memory_space<vmem>>
    %dma_start3A_899 = arith.constant 0 : i32
    %dma_start3A_900 = tpu.memref_slice %arg7[%add3A_893, %dma_start3A_899] : memref<10000x128xf32, #tpu.memory_space<hbm>> -> memref<80x128xf32, #tpu.memory_space<hbm>>
    %dma_start3A_901 = arith.constant 0 : i32
    %dma_start3A_902 = tpu.memref_slice %arg7[%add3A_893, %dma_start3A_901] : memref<10000x128xf32, #tpu.memory_space<hbm>> -> memref<80x128xf32, #tpu.memory_space<hbm>>
    %dma_start3A_903 = arith.constant 0 : i32
    %dma_start3A_904 = arith.constant 0 : i32
    %dma_start3A_905 = tpu.memref_slice %arg10[%dma_start3A_894, %dma_start3A_903, %dma_start3A_904] : memref<2x80x128xf32, #tpu.memory_space<vmem>> -> memref<1x80x128xf32, #tpu.memory_space<vmem>>
    %dma_start3A_906 = tpu.memref_squeeze %dma_start3A_905 : memref<1x80x128xf32, #tpu.memory_space<vmem>> -> memref<80x128xf32, #tpu.memory_space<vmem>>
    tpu.enqueue_dma source(%dma_start3A_906 : memref<80x128xf32, #tpu.memory_space<vmem>>) target(%dma_start3A_902 : memref<80x128xf32, #tpu.memory_space<hbm>>) target_semaphore(%arg15 : memref<!tpu.dma_semaphore, #tpu.memory_space<semaphore_mem>>)
    %dma_wait3A_907 = arith.constant 1 : i32
    %dma_wait3A_908 = arith.constant 0 : i32
    %dma_wait3A_909 = tpu.memref_slice %arg8[%dma_wait3A_907, %dma_wait3A_908] : memref<2x80xi32, #tpu.memory_space<vmem>> -> memref<1x80xi32, #tpu.memory_space<vmem>>
    %dma_wait3A_910 = tpu.memref_squeeze %dma_wait3A_909 : memref<1x80xi32, #tpu.memory_space<vmem>> -> memref<80xi32, #tpu.memory_space<vmem>>
    %dma_wait3A_911 = tpu.memref_slice %arg3[%add3A_830] : memref<10240xi32, #tpu.memory_space<hbm>> -> memref<80xi32, #tpu.memory_space<hbm>>
    %dma_wait3A_912 = arith.constant 0 : i32
    %dma_wait3A_913 = tpu.memref_slice %arg8[%dma_wait3A_907, %dma_wait3A_912] : memref<2x80xi32, #tpu.memory_space<vmem>> -> memref<1x80xi32, #tpu.memory_space<vmem>>
    %dma_wait3A_914 = tpu.memref_squeeze %dma_wait3A_913 : memref<1x80xi32, #tpu.memory_space<vmem>> -> memref<80xi32, #tpu.memory_space<vmem>>
    %dma_wait3A_915 = tpu.memref_slice %arg3[%add3A_830] : memref<10240xi32, #tpu.memory_space<hbm>> -> memref<80xi32, #tpu.memory_space<hbm>>
    tpu.wait_dma2 semaphore(%arg13 : memref<!tpu.dma_semaphore, #tpu.memory_space<semaphore_mem>>) src(%dma_wait3A_915 : memref<80xi32, #tpu.memory_space<hbm>>) dst(%dma_wait3A_914 : memref<80xi32, #tpu.memory_space<vmem>>)
    %dma_wait3A_916 = arith.constant 1 : i32
    %dma_wait3A_917 = arith.constant 0 : i32
    %dma_wait3A_918 = tpu.memref_slice %arg9[%dma_wait3A_916, %dma_wait3A_917] : memref<2x80xi32, #tpu.memory_space<vmem>> -> memref<1x80xi32, #tpu.memory_space<vmem>>
    %dma_wait3A_919 = tpu.memref_squeeze %dma_wait3A_918 : memref<1x80xi32, #tpu.memory_space<vmem>> -> memref<80xi32, #tpu.memory_space<vmem>>
    %dma_wait3A_920 = tpu.memref_slice %arg4[%add3A_830] : memref<10240xi32, #tpu.memory_space<hbm>> -> memref<80xi32, #tpu.memory_space<hbm>>
    %dma_wait3A_921 = arith.constant 0 : i32
    %dma_wait3A_922 = tpu.memref_slice %arg9[%dma_wait3A_916, %dma_wait3A_921] : memref<2x80xi32, #tpu.memory_space<vmem>> -> memref<1x80xi32, #tpu.memory_space<vmem>>
    %dma_wait3A_923 = tpu.memref_squeeze %dma_wait3A_922 : memref<1x80xi32, #tpu.memory_space<vmem>> -> memref<80xi32, #tpu.memory_space<vmem>>
    %dma_wait3A_924 = tpu.memref_slice %arg4[%add3A_830] : memref<10240xi32, #tpu.memory_space<hbm>> -> memref<80xi32, #tpu.memory_space<hbm>>
    tpu.wait_dma2 semaphore(%arg13 : memref<!tpu.dma_semaphore, #tpu.memory_space<semaphore_mem>>) src(%dma_wait3A_924 : memref<80xi32, #tpu.memory_space<hbm>>) dst(%dma_wait3A_923 : memref<80xi32, #tpu.memory_space<vmem>>)
    %dma_wait3A_925 = arith.constant 1 : i32
    %dma_wait3A_926 = arith.constant 0 : i32
    %dma_wait3A_927 = arith.constant 0 : i32
    %dma_wait3A_928 = tpu.memref_slice %arg10[%dma_wait3A_925, %dma_wait3A_926, %dma_wait3A_927] : memref<2x80x128xf32, #tpu.memory_space<vmem>> -> memref<1x80x128xf32, #tpu.memory_space<vmem>>
    %dma_wait3A_929 = tpu.memref_squeeze %dma_wait3A_928 : memref<1x80x128xf32, #tpu.memory_space<vmem>> -> memref<80x128xf32, #tpu.memory_space<vmem>>
    %dma_wait3A_930 = arith.constant 0 : i32
    %dma_wait3A_931 = tpu.memref_slice %arg2[%add3A_830, %dma_wait3A_930] : memref<10000x128xf32, #tpu.memory_space<hbm>> -> memref<80x128xf32, #tpu.memory_space<hbm>>
    %dma_wait3A_932 = arith.constant 0 : i32
    %dma_wait3A_933 = arith.constant 0 : i32
    %dma_wait3A_934 = tpu.memref_slice %arg10[%dma_wait3A_925, %dma_wait3A_932, %dma_wait3A_933] : memref<2x80x128xf32, #tpu.memory_space<vmem>> -> memref<1x80x128xf32, #tpu.memory_space<vmem>>
    %dma_wait3A_935 = tpu.memref_squeeze %dma_wait3A_934 : memref<1x80x128xf32, #tpu.memory_space<vmem>> -> memref<80x128xf32, #tpu.memory_space<vmem>>
    %dma_wait3A_936 = arith.constant 0 : i32
    %dma_wait3A_937 = tpu.memref_slice %arg2[%add3A_830, %dma_wait3A_936] : memref<10000x128xf32, #tpu.memory_space<hbm>> -> memref<80x128xf32, #tpu.memory_space<hbm>>
    tpu.wait_dma2 semaphore(%arg13 : memref<!tpu.dma_semaphore, #tpu.memory_space<semaphore_mem>>) src(%dma_wait3A_937 : memref<80x128xf32, #tpu.memory_space<hbm>>) dst(%dma_wait3A_935 : memref<80x128xf32, #tpu.memory_space<vmem>>)
    %get3A_938 = arith.constant 1 : i32
    %get3A_939 = arith.constant 0 : i32
    %get3A_940 = tpu.memref_slice %arg8[%get3A_938, %get3A_939] : memref<2x80xi32, #tpu.memory_space<vmem>> -> memref<1x80xi32, #tpu.memory_space<vmem>>
    %get3A_941 = tpu.memref_squeeze %get3A_940 : memref<1x80xi32, #tpu.memory_space<vmem>> -> memref<80xi32, #tpu.memory_space<vmem>>
    %get3A_942 = arith.constant 0 : index
    %get3A_943 = tpu.vector_load %get3A_941[%get3A_942] {strides = array<i32>} : memref<80xi32, #tpu.memory_space<vmem>>, vector<16xi32>,
    %min3A_944 = arith.constant 511 : i32
    %min3A_945 = vector.broadcast %min3A_944 : i32 to vector<16xi32>
    %min3A_946 = arith.minsi %get3A_943, %min3A_945 : vector<16xi32>
    %swap3A_947 = arith.constant 1 : i32
    %swap3A_948 = arith.constant 0 : i32
    %swap3A_949 = tpu.memref_slice %arg8[%swap3A_947, %swap3A_948] : memref<2x80xi32, #tpu.memory_space<vmem>> -> memref<1x80xi32, #tpu.memory_space<vmem>>
    %swap3A_950 = tpu.memref_squeeze %swap3A_949 : memref<1x80xi32, #tpu.memory_space<vmem>> -> memref<80xi32, #tpu.memory_space<vmem>>
    %swap3A_951 = arith.constant 0 : index
    %swap3A_952 = tpu.vector_load %swap3A_950[%swap3A_951] {strides = array<i32>} : memref<80xi32, #tpu.memory_space<vmem>>, vector<16xi32>,
    tpu.vector_store %swap3A_950[%swap3A_951], %min3A_946 {strides = array<i32>} : memref<80xi32, #tpu.memory_space<vmem>>, vector<16xi32>,
    %get3A_953 = arith.constant 1 : i32
    %get3A_954 = arith.constant 0 : i32
    %get3A_955 = tpu.memref_slice %arg9[%get3A_953, %get3A_954] : memref<2x80xi32, #tpu.memory_space<vmem>> -> memref<1x80xi32, #tpu.memory_space<vmem>>
    %get3A_956 = tpu.memref_squeeze %get3A_955 : memref<1x80xi32, #tpu.memory_space<vmem>> -> memref<80xi32, #tpu.memory_space<vmem>>
    %get3A_957 = arith.constant 0 : index
    %get3A_958 = tpu.vector_load %get3A_956[%get3A_957] {strides = array<i32>} : memref<80xi32, #tpu.memory_space<vmem>>, vector<16xi32>,
    %min3A_959 = arith.constant 511 : i32
    %min3A_960 = vector.broadcast %min3A_959 : i32 to vector<16xi32>
    %min3A_961 = arith.minsi %get3A_958, %min3A_960 : vector<16xi32>
    %swap3A_962 = arith.constant 1 : i32
    %swap3A_963 = arith.constant 0 : i32
    %swap3A_964 = tpu.memref_slice %arg9[%swap3A_962, %swap3A_963] : memref<2x80xi32, #tpu.memory_space<vmem>> -> memref<1x80xi32, #tpu.memory_space<vmem>>
    %swap3A_965 = tpu.memref_squeeze %swap3A_964 : memref<1x80xi32, #tpu.memory_space<vmem>> -> memref<80xi32, #tpu.memory_space<vmem>>
    %swap3A_966 = arith.constant 0 : index
    %swap3A_967 = tpu.vector_load %swap3A_965[%swap3A_966] {strides = array<i32>} : memref<80xi32, #tpu.memory_space<vmem>>, vector<16xi32>,
    tpu.vector_store %swap3A_965[%swap3A_966], %min3A_961 {strides = array<i32>} : memref<80xi32, #tpu.memory_space<vmem>>, vector<16xi32>,
    %get3A_968 = arith.constant 1 : i32
    %get3A_969 = arith.constant 0 : i32
    %get3A_970 = tpu.memref_slice %arg8[%get3A_968, %get3A_969] : memref<2x80xi32, #tpu.memory_space<vmem>> -> memref<1x80xi32, #tpu.memory_space<vmem>>
    %get3A_971 = tpu.memref_squeeze %get3A_970 : memref<1x80xi32, #tpu.memory_space<vmem>> -> memref<80xi32, #tpu.memory_space<vmem>>
    %get3A_972 = arith.constant 16 : index
    %get3A_973 = tpu.vector_load %get3A_971[%get3A_972] {strides = array<i32>} : memref<80xi32, #tpu.memory_space<vmem>>, vector<16xi32>,
    %min3A_974 = arith.constant 511 : i32
    %min3A_975 = vector.broadcast %min3A_974 : i32 to vector<16xi32>
    %min3A_976 = arith.minsi %get3A_973, %min3A_975 : vector<16xi32>
    %swap3A_977 = arith.constant 1 : i32
    %swap3A_978 = arith.constant 0 : i32
    %swap3A_979 = tpu.memref_slice %arg8[%swap3A_977, %swap3A_978] : memref<2x80xi32, #tpu.memory_space<vmem>> -> memref<1x80xi32, #tpu.memory_space<vmem>>
    %swap3A_980 = tpu.memref_squeeze %swap3A_979 : memref<1x80xi32, #tpu.memory_space<vmem>> -> memref<80xi32, #tpu.memory_space<vmem>>
    %swap3A_981 = arith.constant 16 : index
    %swap3A_982 = tpu.vector_load %swap3A_980[%swap3A_981] {strides = array<i32>} : memref<80xi32, #tpu.memory_space<vmem>>, vector<16xi32>,
    tpu.vector_store %swap3A_980[%swap3A_981], %min3A_976 {strides = array<i32>} : memref<80xi32, #tpu.memory_space<vmem>>, vector<16xi32>,
    %get3A_983 = arith.constant 1 : i32
    %get3A_984 = arith.constant 0 : i32
    %get3A_985 = tpu.memref_slice %arg9[%get3A_983, %get3A_984] : memref<2x80xi32, #tpu.memory_space<vmem>> -> memref<1x80xi32, #tpu.memory_space<vmem>>
    %get3A_986 = tpu.memref_squeeze %get3A_985 : memref<1x80xi32, #tpu.memory_space<vmem>> -> memref<80xi32, #tpu.memory_space<vmem>>
    %get3A_987 = arith.constant 16 : index
    %get3A_988 = tpu.vector_load %get3A_986[%get3A_987] {strides = array<i32>} : memref<80xi32, #tpu.memory_space<vmem>>, vector<16xi32>,
    %min3A_989 = arith.constant 511 : i32
    %min3A_990 = vector.broadcast %min3A_989 : i32 to vector<16xi32>
    %min3A_991 = arith.minsi %get3A_988, %min3A_990 : vector<16xi32>
    %swap3A_992 = arith.constant 1 : i32
    %swap3A_993 = arith.constant 0 : i32
    %swap3A_994 = tpu.memref_slice %arg9[%swap3A_992, %swap3A_993] : memref<2x80xi32, #tpu.memory_space<vmem>> -> memref<1x80xi32, #tpu.memory_space<vmem>>
    %swap3A_995 = tpu.memref_squeeze %swap3A_994 : memref<1x80xi32, #tpu.memory_space<vmem>> -> memref<80xi32, #tpu.memory_space<vmem>>
    %swap3A_996 = arith.constant 16 : index
    %swap3A_997 = tpu.vector_load %swap3A_995[%swap3A_996] {strides = array<i32>} : memref<80xi32, #tpu.memory_space<vmem>>, vector<16xi32>,
    tpu.vector_store %swap3A_995[%swap3A_996], %min3A_991 {strides = array<i32>} : memref<80xi32, #tpu.memory_space<vmem>>, vector<16xi32>,
    %get3A_998 = arith.constant 1 : i32
    %get3A_999 = arith.constant 0 : i32
    %get3A_1000 = tpu.memref_slice %arg8[%get3A_998, %get3A_999] : memref<2x80xi32, #tpu.memory_space<vmem>> -> memref<1x80xi32, #tpu.memory_space<vmem>>
    %get3A_1001 = tpu.memref_squeeze %get3A_1000 : memref<1x80xi32, #tpu.memory_space<vmem>> -> memref<80xi32, #tpu.memory_space<vmem>>
    %get3A_1002 = arith.constant 32 : index
    %get3A_1003 = tpu.vector_load %get3A_1001[%get3A_1002] {strides = array<i32>} : memref<80xi32, #tpu.memory_space<vmem>>, vector<16xi32>,
    %min3A_1004 = arith.constant 511 : i32
    %min3A_1005 = vector.broadcast %min3A_1004 : i32 to vector<16xi32>
    %min3A_1006 = arith.minsi %get3A_1003, %min3A_1005 : vector<16xi32>
    %swap3A_1007 = arith.constant 1 : i32
    %swap3A_1008 = arith.constant 0 : i32
    %swap3A_1009 = tpu.memref_slice %arg8[%swap3A_1007, %swap3A_1008] : memref<2x80xi32, #tpu.memory_space<vmem>> -> memref<1x80xi32, #tpu.memory_space<vmem>>
    %swap3A_1010 = tpu.memref_squeeze %swap3A_1009 : memref<1x80xi32, #tpu.memory_space<vmem>> -> memref<80xi32, #tpu.memory_space<vmem>>
    %swap3A_1011 = arith.constant 32 : index
    %swap3A_1012 = tpu.vector_load %swap3A_1010[%swap3A_1011] {strides = array<i32>} : memref<80xi32, #tpu.memory_space<vmem>>, vector<16xi32>,
    tpu.vector_store %swap3A_1010[%swap3A_1011], %min3A_1006 {strides = array<i32>} : memref<80xi32, #tpu.memory_space<vmem>>, vector<16xi32>,
    %get3A_1013 = arith.constant 1 : i32
    %get3A_1014 = arith.constant 0 : i32
    %get3A_1015 = tpu.memref_slice %arg9[%get3A_1013, %get3A_1014] : memref<2x80xi32, #tpu.memory_space<vmem>> -> memref<1x80xi32, #tpu.memory_space<vmem>>
    %get3A_1016 = tpu.memref_squeeze %get3A_1015 : memref<1x80xi32, #tpu.memory_space<vmem>> -> memref<80xi32, #tpu.memory_space<vmem>>
    %get3A_1017 = arith.constant 32 : index
    %get3A_1018 = tpu.vector_load %get3A_1016[%get3A_1017] {strides = array<i32>} : memref<80xi32, #tpu.memory_space<vmem>>, vector<16xi32>,
    %min3A_1019 = arith.constant 511 : i32
    %min3A_1020 = vector.broadcast %min3A_1019 : i32 to vector<16xi32>
    %min3A_1021 = arith.minsi %get3A_1018, %min3A_1020 : vector<16xi32>
    %swap3A_1022 = arith.constant 1 : i32
    %swap3A_1023 = arith.constant 0 : i32
    %swap3A_1024 = tpu.memref_slice %arg9[%swap3A_1022, %swap3A_1023] : memref<2x80xi32, #tpu.memory_space<vmem>> -> memref<1x80xi32, #tpu.memory_space<vmem>>
    %swap3A_1025 = tpu.memref_squeeze %swap3A_1024 : memref<1x80xi32, #tpu.memory_space<vmem>> -> memref<80xi32, #tpu.memory_space<vmem>>
    %swap3A_1026 = arith.constant 32 : index
    %swap3A_1027 = tpu.vector_load %swap3A_1025[%swap3A_1026] {strides = array<i32>} : memref<80xi32, #tpu.memory_space<vmem>>, vector<16xi32>,
    tpu.vector_store %swap3A_1025[%swap3A_1026], %min3A_1021 {strides = array<i32>} : memref<80xi32, #tpu.memory_space<vmem>>, vector<16xi32>,
    %get3A_1028 = arith.constant 1 : i32
    %get3A_1029 = arith.constant 0 : i32
    %get3A_1030 = tpu.memref_slice %arg8[%get3A_1028, %get3A_1029] : memref<2x80xi32, #tpu.memory_space<vmem>> -> memref<1x80xi32, #tpu.memory_space<vmem>>
    %get3A_1031 = tpu.memref_squeeze %get3A_1030 : memref<1x80xi32, #tpu.memory_space<vmem>> -> memref<80xi32, #tpu.memory_space<vmem>>
    %get3A_1032 = arith.constant 48 : index
    %get3A_1033 = tpu.vector_load %get3A_1031[%get3A_1032] {strides = array<i32>} : memref<80xi32, #tpu.memory_space<vmem>>, vector<16xi32>,
    %min3A_1034 = arith.constant 511 : i32
    %min3A_1035 = vector.broadcast %min3A_1034 : i32 to vector<16xi32>
    %min3A_1036 = arith.minsi %get3A_1033, %min3A_1035 : vector<16xi32>
    %swap3A_1037 = arith.constant 1 : i32
    %swap3A_1038 = arith.constant 0 : i32
    %swap3A_1039 = tpu.memref_slice %arg8[%swap3A_1037, %swap3A_1038] : memref<2x80xi32, #tpu.memory_space<vmem>> -> memref<1x80xi32, #tpu.memory_space<vmem>>
    %swap3A_1040 = tpu.memref_squeeze %swap3A_1039 : memref<1x80xi32, #tpu.memory_space<vmem>> -> memref<80xi32, #tpu.memory_space<vmem>>
    %swap3A_1041 = arith.constant 48 : index
    %swap3A_1042 = tpu.vector_load %swap3A_1040[%swap3A_1041] {strides = array<i32>} : memref<80xi32, #tpu.memory_space<vmem>>, vector<16xi32>,
    tpu.vector_store %swap3A_1040[%swap3A_1041], %min3A_1036 {strides = array<i32>} : memref<80xi32, #tpu.memory_space<vmem>>, vector<16xi32>,
    %get3A_1043 = arith.constant 1 : i32
    %get3A_1044 = arith.constant 0 : i32
    %get3A_1045 = tpu.memref_slice %arg9[%get3A_1043, %get3A_1044] : memref<2x80xi32, #tpu.memory_space<vmem>> -> memref<1x80xi32, #tpu.memory_space<vmem>>
    %get3A_1046 = tpu.memref_squeeze %get3A_1045 : memref<1x80xi32, #tpu.memory_space<vmem>> -> memref<80xi32, #tpu.memory_space<vmem>>
    %get3A_1047 = arith.constant 48 : index
    %get3A_1048 = tpu.vector_load %get3A_1046[%get3A_1047] {strides = array<i32>} : memref<80xi32, #tpu.memory_space<vmem>>, vector<16xi32>,
    %min3A_1049 = arith.constant 511 : i32
    %min3A_1050 = vector.broadcast %min3A_1049 : i32 to vector<16xi32>
    %min3A_1051 = arith.minsi %get3A_1048, %min3A_1050 : vector<16xi32>
    %swap3A_1052 = arith.constant 1 : i32
    %swap3A_1053 = arith.constant 0 : i32
    %swap3A_1054 = tpu.memref_slice %arg9[%swap3A_1052, %swap3A_1053] : memref<2x80xi32, #tpu.memory_space<vmem>> -> memref<1x80xi32, #tpu.memory_space<vmem>>
    %swap3A_1055 = tpu.memref_squeeze %swap3A_1054 : memref<1x80xi32, #tpu.memory_space<vmem>> -> memref<80xi32, #tpu.memory_space<vmem>>
    %swap3A_1056 = arith.constant 48 : index
    %swap3A_1057 = tpu.vector_load %swap3A_1055[%swap3A_1056] {strides = array<i32>} : memref<80xi32, #tpu.memory_space<vmem>>, vector<16xi32>,
    tpu.vector_store %swap3A_1055[%swap3A_1056], %min3A_1051 {strides = array<i32>} : memref<80xi32, #tpu.memory_space<vmem>>, vector<16xi32>,
    %get3A_1058 = arith.constant 1 : i32
    %get3A_1059 = arith.constant 0 : i32
    %get3A_1060 = tpu.memref_slice %arg8[%get3A_1058, %get3A_1059] : memref<2x80xi32, #tpu.memory_space<vmem>> -> memref<1x80xi32, #tpu.memory_space<vmem>>
    %get3A_1061 = tpu.memref_squeeze %get3A_1060 : memref<1x80xi32, #tpu.memory_space<vmem>> -> memref<80xi32, #tpu.memory_space<vmem>>
    %get3A_1062 = arith.constant 64 : index
    %get3A_1063 = tpu.vector_load %get3A_1061[%get3A_1062] {strides = array<i32>} : memref<80xi32, #tpu.memory_space<vmem>>, vector<16xi32>,
    %min3A_1064 = arith.constant 511 : i32
    %min3A_1065 = vector.broadcast %min3A_1064 : i32 to vector<16xi32>
    %min3A_1066 = arith.minsi %get3A_1063, %min3A_1065 : vector<16xi32>
    %swap3A_1067 = arith.constant 1 : i32
    %swap3A_1068 = arith.constant 0 : i32
    %swap3A_1069 = tpu.memref_slice %arg8[%swap3A_1067, %swap3A_1068] : memref<2x80xi32, #tpu.memory_space<vmem>> -> memref<1x80xi32, #tpu.memory_space<vmem>>
    %swap3A_1070 = tpu.memref_squeeze %swap3A_1069 : memref<1x80xi32, #tpu.memory_space<vmem>> -> memref<80xi32, #tpu.memory_space<vmem>>
    %swap3A_1071 = arith.constant 64 : index
    %swap3A_1072 = tpu.vector_load %swap3A_1070[%swap3A_1071] {strides = array<i32>} : memref<80xi32, #tpu.memory_space<vmem>>, vector<16xi32>,
    tpu.vector_store %swap3A_1070[%swap3A_1071], %min3A_1066 {strides = array<i32>} : memref<80xi32, #tpu.memory_space<vmem>>, vector<16xi32>,
    %get3A_1073 = arith.constant 1 : i32
    %get3A_1074 = arith.constant 0 : i32
    %get3A_1075 = tpu.memref_slice %arg9[%get3A_1073, %get3A_1074] : memref<2x80xi32, #tpu.memory_space<vmem>> -> memref<1x80xi32, #tpu.memory_space<vmem>>
    %get3A_1076 = tpu.memref_squeeze %get3A_1075 : memref<1x80xi32, #tpu.memory_space<vmem>> -> memref<80xi32, #tpu.memory_space<vmem>>
    %get3A_1077 = arith.constant 64 : index
    %get3A_1078 = tpu.vector_load %get3A_1076[%get3A_1077] {strides = array<i32>} : memref<80xi32, #tpu.memory_space<vmem>>, vector<16xi32>,
    %min3A_1079 = arith.constant 511 : i32
    %min3A_1080 = vector.broadcast %min3A_1079 : i32 to vector<16xi32>
    %min3A_1081 = arith.minsi %get3A_1078, %min3A_1080 : vector<16xi32>
    %swap3A_1082 = arith.constant 1 : i32
    %swap3A_1083 = arith.constant 0 : i32
    %swap3A_1084 = tpu.memref_slice %arg9[%swap3A_1082, %swap3A_1083] : memref<2x80xi32, #tpu.memory_space<vmem>> -> memref<1x80xi32, #tpu.memory_space<vmem>>
    %swap3A_1085 = tpu.memref_squeeze %swap3A_1084 : memref<1x80xi32, #tpu.memory_space<vmem>> -> memref<80xi32, #tpu.memory_space<vmem>>
    %swap3A_1086 = arith.constant 64 : index
    %swap3A_1087 = tpu.vector_load %swap3A_1085[%swap3A_1086] {strides = array<i32>} : memref<80xi32, #tpu.memory_space<vmem>>, vector<16xi32>,
    tpu.vector_store %swap3A_1085[%swap3A_1086], %min3A_1081 {strides = array<i32>} : memref<80xi32, #tpu.memory_space<vmem>>, vector<16xi32>,
    %dma_start3A_1088 = arith.constant 1 : i32
    %dma_start3A_1089 = arith.constant 1 : i32
    %dma_start3A_1090 = arith.constant 0 : i32
    %dma_start3A_1091 = arith.constant 0 : i32
    %dma_start3A_1092 = tpu.memref_slice %arg11[%dma_start3A_1089, %dma_start3A_1090, %dma_start3A_1091] : memref<2x80x128xf32, #tpu.memory_space<vmem>> -> memref<1x80x128xf32, #tpu.memory_space<vmem>>
    %dma_start3A_1093 = tpu.memref_squeeze %dma_start3A_1092 : memref<1x80x128xf32, #tpu.memory_space<vmem>> -> memref<80x128xf32, #tpu.memory_space<vmem>>
    %dma_start3A_1094 = arith.constant 0 : i32
    %dma_start3A_1095 = tpu.memref_slice %arg8[%dma_start3A_1088, %dma_start3A_1094] : memref<2x80xi32, #tpu.memory_space<vmem>> -> memref<1x80xi32, #tpu.memory_space<vmem>>
    %dma_start3A_1096 = tpu.memref_squeeze %dma_start3A_1095 : memref<1x80xi32, #tpu.memory_space<vmem>> -> memref<80xi32, #tpu.memory_space<vmem>>
    %dma_start3A_1097 = arith.constant 0 : i32
    %dma_start3A_1098 = arith.constant 0 : i32
    %dma_start3A_1099 = tpu.memref_slice %arg5[%dma_start3A_1097, %dma_start3A_1098] : memref<512x128xf32, #tpu.memory_space<hbm>> -> memref<512x128xf32, #tpu.memory_space<hbm>>
    tpu.enqueue_indirect_dma source(%dma_start3A_1099 : memref<512x128xf32, #tpu.memory_space<hbm>>) target(%dma_start3A_1093 : memref<80x128xf32, #tpu.memory_space<vmem>>) offsets(%dma_start3A_1096 : memref<80xi32, #tpu.memory_space<vmem>>) semaphore(%arg14 : memref<!tpu.dma_semaphore, #tpu.memory_space<semaphore_mem>>)
    %dma_start3A_1100 = arith.constant 1 : i32
    %dma_start3A_1101 = arith.constant 1 : i32
    %dma_start3A_1102 = arith.constant 0 : i32
    %dma_start3A_1103 = arith.constant 0 : i32
    %dma_start3A_1104 = tpu.memref_slice %arg12[%dma_start3A_1101, %dma_start3A_1102, %dma_start3A_1103] : memref<2x80x128xf32, #tpu.memory_space<vmem>> -> memref<1x80x128xf32, #tpu.memory_space<vmem>>
    %dma_start3A_1105 = tpu.memref_squeeze %dma_start3A_1104 : memref<1x80x128xf32, #tpu.memory_space<vmem>> -> memref<80x128xf32, #tpu.memory_space<vmem>>
    %dma_start3A_1106 = arith.constant 0 : i32
    %dma_start3A_1107 = tpu.memref_slice %arg9[%dma_start3A_1100, %dma_start3A_1106] : memref<2x80xi32, #tpu.memory_space<vmem>> -> memref<1x80xi32, #tpu.memory_space<vmem>>
    %dma_start3A_1108 = tpu.memref_squeeze %dma_start3A_1107 : memref<1x80xi32, #tpu.memory_space<vmem>> -> memref<80xi32, #tpu.memory_space<vmem>>
    %dma_start3A_1109 = arith.constant 0 : i32
    %dma_start3A_1110 = arith.constant 0 : i32
    %dma_start3A_1111 = tpu.memref_slice %arg6[%dma_start3A_1109, %dma_start3A_1110] : memref<512x128xf32, #tpu.memory_space<hbm>> -> memref<512x128xf32, #tpu.memory_space<hbm>>
    tpu.enqueue_indirect_dma source(%dma_start3A_1111 : memref<512x128xf32, #tpu.memory_space<hbm>>) target(%dma_start3A_1105 : memref<80x128xf32, #tpu.memory_space<vmem>>) offsets(%dma_start3A_1108 : memref<80xi32, #tpu.memory_space<vmem>>) semaphore(%arg14 : memref<!tpu.dma_semaphore, #tpu.memory_space<semaphore_mem>>)
    %dma_wait3A_1112 = arith.constant 1 : i32
    %dma_wait3A_1113 = arith.constant 1 : i32
    %dma_wait3A_1114 = arith.constant 0 : i32
    %dma_wait3A_1115 = arith.constant 0 : i32
    %dma_wait3A_1116 = tpu.memref_slice %arg11[%dma_wait3A_1113, %dma_wait3A_1114, %dma_wait3A_1115] : memref<2x80x128xf32, #tpu.memory_space<vmem>> -> memref<1x80x128xf32, #tpu.memory_space<vmem>>
    %dma_wait3A_1117 = tpu.memref_squeeze %dma_wait3A_1116 : memref<1x80x128xf32, #tpu.memory_space<vmem>> -> memref<80x128xf32, #tpu.memory_space<vmem>>
    %dma_wait3A_1118 = arith.constant 0 : i32
    %dma_wait3A_1119 = tpu.memref_slice %arg8[%dma_wait3A_1112, %dma_wait3A_1118] : memref<2x80xi32, #tpu.memory_space<vmem>> -> memref<1x80xi32, #tpu.memory_space<vmem>>
    %dma_wait3A_1120 = tpu.memref_squeeze %dma_wait3A_1119 : memref<1x80xi32, #tpu.memory_space<vmem>> -> memref<80xi32, #tpu.memory_space<vmem>>
    %dma_wait3A_1121 = arith.constant 0 : i32
    %dma_wait3A_1122 = arith.constant 0 : i32
    %dma_wait3A_1123 = tpu.memref_slice %arg5[%dma_wait3A_1121, %dma_wait3A_1122] : memref<512x128xf32, #tpu.memory_space<hbm>> -> memref<512x128xf32, #tpu.memory_space<hbm>>
    tpu.wait_indirect_dma semaphore(%arg14 : memref<!tpu.dma_semaphore, #tpu.memory_space<semaphore_mem>>) src(%dma_wait3A_1123 : memref<512x128xf32, #tpu.memory_space<hbm>>) dst(%dma_wait3A_1117 : memref<80x128xf32, #tpu.memory_space<vmem>>)
    %dma_wait3A_1124 = arith.constant 1 : i32
    %dma_wait3A_1125 = arith.constant 1 : i32
    %dma_wait3A_1126 = arith.constant 0 : i32
    %dma_wait3A_1127 = arith.constant 0 : i32
    %dma_wait3A_1128 = tpu.memref_slice %arg12[%dma_wait3A_1125, %dma_wait3A_1126, %dma_wait3A_1127] : memref<2x80x128xf32, #tpu.memory_space<vmem>> -> memref<1x80x128xf32, #tpu.memory_space<vmem>>
    %dma_wait3A_1129 = tpu.memref_squeeze %dma_wait3A_1128 : memref<1x80x128xf32, #tpu.memory_space<vmem>> -> memref<80x128xf32, #tpu.memory_space<vmem>>
    %dma_wait3A_1130 = arith.constant 0 : i32
    %dma_wait3A_1131 = tpu.memref_slice %arg9[%dma_wait3A_1124, %dma_wait3A_1130] : memref<2x80xi32, #tpu.memory_space<vmem>> -> memref<1x80xi32, #tpu.memory_space<vmem>>
    %dma_wait3A_1132 = tpu.memref_squeeze %dma_wait3A_1131 : memref<1x80xi32, #tpu.memory_space<vmem>> -> memref<80xi32, #tpu.memory_space<vmem>>
    %dma_wait3A_1133 = arith.constant 0 : i32
    %dma_wait3A_1134 = arith.constant 0 : i32
    %dma_wait3A_1135 = tpu.memref_slice %arg6[%dma_wait3A_1133, %dma_wait3A_1134] : memref<512x128xf32, #tpu.memory_space<hbm>> -> memref<512x128xf32, #tpu.memory_space<hbm>>
    tpu.wait_indirect_dma semaphore(%arg14 : memref<!tpu.dma_semaphore, #tpu.memory_space<semaphore_mem>>) src(%dma_wait3A_1135 : memref<512x128xf32, #tpu.memory_space<hbm>>) dst(%dma_wait3A_1129 : memref<80x128xf32, #tpu.memory_space<vmem>>)
    %parallel_loop3A_1136 = arith.constant 0 : i32
    %parallel_loop3A_1137 = arith.constant 640 : i32
    %parallel_loop3A_1138 = arith.constant 1 : i32
    %parallel_loop3A_1139 = arith.constant 1 : i32
    %parallel_loop3A_1140 = arith.constant 1 : i32
    %parallel_loop3A_1141 = arith.constant 1 : i32
    scf.for %parallel_loop3A_1183 = %parallel_loop3A_1136 to %parallel_loop3A_1137 step %parallel_loop3A_1138  : i32 {
      %parallel_loop3A_1184 = arith.constant 3 : i32
      %parallel_loop3A_1185 = arith.shrsi %parallel_loop3A_1183, %parallel_loop3A_1184 : i32
      %parallel_loop3A_1186 = arith.constant 7 : i32
      %parallel_loop3A_1187 = arith.andi %parallel_loop3A_1183, %parallel_loop3A_1186 : i32
      %parallel_loop3A_1188 = arith.constant 16 : i32
      %parallel_loop3A_1189 = arith.muli %parallel_loop3A_1187, %parallel_loop3A_1188 : i32
      %parallel_loop3A_1190 = arith.constant 0 : i32
      %parallel_loop3A_1191 = arith.constant 0 : i32
      %parallel_loop3A_1192 = tpu.memref_slice %arg11[%parallel_loop3A_1139, %parallel_loop3A_1190, %parallel_loop3A_1191] : memref<2x80x128xf32, #tpu.memory_space<vmem>> -> memref<1x80x128xf32, #tpu.memory_space<vmem>>
      %parallel_loop3A_1193 = tpu.memref_squeeze %parallel_loop3A_1192 : memref<1x80x128xf32, #tpu.memory_space<vmem>> -> memref<80x128xf32, #tpu.memory_space<vmem>>
      %parallel_loop3A_1194 = arith.index_cast %parallel_loop3A_1185 : i32 to index
      %parallel_loop3A_1195 = arith.index_cast %parallel_loop3A_1189 : i32 to index
      %parallel_loop3A_1196 = tpu.vector_load %parallel_loop3A_1193[%parallel_loop3A_1194, %parallel_loop3A_1195] {strides = array<i32>} : memref<80x128xf32, #tpu.memory_space<vmem>>, vector<16xf32>,
      %parallel_loop3A_1197 = arith.constant 0 : i32
      %parallel_loop3A_1198 = arith.constant 0 : i32
      %parallel_loop3A_1199 = tpu.memref_slice %arg12[%parallel_loop3A_1140, %parallel_loop3A_1197, %parallel_loop3A_1198] : memref<2x80x128xf32, #tpu.memory_space<vmem>> -> memref<1x80x128xf32, #tpu.memory_space<vmem>>
      %parallel_loop3A_1200 = tpu.memref_squeeze %parallel_loop3A_1199 : memref<1x80x128xf32, #tpu.memory_space<vmem>> -> memref<80x128xf32, #tpu.memory_space<vmem>>
      %parallel_loop3A_1201 = arith.index_cast %parallel_loop3A_1185 : i32 to index
      %parallel_loop3A_1202 = arith.index_cast %parallel_loop3A_1189 : i32 to index
      %parallel_loop3A_1203 = tpu.vector_load %parallel_loop3A_1200[%parallel_loop3A_1201, %parallel_loop3A_1202] {strides = array<i32>} : memref<80x128xf32, #tpu.memory_space<vmem>>, vector<16xf32>,
      %parallel_loop3A_1204 = arith.addf %parallel_loop3A_1196, %parallel_loop3A_1203 : vector<16xf32>
      %parallel_loop3A_1205 = arith.constant 0 : i32
      %parallel_loop3A_1206 = arith.constant 0 : i32
      %parallel_loop3A_1207 = tpu.memref_slice %arg10[%parallel_loop3A_1141, %parallel_loop3A_1205, %parallel_loop3A_1206] : memref<2x80x128xf32, #tpu.memory_space<vmem>> -> memref<1x80x128xf32, #tpu.memory_space<vmem>>
      %parallel_loop3A_1208 = tpu.memref_squeeze %parallel_loop3A_1207 : memref<1x80x128xf32, #tpu.memory_space<vmem>> -> memref<80x128xf32, #tpu.memory_space<vmem>>
      %parallel_loop3A_1209 = arith.index_cast %parallel_loop3A_1185 : i32 to index
      %parallel_loop3A_1210 = arith.index_cast %parallel_loop3A_1189 : i32 to index
      %parallel_loop3A_1211 = tpu.vector_load %parallel_loop3A_1208[%parallel_loop3A_1209, %parallel_loop3A_1210] {strides = array<i32>} : memref<80x128xf32, #tpu.memory_space<vmem>>, vector<16xf32>,
      tpu.vector_store %parallel_loop3A_1208[%parallel_loop3A_1209, %parallel_loop3A_1210], %parallel_loop3A_1204 {add = true, strides = array<i32>} : memref<80x128xf32, #tpu.memory_space<vmem>>, vector<16xf32>,
    } {sc.loop_unroll_factor = 4 : i64, sc.parallel_access}
    %add3A_1142 = arith.constant 240 : i32
    %add3A_1143 = arith.addi %min3A_3, %add3A_1142 : i32
    %dma_start3A_1144 = arith.constant 1 : i32
    %dma_start3A_1145 = arith.constant 0 : i32
    %dma_start3A_1146 = arith.constant 0 : i32
    %dma_start3A_1147 = tpu.memref_slice %arg10[%dma_start3A_1144, %dma_start3A_1145, %dma_start3A_1146] : memref<2x80x128xf32, #tpu.memory_space<vmem>> -> memref<1x80x128xf32, #tpu.memory_space<vmem>>
    %dma_start3A_1148 = tpu.memref_squeeze %dma_start3A_1147 : memref<1x80x128xf32, #tpu.memory_space<vmem>> -> memref<80x128xf32, #tpu.memory_space<vmem>>
    %dma_start3A_1149 = arith.constant 0 : i32
    %dma_start3A_1150 = tpu.memref_slice %arg7[%add3A_1143, %dma_start3A_1149] : memref<10000x128xf32, #tpu.memory_space<hbm>> -> memref<80x128xf32, #tpu.memory_space<hbm>>
    %dma_start3A_1151 = arith.constant 0 : i32
    %dma_start3A_1152 = tpu.memref_slice %arg7[%add3A_1143, %dma_start3A_1151] : memref<10000x128xf32, #tpu.memory_space<hbm>> -> memref<80x128xf32, #tpu.memory_space<hbm>>
    %dma_start3A_1153 = arith.constant 0 : i32
    %dma_start3A_1154 = arith.constant 0 : i32
    %dma_start3A_1155 = tpu.memref_slice %arg10[%dma_start3A_1144, %dma_start3A_1153, %dma_start3A_1154] : memref<2x80x128xf32, #tpu.memory_space<vmem>> -> memref<1x80x128xf32, #tpu.memory_space<vmem>>
    %dma_start3A_1156 = tpu.memref_squeeze %dma_start3A_1155 : memref<1x80x128xf32, #tpu.memory_space<vmem>> -> memref<80x128xf32, #tpu.memory_space<vmem>>
    tpu.enqueue_dma source(%dma_start3A_1156 : memref<80x128xf32, #tpu.memory_space<vmem>>) target(%dma_start3A_1152 : memref<80x128xf32, #tpu.memory_space<hbm>>) target_semaphore(%arg15 : memref<!tpu.dma_semaphore, #tpu.memory_space<semaphore_mem>>)
    %dma_wait3A_1157 = arith.constant 0 : i32
    %dma_wait3A_1158 = arith.constant 0 : i32
    %dma_wait3A_1159 = arith.constant 0 : i32
    %dma_wait3A_1160 = tpu.memref_slice %arg10[%dma_wait3A_1157, %dma_wait3A_1158, %dma_wait3A_1159] : memref<2x80x128xf32, #tpu.memory_space<vmem>> -> memref<1x80x128xf32, #tpu.memory_space<vmem>>
    %dma_wait3A_1161 = tpu.memref_squeeze %dma_wait3A_1160 : memref<1x80x128xf32, #tpu.memory_space<vmem>> -> memref<80x128xf32, #tpu.memory_space<vmem>>
    %dma_wait3A_1162 = arith.constant 0 : i32
    %dma_wait3A_1163 = tpu.memref_slice %arg7[%add3A_893, %dma_wait3A_1162] : memref<10000x128xf32, #tpu.memory_space<hbm>> -> memref<80x128xf32, #tpu.memory_space<hbm>>
    %dma_wait3A_1164 = arith.constant 0 : i32
    %dma_wait3A_1165 = tpu.memref_slice %arg7[%add3A_893, %dma_wait3A_1164] : memref<10000x128xf32, #tpu.memory_space<hbm>> -> memref<80x128xf32, #tpu.memory_space<hbm>>
    %dma_wait3A_1166 = arith.constant 0 : i32
    %dma_wait3A_1167 = arith.constant 0 : i32
    %dma_wait3A_1168 = tpu.memref_slice %arg10[%dma_wait3A_1157, %dma_wait3A_1166, %dma_wait3A_1167] : memref<2x80x128xf32, #tpu.memory_space<vmem>> -> memref<1x80x128xf32, #tpu.memory_space<vmem>>
    %dma_wait3A_1169 = tpu.memref_squeeze %dma_wait3A_1168 : memref<1x80x128xf32, #tpu.memory_space<vmem>> -> memref<80x128xf32, #tpu.memory_space<vmem>>
    tpu.wait_dma2 semaphore(%arg15 : memref<!tpu.dma_semaphore, #tpu.memory_space<semaphore_mem>>) src(%dma_wait3A_1169 : memref<80x128xf32, #tpu.memory_space<vmem>>) dst(%dma_wait3A_1165 : memref<80x128xf32, #tpu.memory_space<hbm>>)
    %dma_wait3A_1170 = arith.constant 1 : i32
    %dma_wait3A_1171 = arith.constant 0 : i32
    %dma_wait3A_1172 = arith.constant 0 : i32
    %dma_wait3A_1173 = tpu.memref_slice %arg10[%dma_wait3A_1170, %dma_wait3A_1171, %dma_wait3A_1172] : memref<2x80x128xf32, #tpu.memory_space<vmem>> -> memref<1x80x128xf32, #tpu.memory_space<vmem>>
    %dma_wait3A_1174 = tpu.memref_squeeze %dma_wait3A_1173 : memref<1x80x128xf32, #tpu.memory_space<vmem>> -> memref<80x128xf32, #tpu.memory_space<vmem>>
    %dma_wait3A_1175 = arith.constant 0 : i32
    %dma_wait3A_1176 = tpu.memref_slice %arg7[%add3A_1143, %dma_wait3A_1175] : memref<10000x128xf32, #tpu.memory_space<hbm>> -> memref<80x128xf32, #tpu.memory_space<hbm>>
    %dma_wait3A_1177 = arith.constant 0 : i32
    %dma_wait3A_1178 = tpu.memref_slice %arg7[%add3A_1143, %dma_wait3A_1177] : memref<10000x128xf32, #tpu.memory_space<hbm>> -> memref<80x128xf32, #tpu.memory_space<hbm>>
    %dma_wait3A_1179 = arith.constant 0 : i32
    %dma_wait3A_1180 = arith.constant 0 : i32
    %dma_wait3A_1181 = tpu.memref_slice %arg10[%dma_wait3A_1170, %dma_wait3A_1179, %dma_wait3A_1180] : memref<2x80x128xf32, #tpu.memory_space<vmem>> -> memref<1x80x128xf32, #tpu.memory_space<vmem>>
    %dma_wait3A_1182 = tpu.memref_squeeze %dma_wait3A_1181 : memref<1x80x128xf32, #tpu.memory_space<vmem>> -> memref<80x128xf32, #tpu.memory_space<vmem>>
    tpu.wait_dma2 semaphore(%arg15 : memref<!tpu.dma_semaphore, #tpu.memory_space<semaphore_mem>>) src(%dma_wait3A_1182 : memref<80x128xf32, #tpu.memory_space<vmem>>) dst(%dma_wait3A_1178 : memref<80x128xf32, #tpu.memory_space<hbm>>)
    return
  }
}

#map = affine_map<(d0, d1) -> (0)>
module attributes {stable_mosaic.version = 14 : i64} {
  func.func @_degree_body(%arg0: i32, %arg1: i32, %arg2: memref<320000xi32, #tpu.memory_space<hbm>>, %arg3: memref<320000xi32, #tpu.memory_space<hbm>>, %arg4: memref<10240xi32, #tpu.memory_space<hbm>>, %arg5: memref<10240xi32, #tpu.memory_space<hbm>>, %arg6: memref<20000xi32, #tpu.memory_space<vmem>>, %arg7: memref<10240xi32, #tpu.memory_space<vmem>>, %arg8: memref<16x640xi32, #tpu.memory_space<vmem>>, %arg9: memref<16x10240xi32, #tpu.memory_space<vmem_shared>>, %arg10: memref<!tpu.dma_semaphore, #tpu.memory_space<semaphore_mem>>) attributes {dimension_semantics = [#tpu.dimension_semantics<core_parallel>, #tpu.dimension_semantics<subcore_parallel>], iteration_bounds = array<i64: 2, 16>, scalar_prefetch = 0 : i64, scratch_operands = 5 : i64, tpu.core_type = #tpu.core_type<sc_vector_subcore>, window_params = [{transform_indices = #map}, {transform_indices = #map}, {transform_indices = #map}, {transform_indices = #map}]} {
    %broadcast_in_dim3A = arith.constant 0 : i32
    %broadcast_in_dim3A_0 = vector.broadcast %broadcast_in_dim3A : i32 to vector<16xi32>
    %broadcast_in_dim3A_1 = arith.constant 1 : i32
    %broadcast_in_dim3A_2 = vector.broadcast %broadcast_in_dim3A_1 : i32 to vector<16xi32>
    %eq3A = arith.constant 0 : i32
    %eq3A_3 = arith.cmpi eq, %arg0, %eq3A : i32
    %convert_element_type3A = arith.extui %eq3A_3 : i1 to i32
    %cond3A = arith.constant 0 : i32
    %cond3A_4 = arith.cmpi ne, %convert_element_type3A, %cond3A : i32
    scf.if %cond3A_4 {
      %mul3A_26 = arith.constant 20000 : i32
      %mul3A_27 = arith.muli %arg1, %mul3A_26 : i32
      %dma_start3A = tpu.memref_slice %arg3[%mul3A_27] : memref<320000xi32, #tpu.memory_space<hbm>> -> memref<20000xi32, #tpu.memory_space<hbm>>
      %dma_start3A_28 = tpu.memref_slice %arg3[%mul3A_27] : memref<320000xi32, #tpu.memory_space<hbm>> -> memref<20000xi32, #tpu.memory_space<hbm>>
      tpu.enqueue_dma source(%dma_start3A_28 : memref<20000xi32, #tpu.memory_space<hbm>>) target(%arg6 : memref<20000xi32, #tpu.memory_space<vmem>>) target_semaphore(%arg10 : memref<!tpu.dma_semaphore, #tpu.memory_space<semaphore_mem>>)
      %parallel_loop3A_29 = arith.constant 0 : i32
      %parallel_loop3A_30 = arith.constant 640 : i32
      %parallel_loop3A_31 = arith.constant 1 : i32
      scf.for %parallel_loop3A_33 = %parallel_loop3A_29 to %parallel_loop3A_30 step %parallel_loop3A_31  : i32 {
        %parallel_loop3A_34 = arith.constant 16 : i32
        %parallel_loop3A_35 = arith.muli %parallel_loop3A_33, %parallel_loop3A_34 : i32
        %parallel_loop3A_36 = arith.index_cast %parallel_loop3A_35 : i32 to index
        %parallel_loop3A_37 = tpu.vector_load %arg7[%parallel_loop3A_36] {strides = array<i32>} : memref<10240xi32, #tpu.memory_space<vmem>>, vector<16xi32>,
        tpu.vector_store %arg7[%parallel_loop3A_36], %broadcast_in_dim3A_0 {strides = array<i32>} : memref<10240xi32, #tpu.memory_space<vmem>>, vector<16xi32>,
      } {sc.loop_unroll_factor = 8 : i64, sc.parallel_access}
      %dma_wait3A = tpu.memref_slice %arg3[%mul3A_27] : memref<320000xi32, #tpu.memory_space<hbm>> -> memref<20000xi32, #tpu.memory_space<hbm>>
      %dma_wait3A_32 = tpu.memref_slice %arg3[%mul3A_27] : memref<320000xi32, #tpu.memory_space<hbm>> -> memref<20000xi32, #tpu.memory_space<hbm>>
      tpu.wait_dma2 semaphore(%arg10 : memref<!tpu.dma_semaphore, #tpu.memory_space<semaphore_mem>>) src(%dma_wait3A_32 : memref<20000xi32, #tpu.memory_space<hbm>>) dst(%arg6 : memref<20000xi32, #tpu.memory_space<vmem>>)
    } else {
    }
    %eq3A_5 = arith.constant 1 : i32
    %eq3A_6 = arith.cmpi eq, %arg0, %eq3A_5 : i32
    %convert_element_type3A_7 = arith.extui %eq3A_6 : i1 to i32
    %cond3A_8 = arith.constant 0 : i32
    %cond3A_9 = arith.cmpi ne, %convert_element_type3A_7, %cond3A_8 : i32
    scf.if %cond3A_9 {
      %mul3A_26 = arith.constant 20000 : i32
      %mul3A_27 = arith.muli %arg1, %mul3A_26 : i32
      %dma_start3A = tpu.memref_slice %arg2[%mul3A_27] : memref<320000xi32, #tpu.memory_space<hbm>> -> memref<20000xi32, #tpu.memory_space<hbm>>
      %dma_start3A_28 = tpu.memref_slice %arg2[%mul3A_27] : memref<320000xi32, #tpu.memory_space<hbm>> -> memref<20000xi32, #tpu.memory_space<hbm>>
      tpu.enqueue_dma source(%dma_start3A_28 : memref<20000xi32, #tpu.memory_space<hbm>>) target(%arg6 : memref<20000xi32, #tpu.memory_space<vmem>>) target_semaphore(%arg10 : memref<!tpu.dma_semaphore, #tpu.memory_space<semaphore_mem>>)
      %parallel_loop3A_29 = arith.constant 0 : i32
      %parallel_loop3A_30 = arith.constant 640 : i32
      %parallel_loop3A_31 = arith.constant 1 : i32
      scf.for %parallel_loop3A_33 = %parallel_loop3A_29 to %parallel_loop3A_30 step %parallel_loop3A_31  : i32 {
        %parallel_loop3A_34 = arith.constant 16 : i32
        %parallel_loop3A_35 = arith.muli %parallel_loop3A_33, %parallel_loop3A_34 : i32
        %parallel_loop3A_36 = arith.index_cast %parallel_loop3A_35 : i32 to index
        %parallel_loop3A_37 = tpu.vector_load %arg7[%parallel_loop3A_36] {strides = array<i32>} : memref<10240xi32, #tpu.memory_space<vmem>>, vector<16xi32>,
        tpu.vector_store %arg7[%parallel_loop3A_36], %broadcast_in_dim3A_0 {strides = array<i32>} : memref<10240xi32, #tpu.memory_space<vmem>>, vector<16xi32>,
      } {sc.loop_unroll_factor = 8 : i64, sc.parallel_access}
      %dma_wait3A = tpu.memref_slice %arg2[%mul3A_27] : memref<320000xi32, #tpu.memory_space<hbm>> -> memref<20000xi32, #tpu.memory_space<hbm>>
      %dma_wait3A_32 = tpu.memref_slice %arg2[%mul3A_27] : memref<320000xi32, #tpu.memory_space<hbm>> -> memref<20000xi32, #tpu.memory_space<hbm>>
      tpu.wait_dma2 semaphore(%arg10 : memref<!tpu.dma_semaphore, #tpu.memory_space<semaphore_mem>>) src(%dma_wait3A_32 : memref<20000xi32, #tpu.memory_space<hbm>>) dst(%arg6 : memref<20000xi32, #tpu.memory_space<vmem>>)
    } else {
    }
    %parallel_loop3A = arith.constant 0 : i32
    %parallel_loop3A_10 = arith.constant 1250 : i32
    %parallel_loop3A_11 = arith.constant 1 : i32
    scf.for %parallel_loop3A_26 = %parallel_loop3A to %parallel_loop3A_10 step %parallel_loop3A_11  : i32 {
      %parallel_loop3A_27 = arith.constant 16 : i32
      %parallel_loop3A_28 = arith.muli %parallel_loop3A_26, %parallel_loop3A_27 : i32
      %parallel_loop3A_29 = arith.index_cast %parallel_loop3A_28 : i32 to index
      %parallel_loop3A_30 = tpu.vector_load %arg6[%parallel_loop3A_29] {strides = array<i32>} : memref<20000xi32, #tpu.memory_space<vmem>>, vector<16xi32>,
      tpu.vector_store_idx %arg7[%parallel_loop3A_30], %broadcast_in_dim3A_2 {add = true} : memref<10240xi32, #tpu.memory_space<vmem>>[vector<16xi32>], vector<16xi32>,
    } {sc.loop_unroll_factor = 4 : i64, sc.parallel_access}
    "tpu.region"() ({
      %run_scoped3A = tpu.sem_alloc : memref<!tpu.dma_semaphore, #tpu.memory_space<semaphore_mem>>
      %dma_start3A = arith.constant 0 : i32
      %dma_start3A_26 = tpu.memref_slice %arg9[%arg1, %dma_start3A] : memref<16x10240xi32, #tpu.memory_space<vmem_shared>> -> memref<1x10240xi32, #tpu.memory_space<vmem_shared>>
      %dma_start3A_27 = tpu.memref_squeeze %dma_start3A_26 : memref<1x10240xi32, #tpu.memory_space<vmem_shared>> -> memref<10240xi32, #tpu.memory_space<vmem_shared>>
      %dma_start3A_28 = arith.constant 0 : i32
      %dma_start3A_29 = tpu.memref_slice %arg9[%arg1, %dma_start3A_28] : memref<16x10240xi32, #tpu.memory_space<vmem_shared>> -> memref<1x10240xi32, #tpu.memory_space<vmem_shared>>
      %dma_start3A_30 = tpu.memref_squeeze %dma_start3A_29 : memref<1x10240xi32, #tpu.memory_space<vmem_shared>> -> memref<10240xi32, #tpu.memory_space<vmem_shared>>
      tpu.enqueue_dma source(%arg7 : memref<10240xi32, #tpu.memory_space<vmem>>) target(%dma_start3A_30 : memref<10240xi32, #tpu.memory_space<vmem_shared>>) target_semaphore(%run_scoped3A : memref<!tpu.dma_semaphore, #tpu.memory_space<semaphore_mem>>)
      %dma_wait3A = arith.constant 0 : i32
      %dma_wait3A_31 = tpu.memref_slice %arg9[%arg1, %dma_wait3A] : memref<16x10240xi32, #tpu.memory_space<vmem_shared>> -> memref<1x10240xi32, #tpu.memory_space<vmem_shared>>
      %dma_wait3A_32 = tpu.memref_squeeze %dma_wait3A_31 : memref<1x10240xi32, #tpu.memory_space<vmem_shared>> -> memref<10240xi32, #tpu.memory_space<vmem_shared>>
      %dma_wait3A_33 = arith.constant 0 : i32
      %dma_wait3A_34 = tpu.memref_slice %arg9[%arg1, %dma_wait3A_33] : memref<16x10240xi32, #tpu.memory_space<vmem_shared>> -> memref<1x10240xi32, #tpu.memory_space<vmem_shared>>
      %dma_wait3A_35 = tpu.memref_squeeze %dma_wait3A_34 : memref<1x10240xi32, #tpu.memory_space<vmem_shared>> -> memref<10240xi32, #tpu.memory_space<vmem_shared>>
      tpu.wait_dma2 semaphore(%run_scoped3A : memref<!tpu.dma_semaphore, #tpu.memory_space<semaphore_mem>>) src(%arg7 : memref<10240xi32, #tpu.memory_space<vmem>>) dst(%dma_wait3A_35 : memref<10240xi32, #tpu.memory_space<vmem_shared>>)
      tpu.yield
    }) : () -> ()
    %barrier3A = arith.constant 0 : index
    tpu.barrier barrier_id(%barrier3A)
    %mul3A = arith.constant 640 : i32
    %mul3A_12 = arith.muli %arg1, %mul3A : i32
    "tpu.region"() ({
      %run_scoped3A = tpu.sem_alloc : memref<!tpu.dma_semaphore, #tpu.memory_space<semaphore_mem>>
      %dma_start3A = arith.constant 0 : i32
      %dma_start3A_26 = tpu.memref_slice %arg9[%dma_start3A, %mul3A_12] : memref<16x10240xi32, #tpu.memory_space<vmem_shared>> -> memref<16x640xi32, #tpu.memory_space<vmem_shared>>
      %dma_start3A_27 = arith.constant 0 : i32
      %dma_start3A_28 = tpu.memref_slice %arg9[%dma_start3A_27, %mul3A_12] : memref<16x10240xi32, #tpu.memory_space<vmem_shared>> -> memref<16x640xi32, #tpu.memory_space<vmem_shared>>
      tpu.enqueue_dma source(%dma_start3A_28 : memref<16x640xi32, #tpu.memory_space<vmem_shared>>) target(%arg8 : memref<16x640xi32, #tpu.memory_space<vmem>>) target_semaphore(%run_scoped3A : memref<!tpu.dma_semaphore, #tpu.memory_space<semaphore_mem>>)
      %dma_wait3A = arith.constant 0 : i32
      %dma_wait3A_29 = tpu.memref_slice %arg9[%dma_wait3A, %mul3A_12] : memref<16x10240xi32, #tpu.memory_space<vmem_shared>> -> memref<16x640xi32, #tpu.memory_space<vmem_shared>>
      %dma_wait3A_30 = arith.constant 0 : i32
      %dma_wait3A_31 = tpu.memref_slice %arg9[%dma_wait3A_30, %mul3A_12] : memref<16x10240xi32, #tpu.memory_space<vmem_shared>> -> memref<16x640xi32, #tpu.memory_space<vmem_shared>>
      tpu.wait_dma2 semaphore(%run_scoped3A : memref<!tpu.dma_semaphore, #tpu.memory_space<semaphore_mem>>) src(%dma_wait3A_31 : memref<16x640xi32, #tpu.memory_space<vmem_shared>>) dst(%arg8 : memref<16x640xi32, #tpu.memory_space<vmem>>)
      tpu.yield
    }) : () -> ()
    %parallel_loop3A_13 = arith.constant 0 : i32
    %parallel_loop3A_14 = arith.constant 40 : i32
    %parallel_loop3A_15 = arith.constant 1 : i32
    scf.for %parallel_loop3A_26 = %parallel_loop3A_13 to %parallel_loop3A_14 step %parallel_loop3A_15  : i32 {
      %parallel_loop3A_27 = arith.constant 16 : i32
      %parallel_loop3A_28 = arith.muli %parallel_loop3A_26, %parallel_loop3A_27 : i32
      %parallel_loop3A_29 = arith.constant 0 : i32
      %parallel_loop3A_30 = arith.index_cast %parallel_loop3A_29 : i32 to index
      %parallel_loop3A_31 = arith.index_cast %parallel_loop3A_28 : i32 to index
      %parallel_loop3A_32 = tpu.vector_load %arg8[%parallel_loop3A_30, %parallel_loop3A_31] {strides = array<i32>} : memref<16x640xi32, #tpu.memory_space<vmem>>, vector<16xi32>,
      %parallel_loop3A_33 = arith.constant 1 : i32
      %parallel_loop3A_34 = arith.index_cast %parallel_loop3A_33 : i32 to index
      %parallel_loop3A_35 = arith.index_cast %parallel_loop3A_28 : i32 to index
      %parallel_loop3A_36 = tpu.vector_load %arg8[%parallel_loop3A_34, %parallel_loop3A_35] {strides = array<i32>} : memref<16x640xi32, #tpu.memory_space<vmem>>, vector<16xi32>,
      %parallel_loop3A_37 = arith.addi %parallel_loop3A_32, %parallel_loop3A_36 : vector<16xi32>
      %parallel_loop3A_38 = arith.constant 2 : i32
      %parallel_loop3A_39 = arith.index_cast %parallel_loop3A_38 : i32 to index
      %parallel_loop3A_40 = arith.index_cast %parallel_loop3A_28 : i32 to index
      %parallel_loop3A_41 = tpu.vector_load %arg8[%parallel_loop3A_39, %parallel_loop3A_40] {strides = array<i32>} : memref<16x640xi32, #tpu.memory_space<vmem>>, vector<16xi32>,
      %parallel_loop3A_42 = arith.addi %parallel_loop3A_37, %parallel_loop3A_41 : vector<16xi32>
      %parallel_loop3A_43 = arith.constant 3 : i32
      %parallel_loop3A_44 = arith.index_cast %parallel_loop3A_43 : i32 to index
      %parallel_loop3A_45 = arith.index_cast %parallel_loop3A_28 : i32 to index
      %parallel_loop3A_46 = tpu.vector_load %arg8[%parallel_loop3A_44, %parallel_loop3A_45] {strides = array<i32>} : memref<16x640xi32, #tpu.memory_space<vmem>>, vector<16xi32>,
      %parallel_loop3A_47 = arith.addi %parallel_loop3A_42, %parallel_loop3A_46 : vector<16xi32>
      %parallel_loop3A_48 = arith.constant 4 : i32
      %parallel_loop3A_49 = arith.index_cast %parallel_loop3A_48 : i32 to index
      %parallel_loop3A_50 = arith.index_cast %parallel_loop3A_28 : i32 to index
      %parallel_loop3A_51 = tpu.vector_load %arg8[%parallel_loop3A_49, %parallel_loop3A_50] {strides = array<i32>} : memref<16x640xi32, #tpu.memory_space<vmem>>, vector<16xi32>,
      %parallel_loop3A_52 = arith.addi %parallel_loop3A_47, %parallel_loop3A_51 : vector<16xi32>
      %parallel_loop3A_53 = arith.constant 5 : i32
      %parallel_loop3A_54 = arith.index_cast %parallel_loop3A_53 : i32 to index
      %parallel_loop3A_55 = arith.index_cast %parallel_loop3A_28 : i32 to index
      %parallel_loop3A_56 = tpu.vector_load %arg8[%parallel_loop3A_54, %parallel_loop3A_55] {strides = array<i32>} : memref<16x640xi32, #tpu.memory_space<vmem>>, vector<16xi32>,
      %parallel_loop3A_57 = arith.addi %parallel_loop3A_52, %parallel_loop3A_56 : vector<16xi32>
      %parallel_loop3A_58 = arith.constant 6 : i32
      %parallel_loop3A_59 = arith.index_cast %parallel_loop3A_58 : i32 to index
      %parallel_loop3A_60 = arith.index_cast %parallel_loop3A_28 : i32 to index
      %parallel_loop3A_61 = tpu.vector_load %arg8[%parallel_loop3A_59, %parallel_loop3A_60] {strides = array<i32>} : memref<16x640xi32, #tpu.memory_space<vmem>>, vector<16xi32>,
      %parallel_loop3A_62 = arith.addi %parallel_loop3A_57, %parallel_loop3A_61 : vector<16xi32>
      %parallel_loop3A_63 = arith.constant 7 : i32
      %parallel_loop3A_64 = arith.index_cast %parallel_loop3A_63 : i32 to index
      %parallel_loop3A_65 = arith.index_cast %parallel_loop3A_28 : i32 to index
      %parallel_loop3A_66 = tpu.vector_load %arg8[%parallel_loop3A_64, %parallel_loop3A_65] {strides = array<i32>} : memref<16x640xi32, #tpu.memory_space<vmem>>, vector<16xi32>,
      %parallel_loop3A_67 = arith.addi %parallel_loop3A_62, %parallel_loop3A_66 : vector<16xi32>
      %parallel_loop3A_68 = arith.constant 8 : i32
      %parallel_loop3A_69 = arith.index_cast %parallel_loop3A_68 : i32 to index
      %parallel_loop3A_70 = arith.index_cast %parallel_loop3A_28 : i32 to index
      %parallel_loop3A_71 = tpu.vector_load %arg8[%parallel_loop3A_69, %parallel_loop3A_70] {strides = array<i32>} : memref<16x640xi32, #tpu.memory_space<vmem>>, vector<16xi32>,
      %parallel_loop3A_72 = arith.addi %parallel_loop3A_67, %parallel_loop3A_71 : vector<16xi32>
      %parallel_loop3A_73 = arith.constant 9 : i32
      %parallel_loop3A_74 = arith.index_cast %parallel_loop3A_73 : i32 to index
      %parallel_loop3A_75 = arith.index_cast %parallel_loop3A_28 : i32 to index
      %parallel_loop3A_76 = tpu.vector_load %arg8[%parallel_loop3A_74, %parallel_loop3A_75] {strides = array<i32>} : memref<16x640xi32, #tpu.memory_space<vmem>>, vector<16xi32>,
      %parallel_loop3A_77 = arith.addi %parallel_loop3A_72, %parallel_loop3A_76 : vector<16xi32>
      %parallel_loop3A_78 = arith.constant 10 : i32
      %parallel_loop3A_79 = arith.index_cast %parallel_loop3A_78 : i32 to index
      %parallel_loop3A_80 = arith.index_cast %parallel_loop3A_28 : i32 to index
      %parallel_loop3A_81 = tpu.vector_load %arg8[%parallel_loop3A_79, %parallel_loop3A_80] {strides = array<i32>} : memref<16x640xi32, #tpu.memory_space<vmem>>, vector<16xi32>,
      %parallel_loop3A_82 = arith.addi %parallel_loop3A_77, %parallel_loop3A_81 : vector<16xi32>
      %parallel_loop3A_83 = arith.constant 11 : i32
      %parallel_loop3A_84 = arith.index_cast %parallel_loop3A_83 : i32 to index
      %parallel_loop3A_85 = arith.index_cast %parallel_loop3A_28 : i32 to index
      %parallel_loop3A_86 = tpu.vector_load %arg8[%parallel_loop3A_84, %parallel_loop3A_85] {strides = array<i32>} : memref<16x640xi32, #tpu.memory_space<vmem>>, vector<16xi32>,
      %parallel_loop3A_87 = arith.addi %parallel_loop3A_82, %parallel_loop3A_86 : vector<16xi32>
      %parallel_loop3A_88 = arith.constant 12 : i32
      %parallel_loop3A_89 = arith.index_cast %parallel_loop3A_88 : i32 to index
      %parallel_loop3A_90 = arith.index_cast %parallel_loop3A_28 : i32 to index
      %parallel_loop3A_91 = tpu.vector_load %arg8[%parallel_loop3A_89, %parallel_loop3A_90] {strides = array<i32>} : memref<16x640xi32, #tpu.memory_space<vmem>>, vector<16xi32>,
      %parallel_loop3A_92 = arith.addi %parallel_loop3A_87, %parallel_loop3A_91 : vector<16xi32>
      %parallel_loop3A_93 = arith.constant 13 : i32
      %parallel_loop3A_94 = arith.index_cast %parallel_loop3A_93 : i32 to index
      %parallel_loop3A_95 = arith.index_cast %parallel_loop3A_28 : i32 to index
      %parallel_loop3A_96 = tpu.vector_load %arg8[%parallel_loop3A_94, %parallel_loop3A_95] {strides = array<i32>} : memref<16x640xi32, #tpu.memory_space<vmem>>, vector<16xi32>,
      %parallel_loop3A_97 = arith.addi %parallel_loop3A_92, %parallel_loop3A_96 : vector<16xi32>
      %parallel_loop3A_98 = arith.constant 14 : i32
      %parallel_loop3A_99 = arith.index_cast %parallel_loop3A_98 : i32 to index
      %parallel_loop3A_100 = arith.index_cast %parallel_loop3A_28 : i32 to index
      %parallel_loop3A_101 = tpu.vector_load %arg8[%parallel_loop3A_99, %parallel_loop3A_100] {strides = array<i32>} : memref<16x640xi32, #tpu.memory_space<vmem>>, vector<16xi32>,
      %parallel_loop3A_102 = arith.addi %parallel_loop3A_97, %parallel_loop3A_101 : vector<16xi32>
      %parallel_loop3A_103 = arith.constant 15 : i32
      %parallel_loop3A_104 = arith.index_cast %parallel_loop3A_103 : i32 to index
      %parallel_loop3A_105 = arith.index_cast %parallel_loop3A_28 : i32 to index
      %parallel_loop3A_106 = tpu.vector_load %arg8[%parallel_loop3A_104, %parallel_loop3A_105] {strides = array<i32>} : memref<16x640xi32, #tpu.memory_space<vmem>>, vector<16xi32>,
      %parallel_loop3A_107 = arith.addi %parallel_loop3A_102, %parallel_loop3A_106 : vector<16xi32>
      %parallel_loop3A_108 = arith.index_cast %parallel_loop3A_28 : i32 to index
      %parallel_loop3A_109 = tpu.vector_load %arg7[%parallel_loop3A_108] {strides = array<i32>} : memref<10240xi32, #tpu.memory_space<vmem>>, vector<16xi32>,
      tpu.vector_store %arg7[%parallel_loop3A_108], %parallel_loop3A_107 {strides = array<i32>} : memref<10240xi32, #tpu.memory_space<vmem>>, vector<16xi32>,
    } {sc.loop_unroll_factor = 2 : i64, sc.parallel_access}
    %eq3A_16 = arith.constant 0 : i32
    %eq3A_17 = arith.cmpi eq, %arg0, %eq3A_16 : i32
    %convert_element_type3A_18 = arith.extui %eq3A_17 : i1 to i32
    %cond3A_19 = arith.constant 0 : i32
    %cond3A_20 = arith.cmpi ne, %convert_element_type3A_18, %cond3A_19 : i32
    scf.if %cond3A_20 {
      %mul3A_26 = arith.constant 640 : i32
      %mul3A_27 = arith.muli %arg1, %mul3A_26 : i32
      "tpu.region"() ({
        %run_scoped3A = tpu.sem_alloc : memref<!tpu.dma_semaphore, #tpu.memory_space<semaphore_mem>>
        %dma_start3A = arith.constant 0 : i32
        %dma_start3A_28 = tpu.memref_slice %arg7[%dma_start3A] : memref<10240xi32, #tpu.memory_space<vmem>> -> memref<640xi32, #tpu.memory_space<vmem>>
        %dma_start3A_29 = tpu.memref_slice %arg4[%mul3A_27] : memref<10240xi32, #tpu.memory_space<hbm>> -> memref<640xi32, #tpu.memory_space<hbm>>
        %dma_start3A_30 = tpu.memref_slice %arg4[%mul3A_27] : memref<10240xi32, #tpu.memory_space<hbm>> -> memref<640xi32, #tpu.memory_space<hbm>>
        %dma_start3A_31 = arith.constant 0 : i32
        %dma_start3A_32 = tpu.memref_slice %arg7[%dma_start3A_31] : memref<10240xi32, #tpu.memory_space<vmem>> -> memref<640xi32, #tpu.memory_space<vmem>>
        tpu.enqueue_dma source(%dma_start3A_32 : memref<640xi32, #tpu.memory_space<vmem>>) target(%dma_start3A_30 : memref<640xi32, #tpu.memory_space<hbm>>) target_semaphore(%run_scoped3A : memref<!tpu.dma_semaphore, #tpu.memory_space<semaphore_mem>>)
        %dma_wait3A = arith.constant 0 : i32
        %dma_wait3A_33 = tpu.memref_slice %arg7[%dma_wait3A] : memref<10240xi32, #tpu.memory_space<vmem>> -> memref<640xi32, #tpu.memory_space<vmem>>
        %dma_wait3A_34 = tpu.memref_slice %arg4[%mul3A_27] : memref<10240xi32, #tpu.memory_space<hbm>> -> memref<640xi32, #tpu.memory_space<hbm>>
        %dma_wait3A_35 = tpu.memref_slice %arg4[%mul3A_27] : memref<10240xi32, #tpu.memory_space<hbm>> -> memref<640xi32, #tpu.memory_space<hbm>>
        %dma_wait3A_36 = arith.constant 0 : i32
        %dma_wait3A_37 = tpu.memref_slice %arg7[%dma_wait3A_36] : memref<10240xi32, #tpu.memory_space<vmem>> -> memref<640xi32, #tpu.memory_space<vmem>>
        tpu.wait_dma2 semaphore(%run_scoped3A : memref<!tpu.dma_semaphore, #tpu.memory_space<semaphore_mem>>) src(%dma_wait3A_37 : memref<640xi32, #tpu.memory_space<vmem>>) dst(%dma_wait3A_35 : memref<640xi32, #tpu.memory_space<hbm>>)
        tpu.yield
      }) : () -> ()
    } else {
    }
    %eq3A_21 = arith.constant 1 : i32
    %eq3A_22 = arith.cmpi eq, %arg0, %eq3A_21 : i32
    %convert_element_type3A_23 = arith.extui %eq3A_22 : i1 to i32
    %cond3A_24 = arith.constant 0 : i32
    %cond3A_25 = arith.cmpi ne, %convert_element_type3A_23, %cond3A_24 : i32
    scf.if %cond3A_25 {
      %mul3A_26 = arith.constant 640 : i32
      %mul3A_27 = arith.muli %arg1, %mul3A_26 : i32
      "tpu.region"() ({
        %run_scoped3A = tpu.sem_alloc : memref<!tpu.dma_semaphore, #tpu.memory_space<semaphore_mem>>
        %dma_start3A = arith.constant 0 : i32
        %dma_start3A_28 = tpu.memref_slice %arg7[%dma_start3A] : memref<10240xi32, #tpu.memory_space<vmem>> -> memref<640xi32, #tpu.memory_space<vmem>>
        %dma_start3A_29 = tpu.memref_slice %arg5[%mul3A_27] : memref<10240xi32, #tpu.memory_space<hbm>> -> memref<640xi32, #tpu.memory_space<hbm>>
        %dma_start3A_30 = tpu.memref_slice %arg5[%mul3A_27] : memref<10240xi32, #tpu.memory_space<hbm>> -> memref<640xi32, #tpu.memory_space<hbm>>
        %dma_start3A_31 = arith.constant 0 : i32
        %dma_start3A_32 = tpu.memref_slice %arg7[%dma_start3A_31] : memref<10240xi32, #tpu.memory_space<vmem>> -> memref<640xi32, #tpu.memory_space<vmem>>
        tpu.enqueue_dma source(%dma_start3A_32 : memref<640xi32, #tpu.memory_space<vmem>>) target(%dma_start3A_30 : memref<640xi32, #tpu.memory_space<hbm>>) target_semaphore(%run_scoped3A : memref<!tpu.dma_semaphore, #tpu.memory_space<semaphore_mem>>)
        %dma_wait3A = arith.constant 0 : i32
        %dma_wait3A_33 = tpu.memref_slice %arg7[%dma_wait3A] : memref<10240xi32, #tpu.memory_space<vmem>> -> memref<640xi32, #tpu.memory_space<vmem>>
        %dma_wait3A_34 = tpu.memref_slice %arg5[%mul3A_27] : memref<10240xi32, #tpu.memory_space<hbm>> -> memref<640xi32, #tpu.memory_space<hbm>>
        %dma_wait3A_35 = tpu.memref_slice %arg5[%mul3A_27] : memref<10240xi32, #tpu.memory_space<hbm>> -> memref<640xi32, #tpu.memory_space<hbm>>
        %dma_wait3A_36 = arith.constant 0 : i32
        %dma_wait3A_37 = tpu.memref_slice %arg7[%dma_wait3A_36] : memref<10240xi32, #tpu.memory_space<vmem>> -> memref<640xi32, #tpu.memory_space<vmem>>
        tpu.wait_dma2 semaphore(%run_scoped3A : memref<!tpu.dma_semaphore, #tpu.memory_space<semaphore_mem>>) src(%dma_wait3A_37 : memref<640xi32, #tpu.memory_space<vmem>>) dst(%dma_wait3A_35 : memref<640xi32, #tpu.memory_space<hbm>>)
        tpu.yield
      }) : () -> ()
    } else {
    }
    return
  }
}

</mosaic_0001>

<sc_bundles>
// kernel: kernel.4.cloned.1.call-start
scs
__scs_entry_jumppad:
0x0: {  	(pc) =	sbr.rel $0x88, $3  }
0x1: {  	(tag) =	ssettag $0x0;
	lr =	simm.s32 $0x1  }
0x2: {  	[smem:$0x3F9D] =	sst lr;
	_ =	strace $0xD0000000  }
0x3: {  	_ = 	snop  }
0x4: {  	_ = 	snop  }
0x5: {  	_ = 	snop  }
0x6: {  	_ = 	snop  }
0x7: {  	_ = 	snop  }
__scs_overlays_trampoline_lowered:
0x8: {  	[smem:$0x3FAC] =	sst s0  }
0x9: {  	[smem:$0x3FAD] =	sst s1  }
0xa: {  	[smem:$0x3FAE] =	sst s2  }
0xb: {  	[smem:$0x3FAF] =	sst s3  }
0xc: {  	[smem:$0x3FB0] =	sst s4  }
0xd: {  	[smem:$0x3FB1] =	sst s5  }
0xe: {  	[smem:$0x3FB2] =	sst s6  }
0xf: {  	[smem:$0x3FB3] =	sst s7  }
0x10: {  	[smem:$0x3FB4] =	sst s8  }
0x11: {  	[smem:$0x3FB5] =	sst s9;
	s0 =	simm.s32 @!p0 $0x0  }
0x12: {  	s1 =	sld [smem:$0x3F9B];
	s0 =	simm.s32 @p0 $0x1  }
0x13: {  	[smem:$0x3FB6] =	sst s0;
	s0 =	simm.s32 @!p1 $0x0  }
0x14: {  	s2 =	sld [smem:$0x3F9A];
	s0 =	simm.s32 @p1 $0x1  }
0x15: {  	[smem:$0x3FB7] =	sst s0;
	s0 =	simm.s32 @!p2 $0x0  }
0x16: {  	s3 =	sld [smem:$0x3FDB];
	s0 =	simm.s32 @p2 $0x1  }
0x17: {  	s4 =	simm.s32 $0x1BF5;
	[smem:$0x3FB9] =	sst s0  }
0x18: {  	s0 =	sld [smem:$0x3F9C];
	_ =	swait.ge [sflag:s4], $0x0  }
0x19: {  	s7 =	sld [smem:$0x3F9D]  }
0x1a: {  	s8 =	sadd.s32 $0xFFFFE003, lr  }
0x1b: {  	s9 =	sadd.s32 $0xFFFFFEF7, lr;
	s5 =	simm.s32 $0xFFFFFFFF;
	p2 =	slt.u32 s8, $0xFFFFF086  }
0x1c: {  	p1 =	slt.u32 s9, $0xF7A;
	s5 =	simm.s32 @!p2 $0x0  }
0x1d: {  	s5 =	simm.s32 @p1 $0x1;
	p0 =	seq.s32 s7, s2  }
0x1e: {  	s7 =	smul.u32 @!p0 $0xF7A, s2;
	p2 =	seq.s32 @!p0 s5, $0x0  }
0x1f: {  	s9 =	smul.u32 $0xF7A, s1;
	s8 =	simm.s32 @!p0 $0x1BF5;
	p2 =	por !p2, p0  }
0x20: {  	[sflag:s8] =	ssyncset.s32 @!p0 $0xFFFFF086;
	s6 =	sadd.s32 @!p0 s3, s7;
	s7 =	simm.s32 @!p0 $0x108  }
0x21: {  	s3 =	sadd.s32 s3, s9;
	s6 =	sadd.s32 @!p0 $0x88, s6;
	s7 =	simm.s32 @p2 $0x1082  }
0x22: {  	[simem:s7], [sflag:s8] =	dma.local @!p0 [hbm:s6], $0xF7A  }
0x23: {  	s9 =	sor.u32 $0xD0000000, s2;
	s6 =	simm.s32 $0x108;
	_ =	swait.ge @!p0 [sflag:s8], $0x0  }
0x24: {  	s3 =	sadd.s32 $0x88, s3;
	s6 =	simm.s32 @!p1 $0x1082;
	[sflag:s4] =	ssyncset.s32 $0xFFFFF086  }
0x25: {  	[simem:s6], [sflag:s4] =	dma.local [hbm:s3], $0xF7A  }
0x26: {  	[smem:$0x3F9D] =	sst s1;
	(tag) =	ssettag s2;
	_ =	strace s9  }
0x27: {  	s1 =	sld [smem:$0x3FAD]  }
0x28: {  	s2 =	sld [smem:$0x3FAE]  }
0x29: {  	s4 =	sld [smem:$0x3FB0]  }
0x2a: {  	p0 =	seq.s32 s5, $0x0;
	s5 =	sld [smem:$0x3FB1]  }
0x2b: {  	s6 =	sld [smem:$0x3FB2]  }
0x2c: {  	s7 =	sld [smem:$0x3FB3]  }
0x2d: {  	s3 =	simm.s32 $0x108;
	s8 =	sld [smem:$0x3FB4]  }
0x2e: {  	s3 =	simm.s32 @!p0 $0x1082;
	s9 =	sld [smem:$0x3FB5]  }
0x2f: {  	lr =	sadd.s32 s0, s3;
	s0 =	sld [smem:$0x3FAC]  }
0x30: {  	s3 =	sld [smem:$0x3FAF]  }
0x31: {  	[smem:$0x3FB8] =	sst s10  }
0x32: {  	s10 =	sld [smem:$0x3FB6];
	_ =	sdelay $0x3  }
0x33: {  	p0 =	seq.s32 s10, $0x1;
	s10 =	sld [smem:$0x3FB8];
	_ =	sdelay $0x3  }
0x34: {  	[smem:$0x3FB8] =	sst s10  }
0x35: {  	s10 =	sld [smem:$0x3FB7];
	_ =	sdelay $0x3  }
0x36: {  	p1 =	seq.s32 s10, $0x1;
	s10 =	sld [smem:$0x3FB8];
	_ =	sdelay $0x3  }
0x37: {  	[smem:$0x3FB8] =	sst s10  }
0x38: {  	s10 =	sld [smem:$0x3FB9]  }
0x39: {  	_ = 	snop;
	(pc) =	sbr.ind lr, $3  }
0x3a: {  	_ = 	snop  }
0x3b: {  	_ = 	snop  }
0x3c: {  	p2 =	seq.s32 s10, $0x1;
	s10 =	sld [smem:$0x3FB8]  }
0x3d: {  	_ =	shalt  }
0x3e: {  	_ =	shalt  }
0x3f: {  	_ =	shalt  }
0x40: {  	_ =	shalt  }
0x41: {  	_ =	shalt  }
0x42: {  	_ =	shalt  }
0x43: {  	_ =	shalt  }
0x44: {  	_ =	shalt  }
0x45: {  	_ =	shalt  }
0x46: {  	_ =	shalt  }
0x47: {  	_ =	shalt  }
0x48: {  	_ =	shalt  }
0x49: {  	_ =	shalt  }
0x4a: {  	_ =	shalt  }
0x4b: {  	_ =	shalt  }
0x4c: {  	_ =	shalt  }
0x4d: {  	_ =	shalt  }
0x4e: {  	_ =	shalt  }
0x4f: {  	_ =	shalt  }
0x50: {  	_ =	shalt  }
0x51: {  	_ =	shalt  }
0x52: {  	_ =	shalt  }
0x53: {  	_ =	shalt  }
0x54: {  	_ =	shalt  }
0x55: {  	_ =	shalt  }
0x56: {  	_ =	shalt  }
0x57: {  	_ =	shalt  }
0x58: {  	_ =	shalt  }
0x59: {  	_ =	shalt  }
0x5a: {  	_ =	shalt  }
0x5b: {  	_ =	shalt  }
0x5c: {  	_ =	shalt  }
0x5d: {  	_ =	shalt  }
0x5e: {  	_ =	shalt  }
0x5f: {  	_ =	shalt  }
0x60: {  	_ =	shalt  }
0x61: {  	_ =	shalt  }
0x62: {  	_ =	shalt  }
0x63: {  	_ =	shalt  }
0x64: {  	_ =	shalt  }
0x65: {  	_ =	shalt  }
0x66: {  	_ =	shalt  }
0x67: {  	_ =	shalt  }
0x68: {  	_ =	shalt  }
0x69: {  	_ =	shalt  }
0x6a: {  	_ =	shalt  }
0x6b: {  	_ =	shalt  }
0x6c: {  	_ =	shalt  }
0x6d: {  	_ =	shalt  }
0x6e: {  	_ =	shalt  }
0x6f: {  	_ =	shalt  }
0x70: {  	_ =	shalt  }
0x71: {  	_ =	shalt  }
0x72: {  	_ =	shalt  }
0x73: {  	_ =	shalt  }
0x74: {  	_ =	shalt  }
0x75: {  	_ =	shalt  }
0x76: {  	_ =	shalt  }
0x77: {  	_ =	shalt  }
0x78: {  	_ =	shalt  }
0x79: {  	_ =	shalt  }
0x7a: {  	_ =	shalt  }
0x7b: {  	_ =	shalt  }
0x7c: {  	_ =	shalt  }
0x7d: {  	_ =	shalt  }
0x7e: {  	_ =	shalt  }
0x7f: {  	_ =	shalt  }
0x80: {  	_ =	shalt  }
0x81: {  	_ =	shalt  }
0x82: {  	_ =	shalt  }
0x83: {  	_ =	shalt  }
0x84: {  	_ =	shalt  }
0x85: {  	_ =	shalt  }
0x86: {  	_ =	shalt  }
0x87: {  	_ =	shalt  }
.Lfunc_end0:
.L_simem_size_0:
called_computation_lowered:
.L_overlay_start_0:
0x88: {  	s2 =	sld [smem:$0x3FD9]  }
0x89: {  	s3 =	sld [smem:$0x3FFE];
	_ =	sdelay $0x1  }
0x8a: {  	s1 =	srdreg.scid  }
0x8b: {  	s0 =	sand.u32 $0x1, s1  }
0x8c: {  	s17 =	sshll.u32 s0, $0xA;
	s2 =	sadd.s32 s3, s2  }
0x8d: {  	s2 =	sadd.s32 s2, s17  }
0x8e: {  	[smem:$0x3FC4] =	sst s2  }
0x8f: {  	_ = 	snop  }
0x90: {  	s2 =	sld [smem:$0x3FD0];
	(tm) =	ssettm $0x1  }
0x91: {  	s18 =	sld [smem:$0x3FFB];
	_ =	sdelay $0x3  }
0x92: {  	_ =	strace s18  }
0x93: {  	s3 =	sld [smem:$0x3FFC];
	_ =	sdelay $0x3  }
0x94: {  	_ =	strace s3  }
0x95: {  	s3 =	sld [smem:$0x3FFD];
	_ =	sdelay $0x3  }
0x96: {  	_ =	strace s3  }
0x97: {  	_ =	strace $0x8FFFFFFF  }
0x98: {  	s19 =	sld [smem:$0x3FDB];
	_ =	sdelay $0x1  }
0x99: {  	s4 =	simm.s32 $_scs_section_size  }
0x9a: {  	s5 =	simm.s32 $_size__tile_overlayer_lowered;
	s6 =	simm.s32 $_tile_overlayer_lowered  }
0x9b: {  	s22 =	simm.s32 $0x1BFF;
	s21 =	sshll.u32 s6, $0x1;
	s3 =	sadd.s32 s4, s19  }
0x9c: {  	s7 =	simm.s32 $0x0;
	s20 =	sshll.u32 s5, $0x1;
	s5 =	sadd.s32 s21, s3  }
0x9d: {  	[timem:s7], [sflag:s22] =	dma.local [hbm:s5], s20  }
0x9e: {  	_ =	swait.ge [sflag:s22], s20  }
0x9f: {  	s4 =	ssub.s32 $0x0, s20;
	[sflag:s22] =	ssyncset.done $0x0  }
0xa0: {  	[sflag:s22] =	ssyncadd.s32 s4;
	_ =	sdelay $0x1  }
0xa1: {  	s23 =	simm.s32 $0x1B8B  }
0xa2: {  	_ =	swait.ge [sflag:s23], $0x1  }
0xa3: {  	[sflag:s23] =	ssyncset.done $0x0  }
0xa4: {  	s25 =	simm.s32 $0x1B8E;
	s24 =	sld [smem:$0x3FFE];
	[sflag:s23] =	ssyncadd.s32 $0xFFFFFFFF  }
0xa5: {  	s26 =	simm.s32 $execute0_lowered;
	[smem:$0x3FD2] =	sst s25  }
0xa6: {  	s5 =	sshll.u32 s26, $0x1;
	_ =	strace $0x80000046;
	[dreg:$0x1] =	wrdreg $0xFFFFFFFF  }
0xa7: {  	s28 =	simm.s32 $_size_execute0_lowered;
	s3 =	sadd.s32 s3, s5;
	[dreg:$0x0] =	wrdreg $0x0  }
0xa8: {  	s5 =	sshll.u32 s28, $0x1;
	[dreg:$0x2] =	wrdreg s3  }
0xa9: {  	[dreg:$0x3] =	wrdreg s5  }
0xaa: {  	[dreg:$0x4] =	wrdreg $0xC0  }
0xab: {  	_ =	task [dreg:s7], $0x5FFFF  }
0xac: {  	[dreg:$0x1] =	wrdreg $0xFFFFFFFF  }
0xad: {  	[dreg:$0x0] =	wrdreg $0x60  }
0xae: {  	[dreg:$0x2] =	wrdreg s24  }
0xaf: {  	[dreg:$0x3] =	wrdreg s2  }
0xb0: {  	[dreg:$0x4] =	wrdreg $0x9E200  }
0xb1: {  	[dreg:$0x5] =	wrdreg $0x9  }
0xb2: {  	_ =	task.clear_ibuf [dreg:s7], $0x6FFFF;
	_ =	strace $0x90000046  }
0xb3: {  	s29 =	simm.s32 $0x9;
	_ =	strace $0x80000048  }
0xb4: {  	_ =	swait.ge [sflag:s29], $0x1  }
0xb5: {  	[sflag:s29] =	ssyncadd.s32 $0xFFFFFFFF  }
0xb6: {  	_ =	strace $0x90000048  }
0xb7: {  	_ =	sfence  }
0xb8: {  	s30 =	sld [smem:$0x0];
	_ =	sdelay $0x2  }
0xb9: {  	s31 =	sshll.u32 s1, $0xD;
	s1 =	sshrl.u32 s1, $0x2  }
0xba: {  	s3 =	sand.u32 $0x4000, s31;
	s1 =	sadd.s32 s1, s30  }
0xbb: {  	s0 =	sor.u32 s3, s0;
	s1 =	sshll.u32 s1, $0x11  }
0xbc: {  	s0 =	sor.u32 s1, s0  }
0xbd: {  	s0 =	sadd.s32 $0x8F2B, s0  }
0xbe: {  	[sflag:s0] =	ssyncadd.remote.s32 $0x1  }
0xbf: {  	_ =	sfence.sel $0xFFFF  }
0xc0: {  	[dreg:$0x0] =	wrdreg $0xFFFFFFFF;
	(pc) =	sbr.abs _section_cstart, $3  }
0xc1: {  	[dreg:$0x1] =	wrdreg $0xFFFFFFFF  }
0xc2: {  	_ =	task.clear_ibuf [dreg:s7], $0x2FFFF;
	_ =	strace $0x9FFFFFFF  }
0xc3: {  	(tm) =	ssettm $0x7FFFFFFF  }
tec
execute0_lowered:
.L_overlay_start_1:
0x0: {  	(tag) =	ssettag $0x1  }
0x1: {  	s8 =	rddreg [dreg:$0x0]  }
0x2: {  	s4 =	rddreg [dreg:$0x1]  }
0x3: {  	s6 =	rddreg [dreg:$0x2]  }
0x4: {  	s0 =	rddreg [dreg:$0x3]  }
0x5: {  	s3 =	srdreg.scid;
	s2 =	simm.s32 $0x0;
	s1 =	stileid.u32  }
0x6: {  	s12 =	simm.s32 $0x280;
	s13 =	simm.s32 $0x2800;
	s5 =	smul.u32 $0x9C4, s1  }
0x7: {  	s14 =	simm.s32 $0x7620;
	s15 =	simm.s32 $0x0;
	s11 =	smul.u32 $0xA000, s1  }
0x8: {  	s9 =	sand.u32 $0x1, s3;
	[smem:$0x7FF] =	sst s2;
	s30 =	smul.u32 $0x280, s1  }
0x9: {  	s3 =	ssub.s32 $0x2, s9;
	_ =	strace $0x80000047;
	p0 =	seq.s32 s9, $0x0  }
0xa: {  	s7 =	sshrl.u32 s3, $0x1;
	s10 =	sadd.s32 s5, s8;
	s4 =	sadd.s32 s4, s5  }
0xb: {  	s31 =	sshrl.u32 s11, $0x2;
	s11 =	simm.s32 $0xA200;
	s7 =	ssub.s32 s3, s7  }
0xc: {  	s3 =	sadd.s32 $0x400, s10;
	s5 =	sadd.s32 s31, s6;
	s6 =	sadd.s32 s30, s6  }
0xd: {  	s11 =	simm.s32 @!p0 $0xA800;
	s10 =	sshrl.u32 s30, $0x3;
	p0 =	sne.s32 s9, $0x0  }
0xe: {  	s9 =	simm.s32 $0x1;
	s7 =	smax.u32 s7, $0x1;
	s8 =	sadd.s32 s11, s8  }
0xf: {  	v0 =	vimm.s32 $0x0;
	v1 =	vimm.s32 $0x1;
	s11 =	simm.s32 $0x2;
	s8 =	sadd.s32 s8, s10;
	s10 =	simm.s32 $0x4E20  }
.LBB2_1:
.Ltmp0:
0x10: {  	(pc) =	sbr.rel @p0 .LBB2_5-.Ltmp0, $1  }
0x11: {  	_ =	sdelay $0x3  }
0x12: {  	[tilespmem:s2], [sflag:$0x1] =	stream.linear.gather [hbm4b:s4+s2], $0x4E20, $0x38;
	[tilespmem:$0xC620] =	vst v63  }
0x13: {  	s16 =	simm.s32 $0x4E60  }
0x14: {  	[tilespmem:s16+$0xFFFFFFC0] =	vst v0  }
0x15: {  	[tilespmem:s16+$0x30] =	vst v0  }
0x16: {  	[tilespmem:s16+$0x20] =	vst v0  }
0x17: {  	[tilespmem:s16+$0x10] =	vst v0  }
0x18: {  	[tilespmem:s16+$0x0] =	vst v0  }
0x19: {  	[tilespmem:s16+$0xFFFFFFF0] =	vst v0  }
0x1a: {  	s17 =	simm.s32 $0x0;
	[tilespmem:s16+$0xFFFFFFE0] =	vst v0  }
.LBB2_3:
0x1b: {  	s17 =	sadd.s32 $0x8, s17;
	[tilespmem:s16+$0xFFFFFFD0] =	vst v0;
	s16 =	sadd.s32 $0x80, s16  }
0x1c: {  	[tilespmem:s16+$0xFFFFFFC0] =	vst v0;
	p1 =	slt.u32 s17, $0x278  }
0x1d: {  	[tilespmem:s16+$0x30] =	vst v0  }
.Ltmp1:
0x1e: {  	[tilespmem:s16+$0x20] =	vst v0;
	(pc) =	sbr.rel @p1 .LBB2_3-.Ltmp1, $4  }
0x1f: {  	[tilespmem:s16+$0x10] =	vst v0  }
0x20: {  	[tilespmem:s16+$0x0] =	vst v0  }
0x21: {  	[tilespmem:s16+$0xFFFFFFF0] =	vst v0  }
0x22: {  	[tilespmem:s16+$0xFFFFFFE0] =	vst v0  }
.Ltmp2:
0x23: {  	(pc) =	sbr.rel .LBB2_8-.Ltmp2, $2  }
0x24: {  	_ =	sdelay $0x2  }
0x25: {  	[tilespmem:s16+$0xFFFFFFD0] =	vst v0  }
.LBB2_5:
0x26: {  	[tilespmem:s2], [sflag:$0x1] =	stream.linear.gather [hbm4b:s3+s2], $0x4E20, $0x38;
	[tilespmem:$0xC620] =	vst v63  }
0x27: {  	s16 =	simm.s32 $0x4E60  }
0x28: {  	[tilespmem:s16+$0xFFFFFFC0] =	vst v0  }
0x29: {  	[tilespmem:s16+$0x30] =	vst v0  }
0x2a: {  	[tilespmem:s16+$0x20] =	vst v0  }
0x2b: {  	[tilespmem:s16+$0x10] =	vst v0  }
0x2c: {  	[tilespmem:s16+$0x0] =	vst v0  }
0x2d: {  	[tilespmem:s16+$0xFFFFFFF0] =	vst v0  }
0x2e: {  	s17 =	simm.s32 $0x0;
	[tilespmem:s16+$0xFFFFFFE0] =	vst v0  }
.LBB2_6:
0x2f: {  	s17 =	sadd.s32 $0x8, s17;
	[tilespmem:s16+$0xFFFFFFD0] =	vst v0;
	s16 =	sadd.s32 $0x80, s16  }
0x30: {  	[tilespmem:s16+$0xFFFFFFC0] =	vst v0;
	p1 =	slt.u32 s17, $0x278  }
0x31: {  	[tilespmem:s16+$0x30] =	vst v0  }
.Ltmp3:
0x32: {  	[tilespmem:s16+$0x20] =	vst v0;
	(pc) =	sbr.rel @p1 .LBB2_6-.Ltmp3, $4  }
0x33: {  	[tilespmem:s16+$0x10] =	vst v0  }
0x34: {  	[tilespmem:s16+$0x0] =	vst v0  }
0x35: {  	[tilespmem:s16+$0xFFFFFFF0] =	vst v0  }
0x36: {  	[tilespmem:s16+$0xFFFFFFE0] =	vst v0  }
0x37: {  	[tilespmem:s16+$0xFFFFFFD0] =	vst v0  }
.LBB2_8:
0x38: {  	_ =	swait.ge [sflag:s9], $0x4E20  }
0x39: {  	[sflag:s9] =	ssyncset.done $0x0  }
0x3a: {  	s16 =	simm.s32 $0x20;
	[sflag:s9] =	ssyncadd.s32 $0xFFFFB1E0  }
0x3b: {  	v5 =	vld [tilespmem:s16+$0x10];
	_ =	sdelay $0x4  }
0x3c: {  	v4 =	vld [tilespmem:s16+$0xFFFFFFE0]  }
0x3d: {  	v2 =	vld [tilespmem:s16+$0xFFFFFFF0]  }
0x3e: {  	v3 =	vld [tilespmem:s16+$0x0]  }
0x3f: {  	s17 =	simm.s32 $0x60;
	s16 =	simm.s32 $0x0;
	[tilespmem:v5+s10+$0x0] =	vst.idx.add.s32.msk $0xffff, v1  }
.LBB2_9:
0x40: {  	v5 =	vld [tilespmem:s17+$0x10];
	s16 =	sadd.s32 $0x4, s16  }
0x41: {  	v6 =	vld [tilespmem:s17+$0xFFFFFFF0];
	p1 =	slt.u32 s16, $0x4DC  }
0x42: {  	v7 =	vld [tilespmem:s17+$0x0]  }
0x43: {  	v8 =	vld [tilespmem:s17+$0xFFFFFFE0]  }
.Ltmp4:
0x44: {  	[tilespmem:v4+s10+$0x0] =	vst.idx.add.s32.msk $0xffff, v1;
	(pc) =	sbr.rel @p1 .LBB2_9-.Ltmp4, $4  }
0x45: {  	[tilespmem:v2+s10+$0x0] =	vst.idx.add.s32.msk $0xffff, v1  }
0x46: {  	[tilespmem:v3+s10+$0x0] =	vst.idx.add.s32.msk $0xffff, v1;
	v2 =	vmov v6  }
0x47: {  	v3 =	vmov v7  }
0x48: {  	s18 =	simm.s32 $0x0;
	s17 =	sadd.s32 $0x40, s17;
	[tilespmem:v5+s10+$0x0] =	vst.idx.add.s32.msk $0xffff, v1;
	v4 =	vmov v8  }
0x49: {  	_ =	sdelay $0x3  }
0x4a: {  	[tilespmem:v4+s10+$0x0] =	vst.idx.add.s32.msk $0xffff, v1  }
0x4b: {  	[tilespmem:v2+s10+$0x0] =	vst.idx.add.s32.msk $0xffff, v1  }
0x4c: {  	[tilespmem:v3+s10+$0x0] =	vst.idx.add.s32.msk $0xffff, v1  }
.LBB2_11:
0x4d: {  	s16 =	sshra.s32 s18, $0x2  }
0x4e: {  	v2 =	vld [tilespmem:s16+$0x4E00];
	_ =	sdelay $0x2  }
0x4f: {  	p1 =	sne.s32 s18, $0x40  }
.Ltmp5:
0x50: {  	_ = 	snop;
	(pc) =	sbr.rel @p1 .LBB2_11-.Ltmp5, $2  }
0x51: {  	_ =	sdelay $0x2  }
0x52: {  	s18 =	sadd.s32 $0x40, s18;
	[tilespmem:v2+s10+$0x0] =	vst.idx.add.s32.msk $0xffff, v1  }
0x53: {  	[spmem:s5] =	stream.linear.scatter [tilespmem:s10], [sflag:$0x2], $0x2800, $0x38;
	[tilespmem:$0xC620] =	vst v63  }
0x54: {  	_ =	swait.ge [sflag:s11], $0x2800  }
0x55: {  	[sflag:s11] =	ssyncset.done $0x0  }
0x56: {  	[sflag:s11] =	ssyncadd.s32 $0xFFFFD800  }
0x57: {  	[bflag:$0x0] =	sbarrier.arrive $0xFFFF  }
0x58: {  	[tilespmem:s14], [sflag:$0x2] =	stream.strided.gather [spmem:s6], $0x2800, s13, s12, $0x38;
	[tilespmem:$0xC620] =	vst v63  }
0x59: {  	_ =	swait.ge [sflag:s11], $0x2800  }
0x5a: {  	[sflag:s11] =	ssyncset.done $0x0  }
0x5b: {  	s18 =	simm.s32 $0x8A20;
	[sflag:s11] =	ssyncadd.s32 $0xFFFFD800  }
0x5c: {  	v2 =	vld [tilespmem:s18+$0xFFFFEC10]  }
0x5d: {  	v3 =	vld [tilespmem:s18+$0xFFFFEE90]  }
0x5e: {  	v4 =	vld [tilespmem:s18+$0xFFFFF110]  }
0x5f: {  	v5 =	vld [tilespmem:s18+$0xFFFFF390]  }
0x60: {  	v6 =	vld [tilespmem:s18+$0xFFFFF610]  }
0x61: {  	v7 =	vld [tilespmem:s18+$0xFFFFF890]  }
0x62: {  	v8 =	vld [tilespmem:s18+$0xFFFFFB10]  }
0x63: {  	v9 =	vld [tilespmem:s18+$0xFFFFFD90]  }
0x64: {  	v10 =	vld [tilespmem:s18+$0x10]  }
0x65: {  	v11 =	vld [tilespmem:s18+$0x290]  }
0x66: {  	v12 =	vld [tilespmem:s18+$0x510]  }
0x67: {  	v13 =	vld [tilespmem:s18+$0x790]  }
0x68: {  	v14 =	vld [tilespmem:s18+$0xA10]  }
0x69: {  	v15 =	vld [tilespmem:s18+$0xC90]  }
0x6a: {  	v16 =	vld [tilespmem:s18+$0xF10]  }
0x6b: {  	v17 =	vld [tilespmem:s18+$0x1190]  }
0x6c: {  	v2 =	vadd.s32 v2, v3;
	v3 =	vld [tilespmem:s18+$0xFFFFEE80]  }
0x6d: {  	v2 =	vadd.s32 v4, v2;
	v4 =	vld [tilespmem:s18+$0xFFFFEC00]  }
0x6e: {  	v2 =	vadd.s32 v5, v2;
	v5 =	vld [tilespmem:s18+$0xFFFFF100]  }
0x6f: {  	v2 =	vadd.s32 v6, v2;
	v6 =	vld [tilespmem:s18+$0xFFFFF380]  }
0x70: {  	v2 =	vadd.s32 v7, v2;
	v7 =	vld [tilespmem:s18+$0xFFFFF600]  }
0x71: {  	v2 =	vadd.s32 v8, v2;
	v8 =	vld [tilespmem:s18+$0xFFFFF880]  }
0x72: {  	v2 =	vadd.s32 v9, v2;
	v3 =	vadd.s32 v4, v3;
	v4 =	vld [tilespmem:s18+$0xFFFFFB00]  }
0x73: {  	v2 =	vadd.s32 v10, v2;
	v3 =	vadd.s32 v5, v3;
	v5 =	vld [tilespmem:s18+$0xFFFFFD80]  }
0x74: {  	v2 =	vadd.s32 v11, v2;
	v3 =	vadd.s32 v6, v3;
	v6 =	vld [tilespmem:s18+$0x0]  }
0x75: {  	v2 =	vadd.s32 v12, v2;
	v3 =	vadd.s32 v7, v3;
	v7 =	vld [tilespmem:s18+$0x280]  }
0x76: {  	v2 =	vadd.s32 v13, v2;
	v3 =	vadd.s32 v8, v3;
	v8 =	vld [tilespmem:s18+$0x500]  }
0x77: {  	v63 =	vadd.s32 v14, v2;
	v3 =	vadd.s32 v4, v3;
	v2 =	vld [tilespmem:s18+$0x780]  }
0x78: {  	v4 =	vadd.s32 v15, v63;
	v5 =	vadd.s32 v5, v3;
	v3 =	vld [tilespmem:s18+$0xA00]  }
0x79: {  	v9 =	vadd.s32 v16, v4;
	v5 =	vadd.s32 v6, v5;
	v4 =	vld [tilespmem:s18+$0xC80]  }
0x7a: {  	s16 =	simm.s32 $0x4E30;
	v6 =	vadd.s32 v17, v9;
	v7 =	vadd.s32 v7, v5;
	v5 =	vld [tilespmem:s18+$0xF00]  }
0x7b: {  	s17 =	simm.s32 $0x0;
	[tilespmem:s16+$0x0] =	vst v6;
	v7 =	vadd.s32 v8, v7;
	v6 =	vld [tilespmem:s18+$0x1180];
	s18 =	simm.s32 $0x8A40  }
.LBB2_13:
0x7c: {  	v8 =	vld [tilespmem:s18+$0xFFFFEC10];
	v2 =	vadd.s32 v2, v7  }
0x7d: {  	s17 =	sadd.s32 $0x2, s17;
	v7 =	vld [tilespmem:s18+$0xFFFFEE90];
	v2 =	vadd.s32 v3, v2  }
0x7e: {  	p1 =	slt.u32 s17, $0x26;
	v3 =	vld [tilespmem:s18+$0xFFFFF110];
	v2 =	vadd.s32 v4, v2  }
0x7f: {  	v4 =	vld [tilespmem:s18+$0xFFFFF390];
	v2 =	vadd.s32 v5, v2  }
0x80: {  	v5 =	vld [tilespmem:s18+$0xFFFFF610];
	v2 =	vadd.s32 v6, v2  }
0x81: {  	v6 =	vld [tilespmem:s18+$0xFFFFF890];
	[tilespmem:s16+$0xFFFFFFF0] =	vst v2  }
0x82: {  	v2 =	vadd.s32 v8, v7;
	v7 =	vld [tilespmem:s18+$0xFFFFFB10]  }
0x83: {  	v2 =	vadd.s32 v3, v2;
	v3 =	vld [tilespmem:s18+$0xFFFFFD90]  }
0x84: {  	v2 =	vadd.s32 v4, v2;
	v4 =	vld [tilespmem:s18+$0x10]  }
0x85: {  	v2 =	vadd.s32 v5, v2;
	v5 =	vld [tilespmem:s18+$0x290]  }
0x86: {  	v2 =	vadd.s32 v6, v2;
	v6 =	vld [tilespmem:s18+$0x510]  }
0x87: {  	v2 =	vadd.s32 v7, v2;
	v7 =	vld [tilespmem:s18+$0x790]  }
0x88: {  	v2 =	vadd.s32 v3, v2;
	v3 =	vld [tilespmem:s18+$0xA10]  }
0x89: {  	v2 =	vadd.s32 v4, v2;
	v4 =	vld [tilespmem:s18+$0xC90]  }
0x8a: {  	v2 =	vadd.s32 v5, v2;
	v5 =	vld [tilespmem:s18+$0xF10]  }
0x8b: {  	v2 =	vadd.s32 v6, v2;
	v6 =	vld [tilespmem:s18+$0x1190]  }
0x8c: {  	v8 =	vld [tilespmem:s18+$0xFFFFEE80];
	v2 =	vadd.s32 v7, v2  }
0x8d: {  	v7 =	vld [tilespmem:s18+$0xFFFFEC00];
	v2 =	vadd.s32 v3, v2  }
0x8e: {  	v3 =	vld [tilespmem:s18+$0xFFFFF100];
	v2 =	vadd.s32 v4, v2  }
0x8f: {  	v4 =	vld [tilespmem:s18+$0xFFFFF380];
	v2 =	vadd.s32 v5, v2  }
0x90: {  	s16 =	sadd.s32 $0x20, s16;
	v5 =	vld [tilespmem:s18+$0xFFFFF600];
	v2 =	vadd.s32 v6, v2  }
0x91: {  	v6 =	vld [tilespmem:s18+$0xFFFFF880];
	[tilespmem:s16+$0x0] =	vst v2  }
0x92: {  	v2 =	vadd.s32 v7, v8;
	v7 =	vld [tilespmem:s18+$0xFFFFFB00]  }
0x93: {  	v2 =	vadd.s32 v3, v2;
	v3 =	vld [tilespmem:s18+$0xFFFFFD80]  }
0x94: {  	v2 =	vadd.s32 v4, v2;
	v4 =	vld [tilespmem:s18+$0x0]  }
0x95: {  	v2 =	vadd.s32 v5, v2;
	v5 =	vld [tilespmem:s18+$0x280]  }
0x96: {  	v2 =	vadd.s32 v6, v2;
	v6 =	vld [tilespmem:s18+$0x500]  }
.Ltmp6:
0x97: {  	v7 =	vadd.s32 v7, v2;
	v2 =	vld [tilespmem:s18+$0x780];
	(pc) =	sbr.rel @p1 .LBB2_13-.Ltmp6, $4  }
0x98: {  	v7 =	vadd.s32 v3, v7;
	v3 =	vld [tilespmem:s18+$0xA00]  }
0x99: {  	v7 =	vadd.s32 v4, v7;
	v4 =	vld [tilespmem:s18+$0xC80]  }
0x9a: {  	v7 =	vadd.s32 v5, v7;
	v5 =	vld [tilespmem:s18+$0xF00]  }
0x9b: {  	v7 =	vadd.s32 v6, v7;
	v6 =	vld [tilespmem:s18+$0x1180];
	s18 =	sadd.s32 $0x20, s18  }
0x9c: {  	v2 =	vadd.s32 v2, v7  }
0x9d: {  	v2 =	vadd.s32 v3, v2  }
0x9e: {  	v2 =	vadd.s32 v4, v2  }
0x9f: {  	s15 =	sadd.s32 $0x1, s15;
	v2 =	vadd.s32 v5, v2  }
0xa0: {  	p1 =	sne.s32 s15, s7;
	v2 =	vadd.s32 v6, v2  }
.Ltmp7:
0xa1: {  	[tilespmem:s16+$0xFFFFFFF0] =	vst v2;
	(pc) =	sbr.rel @p1 .LBB2_1-.Ltmp7, $4  }
0xa2: {  	[hbm4b:s8+s2] =	stream.linear.scatter [tilespmem:s10], [sflag:$0x2], $0x280, $0x38;
	[tilespmem:$0xC620] =	vst v63  }
0xa3: {  	_ =	swait.ge [sflag:s11], $0x280  }
0xa4: {  	[sflag:s11] =	ssyncset.done $0x0  }
0xa5: {  	[sflag:s11] =	ssyncadd.s32 $0xFFFFFD80  }
0xa6: {  	_ =	sfence.sel $0x180000  }
0xa7: {  	[bflag:$0x0] =	sbarrier.arrive $0xFFFF  }
0xa8: {  	p0 =	sne.s32 s1, $0x0;
	_ =	strace $0x90000047  }
0xa9: {  	s0 =	sadd.s32 @!p0 $0x100000, s0;
	[bflag:$0x2] =	sbarrier.arrive $0xFFFF  }
0xaa: {  	[sflag:s0] =	ssyncadd.tile.s32 @!p0 $0x1;
	_ =	shalt  }
.Lfunc_end2:
_tile_overlayer_lowered:
.L_overlay_start_2:
0xab: {  	(tag) =	ssettag $0x2  }
0xac: {  	s0 =	rddreg [dreg:$0x0];
	s2 =	stileid.u32  }
0xad: {  	s1 =	rddreg [dreg:$0x1];
	p0 =	sne.s32 s2, $0x0  }
0xae: {  	s3 =	rddreg [dreg:$0x2];
	[bflag:$0x3] =	sbarrier.arrive $0xFFFF;
	s2 =	simm.s32 @!p0 $0x1C02  }
0xaf: {  	[timem:s3], [sflag:s2] =	dma.local @!p0 [hbm:s0], s1  }
0xb0: {  	s0 =	simm.s32 @!p0 $0x2  }
0xb1: {  	_ =	swait.ge @!p0 [sflag:s0], s1  }
0xb2: {  	s1 =	ssub.s32 @!p0 $0x0, s1;
	[sflag:s0] =	ssyncset.done @!p0 $0x0  }
0xb3: {  	[sflag:s0] =	ssyncadd.s32 @!p0 s1  }
0xb4: {  	[bflag:$0x3] =	sbarrier.arrive $0xFFFF  }
0xb5: {  	_ =	shalt  }

// kernel: kernel.7.cloned.1.call-start
scs
__scs_entry_jumppad:
0x0: {  	(pc) =	sbr.rel $0x88, $3  }
0x1: {  	(tag) =	ssettag $0x0;
	lr =	simm.s32 $0x1  }
0x2: {  	[smem:$0x3F9D] =	sst lr;
	_ =	strace $0xD0000000  }
0x3: {  	_ = 	snop  }
0x4: {  	_ = 	snop  }
0x5: {  	_ = 	snop  }
0x6: {  	_ = 	snop  }
0x7: {  	_ = 	snop  }
__scs_overlays_trampoline_lowered:
0x8: {  	[smem:$0x3FAC] =	sst s0  }
0x9: {  	[smem:$0x3FAD] =	sst s1  }
0xa: {  	[smem:$0x3FAE] =	sst s2  }
0xb: {  	[smem:$0x3FAF] =	sst s3  }
0xc: {  	[smem:$0x3FB0] =	sst s4  }
0xd: {  	[smem:$0x3FB1] =	sst s5  }
0xe: {  	[smem:$0x3FB2] =	sst s6  }
0xf: {  	[smem:$0x3FB3] =	sst s7  }
0x10: {  	[smem:$0x3FB4] =	sst s8  }
0x11: {  	[smem:$0x3FB5] =	sst s9;
	s0 =	simm.s32 @!p0 $0x0  }
0x12: {  	s1 =	sld [smem:$0x3F9B];
	s0 =	simm.s32 @p0 $0x1  }
0x13: {  	[smem:$0x3FB6] =	sst s0;
	s0 =	simm.s32 @!p1 $0x0  }
0x14: {  	s2 =	sld [smem:$0x3F9A];
	s0 =	simm.s32 @p1 $0x1  }
0x15: {  	[smem:$0x3FB7] =	sst s0;
	s0 =	simm.s32 @!p2 $0x0  }
0x16: {  	s3 =	sld [smem:$0x3FDB];
	s0 =	simm.s32 @p2 $0x1  }
0x17: {  	s4 =	simm.s32 $0x1BF5;
	[smem:$0x3FB9] =	sst s0  }
0x18: {  	s0 =	sld [smem:$0x3F9C];
	_ =	swait.ge [sflag:s4], $0x0  }
0x19: {  	s7 =	sld [smem:$0x3F9D]  }
0x1a: {  	s8 =	sadd.s32 $0xFFFFE003, lr  }
0x1b: {  	s9 =	sadd.s32 $0xFFFFFEF7, lr;
	s5 =	simm.s32 $0xFFFFFFFF;
	p2 =	slt.u32 s8, $0xFFFFF086  }
0x1c: {  	p1 =	slt.u32 s9, $0xF7A;
	s5 =	simm.s32 @!p2 $0x0  }
0x1d: {  	s5 =	simm.s32 @p1 $0x1;
	p0 =	seq.s32 s7, s2  }
0x1e: {  	s7 =	smul.u32 @!p0 $0xF7A, s2;
	p2 =	seq.s32 @!p0 s5, $0x0  }
0x1f: {  	s9 =	smul.u32 $0xF7A, s1;
	s8 =	simm.s32 @!p0 $0x1BF5;
	p2 =	por !p2, p0  }
0x20: {  	[sflag:s8] =	ssyncset.s32 @!p0 $0xFFFFF086;
	s6 =	sadd.s32 @!p0 s3, s7;
	s7 =	simm.s32 @!p0 $0x108  }
0x21: {  	s3 =	sadd.s32 s3, s9;
	s6 =	sadd.s32 @!p0 $0x88, s6;
	s7 =	simm.s32 @p2 $0x1082  }
0x22: {  	[simem:s7], [sflag:s8] =	dma.local @!p0 [hbm:s6], $0xF7A  }
0x23: {  	s9 =	sor.u32 $0xD0000000, s2;
	s6 =	simm.s32 $0x108;
	_ =	swait.ge @!p0 [sflag:s8], $0x0  }
0x24: {  	s3 =	sadd.s32 $0x88, s3;
	s6 =	simm.s32 @!p1 $0x1082;
	[sflag:s4] =	ssyncset.s32 $0xFFFFF086  }
0x25: {  	[simem:s6], [sflag:s4] =	dma.local [hbm:s3], $0xF7A  }
0x26: {  	[smem:$0x3F9D] =	sst s1;
	(tag) =	ssettag s2;
	_ =	strace s9  }
0x27: {  	s1 =	sld [smem:$0x3FAD]  }
0x28: {  	s2 =	sld [smem:$0x3FAE]  }
0x29: {  	s4 =	sld [smem:$0x3FB0]  }
0x2a: {  	p0 =	seq.s32 s5, $0x0;
	s5 =	sld [smem:$0x3FB1]  }
0x2b: {  	s6 =	sld [smem:$0x3FB2]  }
0x2c: {  	s7 =	sld [smem:$0x3FB3]  }
0x2d: {  	s3 =	simm.s32 $0x108;
	s8 =	sld [smem:$0x3FB4]  }
0x2e: {  	s3 =	simm.s32 @!p0 $0x1082;
	s9 =	sld [smem:$0x3FB5]  }
0x2f: {  	lr =	sadd.s32 s0, s3;
	s0 =	sld [smem:$0x3FAC]  }
0x30: {  	s3 =	sld [smem:$0x3FAF]  }
0x31: {  	[smem:$0x3FB8] =	sst s10  }
0x32: {  	s10 =	sld [smem:$0x3FB6];
	_ =	sdelay $0x3  }
0x33: {  	p0 =	seq.s32 s10, $0x1;
	s10 =	sld [smem:$0x3FB8];
	_ =	sdelay $0x3  }
0x34: {  	[smem:$0x3FB8] =	sst s10  }
0x35: {  	s10 =	sld [smem:$0x3FB7];
	_ =	sdelay $0x3  }
0x36: {  	p1 =	seq.s32 s10, $0x1;
	s10 =	sld [smem:$0x3FB8];
	_ =	sdelay $0x3  }
0x37: {  	[smem:$0x3FB8] =	sst s10  }
0x38: {  	s10 =	sld [smem:$0x3FB9]  }
0x39: {  	_ = 	snop;
	(pc) =	sbr.ind lr, $3  }
0x3a: {  	_ = 	snop  }
0x3b: {  	_ = 	snop  }
0x3c: {  	p2 =	seq.s32 s10, $0x1;
	s10 =	sld [smem:$0x3FB8]  }
0x3d: {  	_ =	shalt  }
0x3e: {  	_ =	shalt  }
0x3f: {  	_ =	shalt  }
0x40: {  	_ =	shalt  }
0x41: {  	_ =	shalt  }
0x42: {  	_ =	shalt  }
0x43: {  	_ =	shalt  }
0x44: {  	_ =	shalt  }
0x45: {  	_ =	shalt  }
0x46: {  	_ =	shalt  }
0x47: {  	_ =	shalt  }
0x48: {  	_ =	shalt  }
0x49: {  	_ =	shalt  }
0x4a: {  	_ =	shalt  }
0x4b: {  	_ =	shalt  }
0x4c: {  	_ =	shalt  }
0x4d: {  	_ =	shalt  }
0x4e: {  	_ =	shalt  }
0x4f: {  	_ =	shalt  }
0x50: {  	_ =	shalt  }
0x51: {  	_ =	shalt  }
0x52: {  	_ =	shalt  }
0x53: {  	_ =	shalt  }
0x54: {  	_ =	shalt  }
0x55: {  	_ =	shalt  }
0x56: {  	_ =	shalt  }
0x57: {  	_ =	shalt  }
0x58: {  	_ =	shalt  }
0x59: {  	_ =	shalt  }
0x5a: {  	_ =	shalt  }
0x5b: {  	_ =	shalt  }
0x5c: {  	_ =	shalt  }
0x5d: {  	_ =	shalt  }
0x5e: {  	_ =	shalt  }
0x5f: {  	_ =	shalt  }
0x60: {  	_ =	shalt  }
0x61: {  	_ =	shalt  }
0x62: {  	_ =	shalt  }
0x63: {  	_ =	shalt  }
0x64: {  	_ =	shalt  }
0x65: {  	_ =	shalt  }
0x66: {  	_ =	shalt  }
0x67: {  	_ =	shalt  }
0x68: {  	_ =	shalt  }
0x69: {  	_ =	shalt  }
0x6a: {  	_ =	shalt  }
0x6b: {  	_ =	shalt  }
0x6c: {  	_ =	shalt  }
0x6d: {  	_ =	shalt  }
0x6e: {  	_ =	shalt  }
0x6f: {  	_ =	shalt  }
0x70: {  	_ =	shalt  }
0x71: {  	_ =	shalt  }
0x72: {  	_ =	shalt  }
0x73: {  	_ =	shalt  }
0x74: {  	_ =	shalt  }
0x75: {  	_ =	shalt  }
0x76: {  	_ =	shalt  }
0x77: {  	_ =	shalt  }
0x78: {  	_ =	shalt  }
0x79: {  	_ =	shalt  }
0x7a: {  	_ =	shalt  }
0x7b: {  	_ =	shalt  }
0x7c: {  	_ =	shalt  }
0x7d: {  	_ =	shalt  }
0x7e: {  	_ =	shalt  }
0x7f: {  	_ =	shalt  }
0x80: {  	_ =	shalt  }
0x81: {  	_ =	shalt  }
0x82: {  	_ =	shalt  }
0x83: {  	_ =	shalt  }
0x84: {  	_ =	shalt  }
0x85: {  	_ =	shalt  }
0x86: {  	_ =	shalt  }
0x87: {  	_ =	shalt  }
.Lfunc_end0:
.L_simem_size_0:
called_computation.1_lowered:
.L_overlay_start_0:
0x88: {  	s2 =	sld [smem:$0x3FD9]  }
0x89: {  	s3 =	sld [smem:$0x3FFE];
	_ =	sdelay $0x1  }
0x8a: {  	s1 =	srdreg.scid  }
0x8b: {  	s0 =	sand.u32 $0x1, s1  }
0x8c: {  	s17 =	sshll.u32 s0, $0xA;
	s2 =	sadd.s32 s3, s2  }
0x8d: {  	s2 =	sadd.s32 s2, s17  }
0x8e: {  	[smem:$0x3FC4] =	sst s2  }
0x8f: {  	_ = 	snop  }
0x90: {  	s2 =	sld [smem:$0x3FC9]  }
0x91: {  	s18 =	sld [smem:$0x3FC7]  }
0x92: {  	s4 =	sld [smem:$0x3FC6]  }
0x93: {  	s5 =	sld [smem:$0x3FD0];
	(tm) =	ssettm $0x1  }
0x94: {  	s6 =	sld [smem:$0x3FFB];
	_ =	sdelay $0x3  }
0x95: {  	_ =	strace s6  }
0x96: {  	s6 =	sld [smem:$0x3FFC];
	_ =	sdelay $0x3  }
0x97: {  	_ =	strace s6  }
0x98: {  	s6 =	sld [smem:$0x3FFD];
	_ =	sdelay $0x3  }
0x99: {  	_ =	strace s6  }
0x9a: {  	_ =	strace $0x8FFFFFFF  }
0x9b: {  	s19 =	sld [smem:$0x3FDB];
	_ =	sdelay $0x1  }
0x9c: {  	s7 =	simm.s32 $_scs_section_size  }
0x9d: {  	s8 =	simm.s32 $_size__tile_overlayer_lowered;
	s9 =	simm.s32 $_tile_overlayer_lowered  }
0x9e: {  	s22 =	simm.s32 $0x1BFF;
	s21 =	sshll.u32 s9, $0x1;
	s6 =	sadd.s32 s7, s19  }
0x9f: {  	s10 =	simm.s32 $0x0;
	s20 =	sshll.u32 s8, $0x1;
	s8 =	sadd.s32 s21, s6  }
0xa0: {  	[timem:s10], [sflag:s22] =	dma.local [hbm:s8], s20  }
0xa1: {  	_ =	swait.ge [sflag:s22], s20  }
0xa2: {  	s7 =	ssub.s32 $0x0, s20;
	[sflag:s22] =	ssyncset.done $0x0  }
0xa3: {  	[sflag:s22] =	ssyncadd.s32 s7;
	_ =	sdelay $0x1  }
0xa4: {  	s23 =	simm.s32 $0x1B8B  }
0xa5: {  	_ =	swait.ge [sflag:s23], $0x1  }
0xa6: {  	[sflag:s23] =	ssyncset.done $0x0  }
0xa7: {  	s25 =	simm.s32 $0x1B8E;
	s24 =	sld [smem:$0x3FFE];
	[sflag:s23] =	ssyncadd.s32 $0xFFFFFFFF  }
0xa8: {  	s26 =	simm.s32 $execute0_lowered;
	[smem:$0x3FD2] =	sst s25  }
0xa9: {  	s8 =	sshll.u32 s26, $0x1;
	_ =	strace $0x80000049;
	[dreg:$0x1] =	wrdreg $0xFFFFFFFF  }
0xaa: {  	s28 =	simm.s32 $_size_execute0_lowered;
	s6 =	sadd.s32 s6, s8;
	[dreg:$0x0] =	wrdreg $0x0  }
0xab: {  	s8 =	sshll.u32 s28, $0x1;
	[dreg:$0x2] =	wrdreg s6  }
0xac: {  	[dreg:$0x3] =	wrdreg s8  }
0xad: {  	[dreg:$0x4] =	wrdreg $0xC0  }
0xae: {  	_ =	task [dreg:s10], $0x5FFFF  }
0xaf: {  	[dreg:$0x1] =	wrdreg $0xFFFFFFFF  }
0xb0: {  	[dreg:$0x0] =	wrdreg $0x60  }
0xb1: {  	[dreg:$0x2] =	wrdreg s2  }
0xb2: {  	[dreg:$0x3] =	wrdreg s24  }
0xb3: {  	[dreg:$0x4] =	wrdreg s18  }
0xb4: {  	[dreg:$0x5] =	wrdreg s4  }
0xb5: {  	[dreg:$0x6] =	wrdreg s5  }
0xb6: {  	[dreg:$0x7] =	wrdreg $0x9  }
0xb7: {  	_ =	task.clear_ibuf [dreg:s10], $0x8FFFF;
	_ =	strace $0x90000049  }
0xb8: {  	s29 =	simm.s32 $0x9;
	_ =	strace $0x8000004B  }
0xb9: {  	_ =	swait.ge [sflag:s29], $0x1  }
0xba: {  	[sflag:s29] =	ssyncadd.s32 $0xFFFFFFFF  }
0xbb: {  	_ =	strace $0x9000004B  }
0xbc: {  	_ =	sfence  }
0xbd: {  	s30 =	sld [smem:$0x0];
	_ =	sdelay $0x2  }
0xbe: {  	s31 =	sshll.u32 s1, $0xD;
	s1 =	sshrl.u32 s1, $0x2  }
0xbf: {  	s3 =	sand.u32 $0x4000, s31;
	s1 =	sadd.s32 s1, s30  }
0xc0: {  	s0 =	sor.u32 s3, s0;
	s1 =	sshll.u32 s1, $0x11  }
0xc1: {  	s0 =	sor.u32 s1, s0  }
0xc2: {  	s0 =	sadd.s32 $0x8F2B, s0  }
0xc3: {  	[sflag:s0] =	ssyncadd.remote.s32 $0x1  }
0xc4: {  	_ =	sfence.sel $0xFFFF  }
0xc5: {  	[dreg:$0x0] =	wrdreg $0xFFFFFFFF;
	(pc) =	sbr.abs _section_cstart, $3  }
0xc6: {  	[dreg:$0x1] =	wrdreg $0xFFFFFFFF  }
0xc7: {  	_ =	task.clear_ibuf [dreg:s10], $0x2FFFF;
	_ =	strace $0x9FFFFFFF  }
0xc8: {  	(tm) =	ssettm $0x7FFFFFFF  }
0xc9: {  	_ =	shalt  }
tec
execute0_lowered:
.L_overlay_start_1:
0x0: {  	(tag) =	ssettag $0x1  }
0x1: {  	s0 =	rddreg [dreg:$0x0]  }
0x2: {  	s2 =	rddreg [dreg:$0x1]  }
0x3: {  	s1 =	rddreg [dreg:$0x2]  }
0x4: {  	s3 =	rddreg [dreg:$0x3];
	s4 =	srdreg.scid  }
0x5: {  	s7 =	stileid.u32;
	s5 =	rddreg [dreg:$0x4];
	s28 =	simm.s32 $0xF0  }
0x6: {  	s29 =	simm.s32 $0x2940;
	s6 =	sand.u32 $0x1, s4;
	s7 =	sshll.u32 s7, $0x1  }
0x7: {  	s30 =	simm.s32 $0x2;
	s31 =	simm.s32 $0x140;
	s7 =	sor.u32 s6, s7  }
0x8: {  	s4 =	simm.s32 $0x0;
	s8 =	sadd.s32 $0xA200, s2;
	s7 =	smul.u32 $0x140, s7  }
0x9: {  	s2 =	sadd.s32 $0xA800, s2;
	[smem:$0x7FF] =	sst s4;
	s6 =	ssub.s32 $0x2, s6  }
0xa: {  	_ =	strace $0x8000004A;
	s9 =	sshrl.u32 s6, $0x1;
	s7 =	smin.u32 s7, $0x25D0  }
0xb: {  	s6 =	ssub.s32 s6, s9;
	s17 =	sshrl.u32 s7, $0x3;
	s10 =	sadd.s32 $0x50, s7  }
0xc: {  	s18 =	sshll.u32 s7, $0x4;
	s23 =	sadd.s32 $0xA0, s7;
	s7 =	sadd.s32 $0xF0, s7  }
0xd: {  	s11 =	sadd.s32 s8, s17;
	s12 =	sshrl.u32 s10, $0x3;
	s9 =	sadd.s32 s2, s17  }
0xe: {  	s19 =	sadd.s32 s0, s18;
	s22 =	sshll.u32 s10, $0x4;
	s25 =	sshrl.u32 s23, $0x3  }
0xf: {  	s10 =	sshll.u32 s23, $0x4;
	s26 =	sshrl.u32 s7, $0x3;
	[dreg:$0x6] =	wrdreg s11  }
0x10: {  	s7 =	sshll.u32 s7, $0x4;
	s23 =	simm.s32 $0x1;
	[dreg:$0x7] =	wrdreg s9  }
0x11: {  	[dreg:$0x8] =	wrdreg s19;
	s20 =	sadd.s32 s8, s12;
	s21 =	sadd.s32 s2, s12  }
0x12: {  	s24 =	sadd.s32 s0, s22;
	s11 =	sadd.s32 s5, s18;
	s12 =	sadd.s32 s8, s25  }
0x13: {  	s13 =	sadd.s32 s2, s25;
	s14 =	sadd.s32 s0, s10;
	s15 =	sadd.s32 s5, s22  }
0x14: {  	s16 =	sadd.s32 s8, s26;
	s17 =	sadd.s32 s2, s26;
	s18 =	sadd.s32 s0, s7  }
0x15: {  	s19 =	sadd.s32 s5, s10;
	s22 =	simm.s32 $0xA0;
	[dreg:$0x9] =	wrdreg s20  }
0x16: {  	s25 =	simm.s32 $0x5140;
	s26 =	simm.s32 $0xA140;
	[dreg:$0xa] =	wrdreg s21  }
0x17: {  	s2 =	simm.s32 $0x7940;
	s0 =	simm.s32 $0xC940;
	[dreg:$0xb] =	wrdreg s24  }
0x18: {  	[dreg:$0xc] =	wrdreg s11;
	s20 =	sadd.s32 s5, s7;
	s21 =	smax.u32 s6, $0x1  }
0x19: {  	s24 =	simm.s32 $0x50;
	s5 =	simm.s32 $0x3;
	s6 =	simm.s32 $0x0  }
.LBB2_1:
0x1a: {  	s7 =	rddreg [dreg:$0x6]  }
0x1b: {  	[tilespmem:s4], [sflag:$0x1] =	stream.linear.gather [hbm4b:s7+s4], $0x50, $0x38;
	[tilespmem:$0xF140] =	vst v63  }
0x1c: {  	s11 =	rddreg [dreg:$0x7]  }
0x1d: {  	[tilespmem:s22], [sflag:$0x1] =	stream.linear.gather [hbm4b:s11+s4], $0x50, $0x38;
	[tilespmem:$0xF140] =	vst v63  }
0x1e: {  	s8 =	rddreg [dreg:$0x8]  }
0x1f: {  	[tilespmem:s31], [sflag:$0x1] =	stream.linear.gather [hbm4b:s8+s4], $0x2800, $0x38;
	[tilespmem:$0xF140] =	vst v63  }
0x20: {  	_ =	swait.ge [sflag:s23], $0x50  }
0x21: {  	[sflag:s23] =	ssyncset.done $0x0  }
0x22: {  	[sflag:s23] =	ssyncadd.s32 $0xFFFFFFB0  }
0x23: {  	_ =	swait.ge [sflag:s23], $0x50  }
0x24: {  	[sflag:s23] =	ssyncset.done $0x0  }
0x25: {  	[sflag:s23] =	ssyncadd.s32 $0xFFFFFFB0  }
0x26: {  	_ =	swait.ge [sflag:s23], $0x2800  }
0x27: {  	[sflag:s23] =	ssyncset.done $0x0  }
0x28: {  	[sflag:s23] =	ssyncadd.s32 $0xFFFFD800  }
0x29: {  	v0 =	vld [tilespmem:$0x0]  }
0x2a: {  	v1 =	vld [tilespmem:$0xA0]  }
0x2b: {  	v2 =	vld [tilespmem:$0x10]  }
0x2c: {  	v3 =	vld [tilespmem:$0xB0]  }
0x2d: {  	v4 =	vld [tilespmem:$0x20]  }
0x2e: {  	v5 =	vld [tilespmem:$0xC0];
	vm0 =	vlt.s32 v0, $0x1FF  }
0x2f: {  	v6 =	vld [tilespmem:$0x30];
	vm7 =	vlt.s32 v1, $0x1FF;
	v0 =	vnsel vm0, $0x1FF, v0  }
0x30: {  	vm8 =	vlt.s32 v2, $0x1FF;
	[tilespmem:$0x0] =	vst v0;
	v0 =	vnsel vm7, $0x1FF, v1;
	v1 =	vld [tilespmem:$0xD0]  }
0x31: {  	vm9 =	vlt.s32 v3, $0x1FF;
	[tilespmem:$0xA0] =	vst v0;
	v0 =	vnsel vm8, $0x1FF, v2;
	v2 =	vld [tilespmem:$0x40]  }
0x32: {  	vm10 =	vlt.s32 v4, $0x1FF;
	[tilespmem:$0x10] =	vst v0;
	v0 =	vnsel vm9, $0x1FF, v3;
	v3 =	vld [tilespmem:$0xE0]  }
0x33: {  	vm11 =	vlt.s32 v5, $0x1FF;
	[tilespmem:$0xB0] =	vst v0;
	v0 =	vnsel vm10, $0x1FF, v4  }
0x34: {  	vm12 =	vlt.s32 v6, $0x1FF;
	[tilespmem:$0x20] =	vst v0;
	v0 =	vnsel vm11, $0x1FF, v5  }
0x35: {  	[tilespmem:$0xC0] =	vst v0;
	v0 =	vnsel vm12, $0x1FF, v6;
	vm13 =	vlt.s32 v1, $0x1FF  }
0x36: {  	[tilespmem:$0x30] =	vst v0;
	v0 =	vnsel vm13, $0x1FF, v1;
	vm14 =	vlt.s32 v2, $0x1FF  }
0x37: {  	[tilespmem:$0xD0] =	vst v0;
	v0 =	vnsel vm14, $0x1FF, v2;
	vm15 =	vlt.s32 v3, $0x1FF  }
0x38: {  	[tilespmem:$0x40] =	vst v0;
	v0 =	vnsel vm15, $0x1FF, v3  }
0x39: {  	[tilespmem:$0xE0] =	vst v0  }
0x3a: {  	[tilespmem:s25], [sflag:$0x2] =	stream.indirect.gather [hbm4b:s1+s24], $0x80, s4, s24, $0xb8;
	[tilespmem:$0xF140] =	vst v63  }
0x3b: {  	_ = 	snop  }
0x3c: {  	[tilespmem:s26], [sflag:$0x2] =	stream.indirect.gather [hbm4b:s3+s24], $0x80, s22, s24, $0xb8;
	[tilespmem:$0xF140] =	vst v63  }
0x3d: {  	s9 =	rddreg [dreg:$0x9]  }
0x3e: {  	[tilespmem:s24], [sflag:$0x1] =	stream.linear.gather [hbm4b:s9+s4], $0x50, $0x38;
	[tilespmem:$0xF140] =	vst v63  }
0x3f: {  	s10 =	rddreg [dreg:$0xa]  }
0x40: {  	[tilespmem:s28], [sflag:$0x1] =	stream.linear.gather [hbm4b:s10+s4], $0x50, $0x38;
	[tilespmem:$0xF140] =	vst v63  }
0x41: {  	s11 =	rddreg [dreg:$0xb]  }
0x42: {  	[tilespmem:s29], [sflag:$0x1] =	stream.linear.gather [hbm4b:s11+s4], $0x2800, $0x38;
	[tilespmem:$0xF140] =	vst v63  }
0x43: {  	_ =	swait.ge [sflag:s30], $0x2800  }
0x44: {  	[sflag:s30] =	ssyncset.done $0x0  }
0x45: {  	[sflag:s30] =	ssyncadd.s32 $0xFFFFD800  }
0x46: {  	_ =	swait.ge [sflag:s30], $0x2800  }
0x47: {  	[sflag:s30] =	ssyncset.done $0x0  }
0x48: {  	s8 =	simm.s32 $0x5160;
	[sflag:s30] =	ssyncadd.s32 $0xFFFFD800  }
0x49: {  	s7 =	simm.s32 $0xA160;
	v1 =	vld [tilespmem:s8+$0x10]  }
0x4a: {  	v2 =	vld [tilespmem:s7+$0x10]  }
0x4b: {  	v3 =	vld [tilespmem:s8+$0xFFFFFFF0]  }
0x4c: {  	v61 =	vld [tilespmem:s7+$0xFFFFFFF0]  }
0x4d: {  	v62 =	vld [tilespmem:s8+$0x0]  }
0x4e: {  	v63 =	vld [tilespmem:s7+$0x0]  }
0x4f: {  	v0 =	vld [tilespmem:s7+$0xFFFFFFE0]  }
0x50: {  	v1 =	vadd.f32 v2, v1;
	v2 =	vld [tilespmem:s8+$0xFFFFFFE0];
	_ =	sdelay $0x1  }
0x51: {  	v3 =	vadd.f32 v61, v3  }
0x52: {  	s9 =	simm.s32 $0x140;
	[tilespmem:s31+$0x30] =	vst.add.f32.msk $0xffff, v1  }
0x53: {  	s10 =	simm.s32 $0x51A0;
	s11 =	simm.s32 $0x140;
	s8 =	simm.s32 $0x0;
	[tilespmem:s31+$0x10] =	vst.add.f32.msk $0xffff, v3;
	v1 =	vadd.f32 v63, v62  }
.LBB2_2:
0x54: {  	v3 =	vld [tilespmem:s10+$0x10];
	v4 =	vadd.f32 v0, v2;
	s7 =	sadd.s32 $0x40, s7  }
0x55: {  	s8 =	sadd.s32 $0x4, s8;
	v2 =	vld [tilespmem:s7+$0x10]  }
0x56: {  	p0 =	slt.u32 s8, $0x27C;
	v0 =	vld [tilespmem:s7+$0xFFFFFFE0]  }
0x57: {  	v5 =	vld [tilespmem:s10+$0xFFFFFFF0]  }
0x58: {  	v6 =	vld [tilespmem:s7+$0xFFFFFFF0]  }
0x59: {  	v7 =	vld [tilespmem:s10+$0x0]  }
0x5a: {  	v8 =	vld [tilespmem:s7+$0x0];
	v3 =	vadd.f32 v2, v3  }
.Ltmp0:
0x5b: {  	s11 =	sadd.s32 $0x40, s11;
	v2 =	vld [tilespmem:s10+$0xFFFFFFE0];
	(pc) =	sbr.rel @p0 .LBB2_2-.Ltmp0, $4  }
0x5c: {  	[tilespmem:s11+$0x30] =	vst.add.f32.msk $0xffff, v3  }
0x5d: {  	v3 =	vadd.f32 v6, v5;
	[tilespmem:s9+$0x0] =	vst.add.f32.msk $0xffff, v4  }
0x5e: {  	[tilespmem:s9+$0x20] =	vst.add.f32.msk $0xffff, v1;
	s9 =	smov.u32 s11  }
0x5f: {  	s10 =	sadd.s32 $0x40, s10;
	[tilespmem:s11+$0x10] =	vst.add.f32.msk $0xffff, v3;
	v1 =	vadd.f32 v8, v7  }
0x60: {  	v0 =	vadd.f32 v0, v2  }
0x61: {  	[tilespmem:s9+$0x20] =	vst.add.f32.msk $0xffff, v1  }
0x62: {  	[tilespmem:s9+$0x0] =	vst.add.f32.msk $0xffff, v0  }
0x63: {  	s7 =	rddreg [dreg:$0xc]  }
0x64: {  	[hbm4b:s7+s4] =	stream.linear.scatter [tilespmem:s31], [sflag:$0x3], $0x2800, $0x38;
	[tilespmem:$0xF140] =	vst v63  }
0x65: {  	_ =	swait.ge [sflag:s23], $0x50  }
0x66: {  	[sflag:s23] =	ssyncset.done $0x0  }
0x67: {  	[sflag:s23] =	ssyncadd.s32 $0xFFFFFFB0  }
0x68: {  	_ =	swait.ge [sflag:s23], $0x50  }
0x69: {  	[sflag:s23] =	ssyncset.done $0x0  }
0x6a: {  	[sflag:s23] =	ssyncadd.s32 $0xFFFFFFB0  }
0x6b: {  	_ =	swait.ge [sflag:s23], $0x2800  }
0x6c: {  	[sflag:s23] =	ssyncset.done $0x0  }
0x6d: {  	[sflag:s23] =	ssyncadd.s32 $0xFFFFD800  }
0x6e: {  	v0 =	vld [tilespmem:$0x50]  }
0x6f: {  	v1 =	vld [tilespmem:$0xF0]  }
0x70: {  	v2 =	vld [tilespmem:$0x60]  }
0x71: {  	v3 =	vld [tilespmem:$0x100]  }
0x72: {  	v4 =	vld [tilespmem:$0x70]  }
0x73: {  	v5 =	vld [tilespmem:$0x110];
	vm0 =	vlt.s32 v0, $0x1FF  }
0x74: {  	v6 =	vld [tilespmem:$0x80];
	vm7 =	vlt.s32 v1, $0x1FF;
	v0 =	vnsel vm0, $0x1FF, v0  }
0x75: {  	vm8 =	vlt.s32 v2, $0x1FF;
	[tilespmem:$0x50] =	vst v0;
	v0 =	vnsel vm7, $0x1FF, v1;
	v1 =	vld [tilespmem:$0x120]  }
0x76: {  	vm9 =	vlt.s32 v3, $0x1FF;
	[tilespmem:$0xF0] =	vst v0;
	v0 =	vnsel vm8, $0x1FF, v2;
	v2 =	vld [tilespmem:$0x90]  }
0x77: {  	vm10 =	vlt.s32 v4, $0x1FF;
	[tilespmem:$0x60] =	vst v0;
	v0 =	vnsel vm9, $0x1FF, v3;
	v3 =	vld [tilespmem:$0x130]  }
0x78: {  	vm11 =	vlt.s32 v5, $0x1FF;
	[tilespmem:$0x100] =	vst v0;
	v0 =	vnsel vm10, $0x1FF, v4  }
0x79: {  	vm12 =	vlt.s32 v6, $0x1FF;
	[tilespmem:$0x70] =	vst v0;
	v0 =	vnsel vm11, $0x1FF, v5  }
0x7a: {  	[tilespmem:$0x110] =	vst v0;
	v0 =	vnsel vm12, $0x1FF, v6;
	vm13 =	vlt.s32 v1, $0x1FF  }
0x7b: {  	[tilespmem:$0x80] =	vst v0;
	v0 =	vnsel vm13, $0x1FF, v1;
	vm14 =	vlt.s32 v2, $0x1FF  }
0x7c: {  	[tilespmem:$0x120] =	vst v0;
	v0 =	vnsel vm14, $0x1FF, v2;
	vm15 =	vlt.s32 v3, $0x1FF  }
0x7d: {  	[tilespmem:$0x90] =	vst v0;
	v0 =	vnsel vm15, $0x1FF, v3  }
0x7e: {  	[tilespmem:$0x130] =	vst v0  }
0x7f: {  	[tilespmem:s2], [sflag:$0x2] =	stream.indirect.gather [hbm4b:s1+s24], $0x80, s24, s24, $0xb8;
	[tilespmem:$0xF140] =	vst v63  }
0x80: {  	_ = 	snop  }
0x81: {  	[tilespmem:s0], [sflag:$0x2] =	stream.indirect.gather [hbm4b:s3+s24], $0x80, s28, s24, $0xb8;
	[tilespmem:$0xF140] =	vst v63  }
0x82: {  	_ =	swait.ge [sflag:s5], $0x2800  }
0x83: {  	[sflag:s5] =	ssyncset.done $0x0  }
0x84: {  	[sflag:s5] =	ssyncadd.s32 $0xFFFFD800  }
0x85: {  	[tilespmem:s4], [sflag:$0x1] =	stream.linear.gather [hbm4b:s12+s4], $0x50, $0x38;
	[tilespmem:$0xF140] =	vst v63  }
0x86: {  	_ = 	snop  }
0x87: {  	[tilespmem:s22], [sflag:$0x1] =	stream.linear.gather [hbm4b:s13+s4], $0x50, $0x38;
	[tilespmem:$0xF140] =	vst v63  }
0x88: {  	_ = 	snop  }
0x89: {  	[tilespmem:s31], [sflag:$0x1] =	stream.linear.gather [hbm4b:s14+s4], $0x2800, $0x38;
	[tilespmem:$0xF140] =	vst v63  }
0x8a: {  	_ =	swait.ge [sflag:s30], $0x2800  }
0x8b: {  	[sflag:s30] =	ssyncset.done $0x0  }
0x8c: {  	[sflag:s30] =	ssyncadd.s32 $0xFFFFD800  }
0x8d: {  	_ =	swait.ge [sflag:s30], $0x2800  }
0x8e: {  	[sflag:s30] =	ssyncset.done $0x0  }
0x8f: {  	s11 =	simm.s32 $0x7970;
	[sflag:s30] =	ssyncadd.s32 $0xFFFFD800  }
0x90: {  	s7 =	simm.s32 $0xC970;
	v1 =	vld [tilespmem:s11+$0x0]  }
0x91: {  	v2 =	vld [tilespmem:s7+$0x0]  }
0x92: {  	v3 =	vld [tilespmem:s11+$0xFFFFFFE0]  }
0x93: {  	v61 =	vld [tilespmem:s7+$0xFFFFFFE0]  }
0x94: {  	v62 =	vld [tilespmem:s11+$0xFFFFFFF0]  }
0x95: {  	v63 =	vld [tilespmem:s7+$0xFFFFFFF0]  }
0x96: {  	v0 =	vld [tilespmem:s7+$0xFFFFFFD0]  }
0x97: {  	v1 =	vadd.f32 v2, v1;
	v2 =	vld [tilespmem:s11+$0xFFFFFFD0];
	_ =	sdelay $0x1  }
0x98: {  	s8 =	simm.s32 $0x2940;
	v3 =	vadd.f32 v61, v3  }
0x99: {  	[tilespmem:s8+$0x30] =	vst.add.f32.msk $0xffff, v1  }
0x9a: {  	s10 =	simm.s32 $0x2940;
	s9 =	simm.s32 $0x0;
	s11 =	simm.s32 $0x79B0;
	[tilespmem:s8+$0x10] =	vst.add.f32.msk $0xffff, v3;
	v1 =	vadd.f32 v63, v62  }
.LBB2_4:
0x9b: {  	v3 =	vld [tilespmem:s11+$0x0];
	v4 =	vadd.f32 v0, v2;
	s7 =	sadd.s32 $0x40, s7  }
0x9c: {  	s9 =	sadd.s32 $0x4, s9;
	v2 =	vld [tilespmem:s7+$0x0]  }
0x9d: {  	p0 =	slt.u32 s9, $0x27C;
	v0 =	vld [tilespmem:s7+$0xFFFFFFD0]  }
0x9e: {  	v5 =	vld [tilespmem:s11+$0xFFFFFFE0]  }
0x9f: {  	v6 =	vld [tilespmem:s7+$0xFFFFFFE0]  }
0xa0: {  	v7 =	vld [tilespmem:s11+$0xFFFFFFF0]  }
0xa1: {  	v8 =	vld [tilespmem:s7+$0xFFFFFFF0];
	v3 =	vadd.f32 v2, v3  }
.Ltmp1:
0xa2: {  	s8 =	sadd.s32 $0x40, s8;
	v2 =	vld [tilespmem:s11+$0xFFFFFFD0];
	(pc) =	sbr.rel @p0 .LBB2_4-.Ltmp1, $4  }
0xa3: {  	[tilespmem:s8+$0x30] =	vst.add.f32.msk $0xffff, v3  }
0xa4: {  	v3 =	vadd.f32 v6, v5;
	[tilespmem:s10+$0x0] =	vst.add.f32.msk $0xffff, v4  }
0xa5: {  	[tilespmem:s10+$0x20] =	vst.add.f32.msk $0xffff, v1;
	s10 =	smov.u32 s8  }
0xa6: {  	s11 =	sadd.s32 $0x40, s11;
	[tilespmem:s8+$0x10] =	vst.add.f32.msk $0xffff, v3;
	v1 =	vadd.f32 v8, v7  }
0xa7: {  	v0 =	vadd.f32 v0, v2  }
0xa8: {  	[tilespmem:s10+$0x20] =	vst.add.f32.msk $0xffff, v1  }
0xa9: {  	[tilespmem:s10+$0x0] =	vst.add.f32.msk $0xffff, v0  }
0xaa: {  	[hbm4b:s15+s4] =	stream.linear.scatter [tilespmem:s29], [sflag:$0x3], $0x2800, $0x38;
	[tilespmem:$0xF140] =	vst v63  }
0xab: {  	_ =	swait.ge [sflag:s23], $0x50  }
0xac: {  	[sflag:s23] =	ssyncset.done $0x0  }
0xad: {  	[sflag:s23] =	ssyncadd.s32 $0xFFFFFFB0  }
0xae: {  	_ =	swait.ge [sflag:s23], $0x50  }
0xaf: {  	[sflag:s23] =	ssyncset.done $0x0  }
0xb0: {  	[sflag:s23] =	ssyncadd.s32 $0xFFFFFFB0  }
0xb1: {  	_ =	swait.ge [sflag:s23], $0x2800  }
0xb2: {  	[sflag:s23] =	ssyncset.done $0x0  }
0xb3: {  	[sflag:s23] =	ssyncadd.s32 $0xFFFFD800  }
0xb4: {  	v0 =	vld [tilespmem:$0x0]  }
0xb5: {  	v1 =	vld [tilespmem:$0xA0]  }
0xb6: {  	v2 =	vld [tilespmem:$0x10]  }
0xb7: {  	v3 =	vld [tilespmem:$0xB0]  }
0xb8: {  	v4 =	vld [tilespmem:$0x20]  }
0xb9: {  	v5 =	vld [tilespmem:$0xC0];
	vm0 =	vlt.s32 v0, $0x1FF  }
0xba: {  	v6 =	vld [tilespmem:$0x30];
	vm7 =	vlt.s32 v1, $0x1FF;
	v0 =	vnsel vm0, $0x1FF, v0  }
0xbb: {  	vm8 =	vlt.s32 v2, $0x1FF;
	[tilespmem:$0x0] =	vst v0;
	v0 =	vnsel vm7, $0x1FF, v1;
	v1 =	vld [tilespmem:$0xD0]  }
0xbc: {  	vm9 =	vlt.s32 v3, $0x1FF;
	[tilespmem:$0xA0] =	vst v0;
	v0 =	vnsel vm8, $0x1FF, v2;
	v2 =	vld [tilespmem:$0x40]  }
0xbd: {  	vm10 =	vlt.s32 v4, $0x1FF;
	[tilespmem:$0x10] =	vst v0;
	v0 =	vnsel vm9, $0x1FF, v3;
	v3 =	vld [tilespmem:$0xE0]  }
0xbe: {  	vm11 =	vlt.s32 v5, $0x1FF;
	[tilespmem:$0xB0] =	vst v0;
	v0 =	vnsel vm10, $0x1FF, v4  }
0xbf: {  	vm12 =	vlt.s32 v6, $0x1FF;
	[tilespmem:$0x20] =	vst v0;
	v0 =	vnsel vm11, $0x1FF, v5  }
0xc0: {  	[tilespmem:$0xC0] =	vst v0;
	v0 =	vnsel vm12, $0x1FF, v6;
	vm13 =	vlt.s32 v1, $0x1FF  }
0xc1: {  	[tilespmem:$0x30] =	vst v0;
	v0 =	vnsel vm13, $0x1FF, v1;
	vm14 =	vlt.s32 v2, $0x1FF  }
0xc2: {  	[tilespmem:$0xD0] =	vst v0;
	v0 =	vnsel vm14, $0x1FF, v2;
	vm15 =	vlt.s32 v3, $0x1FF  }
0xc3: {  	[tilespmem:$0x40] =	vst v0;
	v0 =	vnsel vm15, $0x1FF, v3  }
0xc4: {  	[tilespmem:$0xE0] =	vst v0  }
0xc5: {  	[tilespmem:s25], [sflag:$0x2] =	stream.indirect.gather [hbm4b:s1+s24], $0x80, s4, s24, $0xb8;
	[tilespmem:$0xF140] =	vst v63  }
0xc6: {  	_ = 	snop  }
0xc7: {  	[tilespmem:s26], [sflag:$0x2] =	stream.indirect.gather [hbm4b:s3+s24], $0x80, s22, s24, $0xb8;
	[tilespmem:$0xF140] =	vst v63  }
0xc8: {  	_ =	swait.ge [sflag:s5], $0x2800  }
0xc9: {  	[sflag:s5] =	ssyncset.done $0x0  }
0xca: {  	[sflag:s5] =	ssyncadd.s32 $0xFFFFD800  }
0xcb: {  	[tilespmem:s24], [sflag:$0x1] =	stream.linear.gather [hbm4b:s16+s4], $0x50, $0x38;
	[tilespmem:$0xF140] =	vst v63  }
0xcc: {  	_ = 	snop  }
0xcd: {  	[tilespmem:s28], [sflag:$0x1] =	stream.linear.gather [hbm4b:s17+s4], $0x50, $0x38;
	[tilespmem:$0xF140] =	vst v63  }
0xce: {  	_ = 	snop  }
0xcf: {  	[tilespmem:s29], [sflag:$0x1] =	stream.linear.gather [hbm4b:s18+s4], $0x2800, $0x38;
	[tilespmem:$0xF140] =	vst v63  }
0xd0: {  	_ =	swait.ge [sflag:s30], $0x2800  }
0xd1: {  	[sflag:s30] =	ssyncset.done $0x0  }
0xd2: {  	[sflag:s30] =	ssyncadd.s32 $0xFFFFD800  }
0xd3: {  	_ =	swait.ge [sflag:s30], $0x2800  }
0xd4: {  	[sflag:s30] =	ssyncset.done $0x0  }
0xd5: {  	s9 =	simm.s32 $0x5160;
	[sflag:s30] =	ssyncadd.s32 $0xFFFFD800  }
0xd6: {  	s7 =	simm.s32 $0xA160;
	v1 =	vld [tilespmem:s9+$0x10]  }
0xd7: {  	v2 =	vld [tilespmem:s7+$0x10]  }
0xd8: {  	v3 =	vld [tilespmem:s9+$0xFFFFFFF0]  }
0xd9: {  	v61 =	vld [tilespmem:s7+$0xFFFFFFF0]  }
0xda: {  	v62 =	vld [tilespmem:s9+$0x0]  }
0xdb: {  	v63 =	vld [tilespmem:s7+$0x0]  }
0xdc: {  	v0 =	vld [tilespmem:s7+$0xFFFFFFE0]  }
0xdd: {  	v1 =	vadd.f32 v2, v1;
	v2 =	vld [tilespmem:s9+$0xFFFFFFE0];
	_ =	sdelay $0x1  }
0xde: {  	s8 =	simm.s32 $0x140;
	v3 =	vadd.f32 v61, v3  }
0xdf: {  	[tilespmem:s8+$0x30] =	vst.add.f32.msk $0xffff, v1  }
0xe0: {  	s11 =	simm.s32 $0x51A0;
	s10 =	simm.s32 $0x140;
	s9 =	simm.s32 $0x0;
	[tilespmem:s8+$0x10] =	vst.add.f32.msk $0xffff, v3;
	v1 =	vadd.f32 v63, v62  }
.LBB2_6:
0xe1: {  	v3 =	vld [tilespmem:s11+$0x10];
	v4 =	vadd.f32 v0, v2;
	s7 =	sadd.s32 $0x40, s7  }
0xe2: {  	s9 =	sadd.s32 $0x4, s9;
	v2 =	vld [tilespmem:s7+$0x10]  }
0xe3: {  	p0 =	slt.u32 s9, $0x27C;
	v0 =	vld [tilespmem:s7+$0xFFFFFFE0]  }
0xe4: {  	v5 =	vld [tilespmem:s11+$0xFFFFFFF0]  }
0xe5: {  	v6 =	vld [tilespmem:s7+$0xFFFFFFF0]  }
0xe6: {  	v7 =	vld [tilespmem:s11+$0x0]  }
0xe7: {  	v8 =	vld [tilespmem:s7+$0x0];
	v3 =	vadd.f32 v2, v3  }
.Ltmp2:
0xe8: {  	s8 =	sadd.s32 $0x40, s8;
	v2 =	vld [tilespmem:s11+$0xFFFFFFE0];
	(pc) =	sbr.rel @p0 .LBB2_6-.Ltmp2, $4  }
0xe9: {  	[tilespmem:s8+$0x30] =	vst.add.f32.msk $0xffff, v3  }
0xea: {  	v3 =	vadd.f32 v6, v5;
	[tilespmem:s10+$0x0] =	vst.add.f32.msk $0xffff, v4  }
0xeb: {  	[tilespmem:s10+$0x20] =	vst.add.f32.msk $0xffff, v1;
	s10 =	smov.u32 s8  }
0xec: {  	s11 =	sadd.s32 $0x40, s11;
	[tilespmem:s8+$0x10] =	vst.add.f32.msk $0xffff, v3;
	v1 =	vadd.f32 v8, v7  }
0xed: {  	v0 =	vadd.f32 v0, v2  }
0xee: {  	[tilespmem:s10+$0x20] =	vst.add.f32.msk $0xffff, v1  }
0xef: {  	[tilespmem:s10+$0x0] =	vst.add.f32.msk $0xffff, v0  }
0xf0: {  	[hbm4b:s19+s4] =	stream.linear.scatter [tilespmem:s31], [sflag:$0x3], $0x2800, $0x38;
	[tilespmem:$0xF140] =	vst v63  }
0xf1: {  	_ =	swait.ge [sflag:s23], $0x50  }
0xf2: {  	[sflag:s23] =	ssyncset.done $0x0  }
0xf3: {  	[sflag:s23] =	ssyncadd.s32 $0xFFFFFFB0  }
0xf4: {  	_ =	swait.ge [sflag:s23], $0x50  }
0xf5: {  	[sflag:s23] =	ssyncset.done $0x0  }
0xf6: {  	[sflag:s23] =	ssyncadd.s32 $0xFFFFFFB0  }
0xf7: {  	_ =	swait.ge [sflag:s23], $0x2800  }
0xf8: {  	[sflag:s23] =	ssyncset.done $0x0  }
0xf9: {  	[sflag:s23] =	ssyncadd.s32 $0xFFFFD800  }
0xfa: {  	v0 =	vld [tilespmem:$0x50]  }
0xfb: {  	v1 =	vld [tilespmem:$0xF0]  }
0xfc: {  	v2 =	vld [tilespmem:$0x60]  }
0xfd: {  	v3 =	vld [tilespmem:$0x100]  }
0xfe: {  	v4 =	vld [tilespmem:$0x70]  }
0xff: {  	v5 =	vld [tilespmem:$0x110];
	vm0 =	vlt.s32 v0, $0x1FF  }
0x100: {  	v6 =	vld [tilespmem:$0x80];
	vm7 =	vlt.s32 v1, $0x1FF;
	v0 =	vnsel vm0, $0x1FF, v0  }
0x101: {  	vm8 =	vlt.s32 v2, $0x1FF;
	[tilespmem:$0x50] =	vst v0;
	v0 =	vnsel vm7, $0x1FF, v1;
	v1 =	vld [tilespmem:$0x120]  }
0x102: {  	vm9 =	vlt.s32 v3, $0x1FF;
	[tilespmem:$0xF0] =	vst v0;
	v0 =	vnsel vm8, $0x1FF, v2;
	v2 =	vld [tilespmem:$0x90]  }
0x103: {  	vm10 =	vlt.s32 v4, $0x1FF;
	[tilespmem:$0x60] =	vst v0;
	v0 =	vnsel vm9, $0x1FF, v3;
	v3 =	vld [tilespmem:$0x130]  }
0x104: {  	vm11 =	vlt.s32 v5, $0x1FF;
	[tilespmem:$0x100] =	vst v0;
	v0 =	vnsel vm10, $0x1FF, v4  }
0x105: {  	vm12 =	vlt.s32 v6, $0x1FF;
	[tilespmem:$0x70] =	vst v0;
	v0 =	vnsel vm11, $0x1FF, v5  }
0x106: {  	[tilespmem:$0x110] =	vst v0;
	v0 =	vnsel vm12, $0x1FF, v6;
	vm13 =	vlt.s32 v1, $0x1FF  }
0x107: {  	[tilespmem:$0x80] =	vst v0;
	v0 =	vnsel vm13, $0x1FF, v1;
	vm14 =	vlt.s32 v2, $0x1FF  }
0x108: {  	[tilespmem:$0x120] =	vst v0;
	v0 =	vnsel vm14, $0x1FF, v2;
	vm15 =	vlt.s32 v3, $0x1FF  }
0x109: {  	[tilespmem:$0x90] =	vst v0;
	v0 =	vnsel vm15, $0x1FF, v3  }
0x10a: {  	[tilespmem:$0x130] =	vst v0  }
0x10b: {  	[tilespmem:s2], [sflag:$0x2] =	stream.indirect.gather [hbm4b:s1+s24], $0x80, s24, s24, $0xb8;
	[tilespmem:$0xF140] =	vst v63  }
0x10c: {  	_ = 	snop  }
0x10d: {  	[tilespmem:s0], [sflag:$0x2] =	stream.indirect.gather [hbm4b:s3+s24], $0x80, s28, s24, $0xb8;
	[tilespmem:$0xF140] =	vst v63  }
0x10e: {  	_ =	swait.ge [sflag:s30], $0x2800  }
0x10f: {  	[sflag:s30] =	ssyncset.done $0x0  }
0x110: {  	[sflag:s30] =	ssyncadd.s32 $0xFFFFD800  }
0x111: {  	_ =	swait.ge [sflag:s30], $0x2800  }
0x112: {  	[sflag:s30] =	ssyncset.done $0x0  }
0x113: {  	s9 =	simm.s32 $0x7970;
	[sflag:s30] =	ssyncadd.s32 $0xFFFFD800  }
0x114: {  	s7 =	simm.s32 $0xC970;
	v1 =	vld [tilespmem:s9+$0x0]  }
0x115: {  	v2 =	vld [tilespmem:s7+$0x0]  }
0x116: {  	v3 =	vld [tilespmem:s9+$0xFFFFFFE0]  }
0x117: {  	v61 =	vld [tilespmem:s7+$0xFFFFFFE0]  }
0x118: {  	v62 =	vld [tilespmem:s9+$0xFFFFFFF0]  }
0x119: {  	v63 =	vld [tilespmem:s7+$0xFFFFFFF0]  }
0x11a: {  	v0 =	vld [tilespmem:s7+$0xFFFFFFD0]  }
0x11b: {  	v1 =	vadd.f32 v2, v1;
	v2 =	vld [tilespmem:s9+$0xFFFFFFD0];
	_ =	sdelay $0x1  }
0x11c: {  	s8 =	simm.s32 $0x2940;
	v3 =	vadd.f32 v61, v3  }
0x11d: {  	[tilespmem:s8+$0x30] =	vst.add.f32.msk $0xffff, v1  }
0x11e: {  	s11 =	simm.s32 $0x79B0;
	s10 =	simm.s32 $0x2940;
	s9 =	simm.s32 $0x0;
	[tilespmem:s8+$0x10] =	vst.add.f32.msk $0xffff, v3;
	v1 =	vadd.f32 v63, v62  }
.LBB2_8:
0x11f: {  	v3 =	vld [tilespmem:s11+$0x0];
	v4 =	vadd.f32 v0, v2;
	s7 =	sadd.s32 $0x40, s7  }
0x120: {  	s9 =	sadd.s32 $0x4, s9;
	v2 =	vld [tilespmem:s7+$0x0]  }
0x121: {  	p0 =	slt.u32 s9, $0x27C;
	v0 =	vld [tilespmem:s7+$0xFFFFFFD0]  }
0x122: {  	v5 =	vld [tilespmem:s11+$0xFFFFFFE0]  }
0x123: {  	v6 =	vld [tilespmem:s7+$0xFFFFFFE0]  }
0x124: {  	v7 =	vld [tilespmem:s11+$0xFFFFFFF0]  }
0x125: {  	v8 =	vld [tilespmem:s7+$0xFFFFFFF0];
	v3 =	vadd.f32 v2, v3  }
.Ltmp3:
0x126: {  	s8 =	sadd.s32 $0x40, s8;
	v2 =	vld [tilespmem:s11+$0xFFFFFFD0];
	(pc) =	sbr.rel @p0 .LBB2_8-.Ltmp3, $4  }
0x127: {  	[tilespmem:s8+$0x30] =	vst.add.f32.msk $0xffff, v3  }
0x128: {  	v3 =	vadd.f32 v6, v5;
	[tilespmem:s10+$0x0] =	vst.add.f32.msk $0xffff, v4  }
0x129: {  	[tilespmem:s10+$0x20] =	vst.add.f32.msk $0xffff, v1;
	s10 =	smov.u32 s8  }
0x12a: {  	s11 =	sadd.s32 $0x40, s11;
	[tilespmem:s8+$0x10] =	vst.add.f32.msk $0xffff, v3;
	v1 =	vadd.f32 v8, v7  }
0x12b: {  	v0 =	vadd.f32 v0, v2  }
0x12c: {  	[tilespmem:s10+$0x20] =	vst.add.f32.msk $0xffff, v1  }
0x12d: {  	s6 =	sadd.s32 $0x1, s6;
	[tilespmem:s10+$0x0] =	vst.add.f32.msk $0xffff, v0  }
0x12e: {  	[hbm4b:s20+s4] =	stream.linear.scatter [tilespmem:s29], [sflag:$0x3], $0x2800, $0x38;
	[tilespmem:$0xF140] =	vst v63  }
0x12f: {  	p0 =	sne.s32 s6, s21;
	_ =	swait.ge [sflag:s5], $0x2800  }
.Ltmp4:
0x130: {  	[sflag:s5] =	ssyncset.done $0x0;
	(pc) =	sbr.rel @p0 .LBB2_1-.Ltmp4, $4  }
0x131: {  	[sflag:s5] =	ssyncadd.s32 $0xFFFFD800  }
0x132: {  	_ =	swait.ge [sflag:s5], $0x2800  }
0x133: {  	[sflag:s5] =	ssyncset.done $0x0  }
0x134: {  	[sflag:s5] =	ssyncadd.s32 $0xFFFFD800  }
0x135: {  	_ =	sfence.sel $0x180000  }
0x136: {  	[bflag:$0x0] =	sbarrier.arrive $0xFFFF  }
0x137: {  	_ =	strace $0x9000004A  }
0x138: {  	s0 =	stileid.u32;
	[bflag:$0x2] =	sbarrier.arrive $0xFFFF  }
0x139: {  	p0 =	sne.s32 s0, $0x0;
	s0 =	rddreg [dreg:$0x5]  }
0x13a: {  	s0 =	sadd.s32 @!p0 $0x100000, s0  }
0x13b: {  	[sflag:s0] =	ssyncadd.tile.s32 @!p0 $0x1;
	_ =	shalt  }
.Lfunc_end2:
_tile_overlayer_lowered:
.L_overlay_start_2:
0x13c: {  	(tag) =	ssettag $0x2  }
0x13d: {  	s0 =	rddreg [dreg:$0x0];
	s2 =	stileid.u32  }
0x13e: {  	s1 =	rddreg [dreg:$0x1];
	p0 =	sne.s32 s2, $0x0  }
0x13f: {  	s3 =	rddreg [dreg:$0x2];
	[bflag:$0x3] =	sbarrier.arrive $0xFFFF;
	s2 =	simm.s32 @!p0 $0x1C04  }
0x140: {  	[timem:s3], [sflag:s2] =	dma.local @!p0 [hbm:s0], s1  }
0x141: {  	s0 =	simm.s32 @!p0 $0x4  }
0x142: {  	_ =	swait.ge @!p0 [sflag:s0], s1  }
0x143: {  	s1 =	ssub.s32 @!p0 $0x0, s1;
	[sflag:s0] =	ssyncset.done @!p0 $0x0  }
0x144: {  	[sflag:s0] =	ssyncadd.s32 @!p0 s1  }
0x145: {  	[bflag:$0x3] =	sbarrier.arrive $0xFFFF  }
0x146: {  	_ =	shalt  }

</sc_bundles>
